<compile_context>
chip_gen: v7x
topology: tpu7x:2x2x1
jax: 0.10.2.dev20260603
libtpu: 0.0.44.dev20260713+nightly
codegen_flags: <defaults>
</compile_context>

<pallas_src>
import functools

import jax
import jax.numpy as jnp
from jax import lax
from jax.experimental import pallas as pl
from jax.experimental.pallas import tpu as pltpu
from jax.experimental.pallas import tpu_sc as plsc

B = 16384
S = 50
D = 32
L = 16
NC, NS = 2, 16
NW = NC * NS
RW = B // NW
GB = 128
SP = 56
KB = RW // GB


def _make_sc_call():
  mesh = plsc.VectorSubcoreMesh(core_axis_name="c", subcore_axis_name="s")

  @functools.partial(
      pl.kernel,
      out_type=jax.ShapeDtypeStruct((B, 128), jnp.float32),
      mesh=mesh,
      compiler_params=pltpu.CompilerParams(needs_layout_passes=False,
                                           use_tc_tiling_on_sc=False),
      scratch_types=[
          pltpu.VMEM((RW, SP), jnp.int32),
          pltpu.VMEM((S, KB, GB), jnp.int32),
          pltpu.VMEM((RW, D), jnp.float32),
          pltpu.VMEM((RW,), jnp.float32),
          pltpu.VMEM((RW,), jnp.float32),
          pltpu.VMEM((1, D), jnp.float32),
          pltpu.SemaphoreType.DMA,
      ],
  )
  def sc_kernel(idx_hbm, emb_hbm, out_hbm,
                idxr_v, idxt_v, acc_v, inv_v, nz_v, e0_v, sem):
    wid = lax.axis_index("s") * NC + lax.axis_index("c")
    row0 = pl.multiple_of(wid * RW, RW)

    pltpu.sync_copy(emb_hbm.at[pl.ds(0, 1)], e0_v)
    pltpu.sync_copy(idx_hbm.at[pl.ds(row0, RW), pl.ds(0, SP)], idxr_v)
    lanes = lax.iota(jnp.int32, L)

    for k in range(KB):
      for l in range(GB // L):
        rbase = k * GB + l * L
        idxt_v[0, k, pl.ds(l * L, L)] = plsc.load_gather(
            idxr_v, [lanes + rbase, jnp.zeros((L,), jnp.int32)])
    d0 = [pltpu.async_copy(emb_hbm.at[idxt_v.at[0, k]],
                           acc_v.at[pl.ds(k * GB, GB)], sem)
          for k in range(KB)]

    for k in range(KB):
      for l in range(GB // L):
        gbase = k * GB + l * L
        rvec = lanes + gbase

        def body(s, cnt, k=k, l=l, rvec=rvec):
          vals = plsc.load_gather(idxr_v, [rvec, jnp.full((L,), s, jnp.int32)])
          idxt_v[s, k, pl.ds(l * L, L)] = vals
          return cnt + (vals != 0).astype(jnp.int32)

        cnt0 = (idxt_v[0, k, pl.ds(l * L, L)] != 0).astype(jnp.int32)
        cnt = lax.fori_loop(1, S, body, cnt0)
        cntf = cnt.astype(jnp.float32)
        inv_v[pl.ds(gbase, L)] = jnp.where(cnt == 0, 0.0,
                                           1.0 / (cntf + 1e-8))
        nz_v[pl.ds(gbase, L)] = jnp.float32(S) - cntf

    for dd in d0:
      dd.wait()

    def fire(s, carry):
      for k in range(KB):
        pltpu.async_copy(emb_hbm.at[idxt_v.at[s, k]],
                         acc_v.at[pl.ds(k * GB, GB)], sem, add=True)
      return carry

    lax.fori_loop(1, S, fire, 0)

    def drain(i, carry):
      pltpu.make_async_copy(emb_hbm.at[idxt_v.at[0, 0]],
                            acc_v.at[pl.ds(0, GB)], sem).wait()
      return carry

    lax.fori_loop(0, (S - 1) * KB, drain, 0)

    e00 = e0_v[0, 0:L]
    e01 = e0_v[0, L:D]

    def row_body(r, carry):
      isplat = jnp.full((L,), r, jnp.int32)
      nz = plsc.load_gather(nz_v, [isplat])
      inv = plsc.load_gather(inv_v, [isplat])
      acc_v[r, 0:L] = (acc_v[r, 0:L] - nz * e00) * inv
      acc_v[r, L:D] = (acc_v[r, L:D] - nz * e01) * inv
      return carry

    lax.fori_loop(0, RW, row_body, 0)

    pltpu.sync_copy(acc_v, out_hbm.at[pl.ds(row0, RW), pl.ds(0, D)])

  return sc_kernel


_make_sc_call = functools.cache(_make_sc_call)


def kernel(indices, embeddings):
  idx_pad = jnp.pad(indices.astype(jnp.int32), ((0, 0), (0, 128 - S)))
  padded = _make_sc_call()(idx_pad, embeddings)
  return padded[:, :D]

# --- scband reference (transcript-rebuilt; emitter-appended) ---
"""Pipeline reference for scband-average-embedding-inputlayer-3582002724919 (READ-ONLY COPY).

The authoritative reference and input builder live on the scoring server;
editing this copy changes nothing except your own understanding.
"""

import jax, jax.numpy as jnp
import numpy as np

VOCAB = 1000000
EMBED = 32
PAD_VALUE = 0

def setup_inputs(seed: int = 0) -> dict:
    key = jax.random.key(seed)
    k1, k2 = jax.random.split(key)
    indices = jax.random.randint(k1, (16384, 50), 0, VOCAB, dtype=jnp.int64 if jax.config.jax_enable_x64 else jnp.int32)
    embeddings = jax.random.uniform(k2, (VOCAB, EMBED), dtype=jnp.float32, minval=-0.1, maxval=0.1)
    return {"indices": indices, "embeddings": embeddings}

def reference(indices, embeddings):
    # embedding lookup
    word_embeddings = jnp.take(embeddings, indices, axis=0)  # [B, L, D]
    # mask out pad tokens
    masks = (indices != PAD_VALUE)
    word_embeddings = word_embeddings * masks[..., None].astype(word_embeddings.dtype)
    # masked mean over sequence length
    sum_word_embeddings = jnp.sum(word_embeddings, axis=1)  # [B, D]
    sentence_lengths = jnp.sum(masks, axis=1, keepdims=True).astype(word_embeddings.dtype)  # [B, 1]
    sentence_embeddings = sum_word_embeddings / (sentence_lengths + 1e-8)
    return sentence_embeddings

if __name__ == "__main__":
    import jax
    _d = setup_inputs()
    print(jax.jit(kernel)(*tuple(_d.values())))

</pallas_src>

<mosaic_0001>
#map = affine_map<(d0, d1) -> (0, 0)>
module attributes {stable_mosaic.version = 14 : i64} {
  func.func @sc_kernel(%arg0: i32, %arg1: i32, %arg2: memref<16384x128xi32, #tpu.memory_space<hbm>>, %arg3: memref<1000000x32xf32, #tpu.memory_space<hbm>>, %arg4: memref<16384x128xf32, #tpu.memory_space<hbm>>, %arg5: memref<512x56xi32, #tpu.memory_space<vmem>>, %arg6: memref<50x4x128xi32, #tpu.memory_space<vmem>>, %arg7: memref<512x32xf32, #tpu.memory_space<vmem>>, %arg8: memref<512xf32, #tpu.memory_space<vmem>>, %arg9: memref<512xf32, #tpu.memory_space<vmem>>, %arg10: memref<1x32xf32, #tpu.memory_space<vmem>>, %arg11: memref<!tpu.dma_semaphore, #tpu.memory_space<semaphore_mem>>) attributes {dimension_semantics = [#tpu.dimension_semantics<core_parallel>, #tpu.dimension_semantics<subcore_parallel>], iteration_bounds = array<i64: 2, 16>, scalar_prefetch = 0 : i64, scratch_operands = 7 : i64, tpu.core_type = #tpu.core_type<sc_vector_subcore>, window_params = [{transform_indices = #map}, {transform_indices = #map}, {transform_indices = #map}]} {
    %mul3A = arith.constant 2 : i32
    %mul3A_0 = arith.muli %arg1, %mul3A : i32
    %add3A = arith.addi %mul3A_0, %arg0 : i32
    %mul3A_1 = arith.constant 512 : i32
    %mul3A_2 = arith.muli %add3A, %mul3A_1 : i32
    %multiple_of3A = tpu.assume_multiple %mul3A_2, 512 : i32
    "tpu.region"() ({
      %run_scoped3A = tpu.sem_alloc : memref<!tpu.dma_semaphore, #tpu.memory_space<semaphore_mem>>
      %dma_start3A_1735 = arith.constant 0 : i32
      %dma_start3A_1736 = arith.constant 0 : i32
      %dma_start3A_1737 = tpu.memref_slice %arg3[%dma_start3A_1735, %dma_start3A_1736] : memref<1000000x32xf32, #tpu.memory_space<hbm>> -> memref<1x32xf32, #tpu.memory_space<hbm>>
      %dma_start3A_1738 = arith.constant 0 : i32
      %dma_start3A_1739 = arith.constant 0 : i32
      %dma_start3A_1740 = tpu.memref_slice %arg3[%dma_start3A_1738, %dma_start3A_1739] : memref<1000000x32xf32, #tpu.memory_space<hbm>> -> memref<1x32xf32, #tpu.memory_space<hbm>>
      tpu.enqueue_dma source(%dma_start3A_1740 : memref<1x32xf32, #tpu.memory_space<hbm>>) target(%arg10 : memref<1x32xf32, #tpu.memory_space<vmem>>) target_semaphore(%run_scoped3A : memref<!tpu.dma_semaphore, #tpu.memory_space<semaphore_mem>>)
      %dma_wait3A_1741 = arith.constant 0 : i32
      %dma_wait3A_1742 = arith.constant 0 : i32
      %dma_wait3A_1743 = tpu.memref_slice %arg3[%dma_wait3A_1741, %dma_wait3A_1742] : memref<1000000x32xf32, #tpu.memory_space<hbm>> -> memref<1x32xf32, #tpu.memory_space<hbm>>
      %dma_wait3A_1744 = arith.constant 0 : i32
      %dma_wait3A_1745 = arith.constant 0 : i32
      %dma_wait3A_1746 = tpu.memref_slice %arg3[%dma_wait3A_1744, %dma_wait3A_1745] : memref<1000000x32xf32, #tpu.memory_space<hbm>> -> memref<1x32xf32, #tpu.memory_space<hbm>>
      tpu.wait_dma2 semaphore(%run_scoped3A : memref<!tpu.dma_semaphore, #tpu.memory_space<semaphore_mem>>) src(%dma_wait3A_1746 : memref<1x32xf32, #tpu.memory_space<hbm>>) dst(%arg10 : memref<1x32xf32, #tpu.memory_space<vmem>>)
      tpu.yield
    }) : () -> ()
    "tpu.region"() ({
      %run_scoped3A = tpu.sem_alloc : memref<!tpu.dma_semaphore, #tpu.memory_space<semaphore_mem>>
      %dma_start3A_1735 = arith.constant 0 : i32
      %dma_start3A_1736 = tpu.memref_slice %arg2[%multiple_of3A, %dma_start3A_1735] : memref<16384x128xi32, #tpu.memory_space<hbm>> -> memref<512x56xi32, #tpu.memory_space<hbm>>
      %dma_start3A_1737 = arith.constant 0 : i32
      %dma_start3A_1738 = tpu.memref_slice %arg2[%multiple_of3A, %dma_start3A_1737] : memref<16384x128xi32, #tpu.memory_space<hbm>> -> memref<512x56xi32, #tpu.memory_space<hbm>>
      tpu.enqueue_dma source(%dma_start3A_1738 : memref<512x56xi32, #tpu.memory_space<hbm>>) target(%arg5 : memref<512x56xi32, #tpu.memory_space<vmem>>) target_semaphore(%run_scoped3A : memref<!tpu.dma_semaphore, #tpu.memory_space<semaphore_mem>>)
      %dma_wait3A_1739 = arith.constant 0 : i32
      %dma_wait3A_1740 = tpu.memref_slice %arg2[%multiple_of3A, %dma_wait3A_1739] : memref<16384x128xi32, #tpu.memory_space<hbm>> -> memref<512x56xi32, #tpu.memory_space<hbm>>
      %dma_wait3A_1741 = arith.constant 0 : i32
      %dma_wait3A_1742 = tpu.memref_slice %arg2[%multiple_of3A, %dma_wait3A_1741] : memref<16384x128xi32, #tpu.memory_space<hbm>> -> memref<512x56xi32, #tpu.memory_space<hbm>>
      tpu.wait_dma2 semaphore(%run_scoped3A : memref<!tpu.dma_semaphore, #tpu.memory_space<semaphore_mem>>) src(%dma_wait3A_1742 : memref<512x56xi32, #tpu.memory_space<hbm>>) dst(%arg5 : memref<512x56xi32, #tpu.memory_space<vmem>>)
      tpu.yield
    }) : () -> ()
    %iota3A = tpu.iota {dimensions = array<i32: 0>} : vector<16xi32>
    %add3A_3 = arith.constant 0 : i32
    %add3A_4 = vector.broadcast %add3A_3 : i32 to vector<16xi32>
    %add3A_5 = arith.addi %iota3A, %add3A_4 : vector<16xi32>
    %broadcast_in_dim3A = arith.constant 0 : i32
    %broadcast_in_dim3A_6 = vector.broadcast %broadcast_in_dim3A : i32 to vector<16xi32>
    %gather3A = tpu.vector_load_idx %arg5[%add3A_5, %broadcast_in_dim3A_6] : memref<512x56xi32, #tpu.memory_space<vmem>>[vector<16xi32>, vector<16xi32>], vector<16xi32>,
    %swap3A = arith.constant 0 : i32
    %swap3A_7 = arith.constant 0 : i32
    %swap3A_8 = arith.index_cast %swap3A : i32 to index
    %swap3A_9 = arith.index_cast %swap3A_7 : i32 to index
    %swap3A_10 = arith.constant 0 : index
    %swap3A_11 = tpu.vector_load %arg6[%swap3A_8, %swap3A_9, %swap3A_10] {strides = array<i32>} : memref<50x4x128xi32, #tpu.memory_space<vmem>>, vector<16xi32>,
    tpu.vector_store %arg6[%swap3A_8, %swap3A_9, %swap3A_10], %gather3A {strides = array<i32>} : memref<50x4x128xi32, #tpu.memory_space<vmem>>, vector<16xi32>,
    %add3A_12 = arith.constant 16 : i32
    %add3A_13 = vector.broadcast %add3A_12 : i32 to vector<16xi32>
    %add3A_14 = arith.addi %iota3A, %add3A_13 : vector<16xi32>
    %broadcast_in_dim3A_15 = arith.constant 0 : i32
    %broadcast_in_dim3A_16 = vector.broadcast %broadcast_in_dim3A_15 : i32 to vector<16xi32>
    %gather3A_17 = tpu.vector_load_idx %arg5[%add3A_14, %broadcast_in_dim3A_16] : memref<512x56xi32, #tpu.memory_space<vmem>>[vector<16xi32>, vector<16xi32>], vector<16xi32>,
    %swap3A_18 = arith.constant 0 : i32
    %swap3A_19 = arith.constant 0 : i32
    %swap3A_20 = arith.index_cast %swap3A_18 : i32 to index
    %swap3A_21 = arith.index_cast %swap3A_19 : i32 to index
    %swap3A_22 = arith.constant 16 : index
    %swap3A_23 = tpu.vector_load %arg6[%swap3A_20, %swap3A_21, %swap3A_22] {strides = array<i32>} : memref<50x4x128xi32, #tpu.memory_space<vmem>>, vector<16xi32>,
    tpu.vector_store %arg6[%swap3A_20, %swap3A_21, %swap3A_22], %gather3A_17 {strides = array<i32>} : memref<50x4x128xi32, #tpu.memory_space<vmem>>, vector<16xi32>,
    %add3A_24 = arith.constant 32 : i32
    %add3A_25 = vector.broadcast %add3A_24 : i32 to vector<16xi32>
    %add3A_26 = arith.addi %iota3A, %add3A_25 : vector<16xi32>
    %broadcast_in_dim3A_27 = arith.constant 0 : i32
    %broadcast_in_dim3A_28 = vector.broadcast %broadcast_in_dim3A_27 : i32 to vector<16xi32>
    %gather3A_29 = tpu.vector_load_idx %arg5[%add3A_26, %broadcast_in_dim3A_28] : memref<512x56xi32, #tpu.memory_space<vmem>>[vector<16xi32>, vector<16xi32>], vector<16xi32>,
    %swap3A_30 = arith.constant 0 : i32
    %swap3A_31 = arith.constant 0 : i32
    %swap3A_32 = arith.index_cast %swap3A_30 : i32 to index
    %swap3A_33 = arith.index_cast %swap3A_31 : i32 to index
    %swap3A_34 = arith.constant 32 : index
    %swap3A_35 = tpu.vector_load %arg6[%swap3A_32, %swap3A_33, %swap3A_34] {strides = array<i32>} : memref<50x4x128xi32, #tpu.memory_space<vmem>>, vector<16xi32>,
    tpu.vector_store %arg6[%swap3A_32, %swap3A_33, %swap3A_34], %gather3A_29 {strides = array<i32>} : memref<50x4x128xi32, #tpu.memory_space<vmem>>, vector<16xi32>,
    %add3A_36 = arith.constant 48 : i32
    %add3A_37 = vector.broadcast %add3A_36 : i32 to vector<16xi32>
    %add3A_38 = arith.addi %iota3A, %add3A_37 : vector<16xi32>
    %broadcast_in_dim3A_39 = arith.constant 0 : i32
    %broadcast_in_dim3A_40 = vector.broadcast %broadcast_in_dim3A_39 : i32 to vector<16xi32>
    %gather3A_41 = tpu.vector_load_idx %arg5[%add3A_38, %broadcast_in_dim3A_40] : memref<512x56xi32, #tpu.memory_space<vmem>>[vector<16xi32>, vector<16xi32>], vector<16xi32>,
    %swap3A_42 = arith.constant 0 : i32
    %swap3A_43 = arith.constant 0 : i32
    %swap3A_44 = arith.index_cast %swap3A_42 : i32 to index
    %swap3A_45 = arith.index_cast %swap3A_43 : i32 to index
    %swap3A_46 = arith.constant 48 : index
    %swap3A_47 = tpu.vector_load %arg6[%swap3A_44, %swap3A_45, %swap3A_46] {strides = array<i32>} : memref<50x4x128xi32, #tpu.memory_space<vmem>>, vector<16xi32>,
    tpu.vector_store %arg6[%swap3A_44, %swap3A_45, %swap3A_46], %gather3A_41 {strides = array<i32>} : memref<50x4x128xi32, #tpu.memory_space<vmem>>, vector<16xi32>,
    %add3A_48 = arith.constant 64 : i32
    %add3A_49 = vector.broadcast %add3A_48 : i32 to vector<16xi32>
    %add3A_50 = arith.addi %iota3A, %add3A_49 : vector<16xi32>
    %broadcast_in_dim3A_51 = arith.constant 0 : i32
    %broadcast_in_dim3A_52 = vector.broadcast %broadcast_in_dim3A_51 : i32 to vector<16xi32>
    %gather3A_53 = tpu.vector_load_idx %arg5[%add3A_50, %broadcast_in_dim3A_52] : memref<512x56xi32, #tpu.memory_space<vmem>>[vector<16xi32>, vector<16xi32>], vector<16xi32>,
    %swap3A_54 = arith.constant 0 : i32
    %swap3A_55 = arith.constant 0 : i32
    %swap3A_56 = arith.index_cast %swap3A_54 : i32 to index
    %swap3A_57 = arith.index_cast %swap3A_55 : i32 to index
    %swap3A_58 = arith.constant 64 : index
    %swap3A_59 = tpu.vector_load %arg6[%swap3A_56, %swap3A_57, %swap3A_58] {strides = array<i32>} : memref<50x4x128xi32, #tpu.memory_space<vmem>>, vector<16xi32>,
    tpu.vector_store %arg6[%swap3A_56, %swap3A_57, %swap3A_58], %gather3A_53 {strides = array<i32>} : memref<50x4x128xi32, #tpu.memory_space<vmem>>, vector<16xi32>,
    %add3A_60 = arith.constant 80 : i32
    %add3A_61 = vector.broadcast %add3A_60 : i32 to vector<16xi32>
    %add3A_62 = arith.addi %iota3A, %add3A_61 : vector<16xi32>
    %broadcast_in_dim3A_63 = arith.constant 0 : i32
    %broadcast_in_dim3A_64 = vector.broadcast %broadcast_in_dim3A_63 : i32 to vector<16xi32>
    %gather3A_65 = tpu.vector_load_idx %arg5[%add3A_62, %broadcast_in_dim3A_64] : memref<512x56xi32, #tpu.memory_space<vmem>>[vector<16xi32>, vector<16xi32>], vector<16xi32>,
    %swap3A_66 = arith.constant 0 : i32
    %swap3A_67 = arith.constant 0 : i32
    %swap3A_68 = arith.index_cast %swap3A_66 : i32 to index
    %swap3A_69 = arith.index_cast %swap3A_67 : i32 to index
    %swap3A_70 = arith.constant 80 : index
    %swap3A_71 = tpu.vector_load %arg6[%swap3A_68, %swap3A_69, %swap3A_70] {strides = array<i32>} : memref<50x4x128xi32, #tpu.memory_space<vmem>>, vector<16xi32>,
    tpu.vector_store %arg6[%swap3A_68, %swap3A_69, %swap3A_70], %gather3A_65 {strides = array<i32>} : memref<50x4x128xi32, #tpu.memory_space<vmem>>, vector<16xi32>,
    %add3A_72 = arith.constant 96 : i32
    %add3A_73 = vector.broadcast %add3A_72 : i32 to vector<16xi32>
    %add3A_74 = arith.addi %iota3A, %add3A_73 : vector<16xi32>
    %broadcast_in_dim3A_75 = arith.constant 0 : i32
    %broadcast_in_dim3A_76 = vector.broadcast %broadcast_in_dim3A_75 : i32 to vector<16xi32>
    %gather3A_77 = tpu.vector_load_idx %arg5[%add3A_74, %broadcast_in_dim3A_76] : memref<512x56xi32, #tpu.memory_space<vmem>>[vector<16xi32>, vector<16xi32>], vector<16xi32>,
    %swap3A_78 = arith.constant 0 : i32
    %swap3A_79 = arith.constant 0 : i32
    %swap3A_80 = arith.index_cast %swap3A_78 : i32 to index
    %swap3A_81 = arith.index_cast %swap3A_79 : i32 to index
    %swap3A_82 = arith.constant 96 : index
    %swap3A_83 = tpu.vector_load %arg6[%swap3A_80, %swap3A_81, %swap3A_82] {strides = array<i32>} : memref<50x4x128xi32, #tpu.memory_space<vmem>>, vector<16xi32>,
    tpu.vector_store %arg6[%swap3A_80, %swap3A_81, %swap3A_82], %gather3A_77 {strides = array<i32>} : memref<50x4x128xi32, #tpu.memory_space<vmem>>, vector<16xi32>,
    %add3A_84 = arith.constant 112 : i32
    %add3A_85 = vector.broadcast %add3A_84 : i32 to vector<16xi32>
    %add3A_86 = arith.addi %iota3A, %add3A_85 : vector<16xi32>
    %broadcast_in_dim3A_87 = arith.constant 0 : i32
    %broadcast_in_dim3A_88 = vector.broadcast %broadcast_in_dim3A_87 : i32 to vector<16xi32>
    %gather3A_89 = tpu.vector_load_idx %arg5[%add3A_86, %broadcast_in_dim3A_88] : memref<512x56xi32, #tpu.memory_space<vmem>>[vector<16xi32>, vector<16xi32>], vector<16xi32>,
    %swap3A_90 = arith.constant 0 : i32
    %swap3A_91 = arith.constant 0 : i32
    %swap3A_92 = arith.index_cast %swap3A_90 : i32 to index
    %swap3A_93 = arith.index_cast %swap3A_91 : i32 to index
    %swap3A_94 = arith.constant 112 : index
    %swap3A_95 = tpu.vector_load %arg6[%swap3A_92, %swap3A_93, %swap3A_94] {strides = array<i32>} : memref<50x4x128xi32, #tpu.memory_space<vmem>>, vector<16xi32>,
    tpu.vector_store %arg6[%swap3A_92, %swap3A_93, %swap3A_94], %gather3A_89 {strides = array<i32>} : memref<50x4x128xi32, #tpu.memory_space<vmem>>, vector<16xi32>,
    %add3A_96 = arith.constant 128 : i32
    %add3A_97 = vector.broadcast %add3A_96 : i32 to vector<16xi32>
    %add3A_98 = arith.addi %iota3A, %add3A_97 : vector<16xi32>
    %broadcast_in_dim3A_99 = arith.constant 0 : i32
    %broadcast_in_dim3A_100 = vector.broadcast %broadcast_in_dim3A_99 : i32 to vector<16xi32>
    %gather3A_101 = tpu.vector_load_idx %arg5[%add3A_98, %broadcast_in_dim3A_100] : memref<512x56xi32, #tpu.memory_space<vmem>>[vector<16xi32>, vector<16xi32>], vector<16xi32>,
    %swap3A_102 = arith.constant 0 : i32
    %swap3A_103 = arith.constant 1 : i32
    %swap3A_104 = arith.index_cast %swap3A_102 : i32 to index
    %swap3A_105 = arith.index_cast %swap3A_103 : i32 to index
    %swap3A_106 = arith.constant 0 : index
    %swap3A_107 = tpu.vector_load %arg6[%swap3A_104, %swap3A_105, %swap3A_106] {strides = array<i32>} : memref<50x4x128xi32, #tpu.memory_space<vmem>>, vector<16xi32>,
    tpu.vector_store %arg6[%swap3A_104, %swap3A_105, %swap3A_106], %gather3A_101 {strides = array<i32>} : memref<50x4x128xi32, #tpu.memory_space<vmem>>, vector<16xi32>,
    %add3A_108 = arith.constant 144 : i32
    %add3A_109 = vector.broadcast %add3A_108 : i32 to vector<16xi32>
    %add3A_110 = arith.addi %iota3A, %add3A_109 : vector<16xi32>
    %broadcast_in_dim3A_111 = arith.constant 0 : i32
    %broadcast_in_dim3A_112 = vector.broadcast %broadcast_in_dim3A_111 : i32 to vector<16xi32>
    %gather3A_113 = tpu.vector_load_idx %arg5[%add3A_110, %broadcast_in_dim3A_112] : memref<512x56xi32, #tpu.memory_space<vmem>>[vector<16xi32>, vector<16xi32>], vector<16xi32>,
    %swap3A_114 = arith.constant 0 : i32
    %swap3A_115 = arith.constant 1 : i32
    %swap3A_116 = arith.index_cast %swap3A_114 : i32 to index
    %swap3A_117 = arith.index_cast %swap3A_115 : i32 to index
    %swap3A_118 = arith.constant 16 : index
    %swap3A_119 = tpu.vector_load %arg6[%swap3A_116, %swap3A_117, %swap3A_118] {strides = array<i32>} : memref<50x4x128xi32, #tpu.memory_space<vmem>>, vector<16xi32>,
    tpu.vector_store %arg6[%swap3A_116, %swap3A_117, %swap3A_118], %gather3A_113 {strides = array<i32>} : memref<50x4x128xi32, #tpu.memory_space<vmem>>, vector<16xi32>,
    %add3A_120 = arith.constant 160 : i32
    %add3A_121 = vector.broadcast %add3A_120 : i32 to vector<16xi32>
    %add3A_122 = arith.addi %iota3A, %add3A_121 : vector<16xi32>
    %broadcast_in_dim3A_123 = arith.constant 0 : i32
    %broadcast_in_dim3A_124 = vector.broadcast %broadcast_in_dim3A_123 : i32 to vector<16xi32>
    %gather3A_125 = tpu.vector_load_idx %arg5[%add3A_122, %broadcast_in_dim3A_124] : memref<512x56xi32, #tpu.memory_space<vmem>>[vector<16xi32>, vector<16xi32>], vector<16xi32>,
    %swap3A_126 = arith.constant 0 : i32
    %swap3A_127 = arith.constant 1 : i32
    %swap3A_128 = arith.index_cast %swap3A_126 : i32 to index
    %swap3A_129 = arith.index_cast %swap3A_127 : i32 to index
    %swap3A_130 = arith.constant 32 : index
    %swap3A_131 = tpu.vector_load %arg6[%swap3A_128, %swap3A_129, %swap3A_130] {strides = array<i32>} : memref<50x4x128xi32, #tpu.memory_space<vmem>>, vector<16xi32>,
    tpu.vector_store %arg6[%swap3A_128, %swap3A_129, %swap3A_130], %gather3A_125 {strides = array<i32>} : memref<50x4x128xi32, #tpu.memory_space<vmem>>, vector<16xi32>,
    %add3A_132 = arith.constant 176 : i32
    %add3A_133 = vector.broadcast %add3A_132 : i32 to vector<16xi32>
    %add3A_134 = arith.addi %iota3A, %add3A_133 : vector<16xi32>
    %broadcast_in_dim3A_135 = arith.constant 0 : i32
    %broadcast_in_dim3A_136 = vector.broadcast %broadcast_in_dim3A_135 : i32 to vector<16xi32>
    %gather3A_137 = tpu.vector_load_idx %arg5[%add3A_134, %broadcast_in_dim3A_136] : memref<512x56xi32, #tpu.memory_space<vmem>>[vector<16xi32>, vector<16xi32>], vector<16xi32>,
    %swap3A_138 = arith.constant 0 : i32
    %swap3A_139 = arith.constant 1 : i32
    %swap3A_140 = arith.index_cast %swap3A_138 : i32 to index
    %swap3A_141 = arith.index_cast %swap3A_139 : i32 to index
    %swap3A_142 = arith.constant 48 : index
    %swap3A_143 = tpu.vector_load %arg6[%swap3A_140, %swap3A_141, %swap3A_142] {strides = array<i32>} : memref<50x4x128xi32, #tpu.memory_space<vmem>>, vector<16xi32>,
    tpu.vector_store %arg6[%swap3A_140, %swap3A_141, %swap3A_142], %gather3A_137 {strides = array<i32>} : memref<50x4x128xi32, #tpu.memory_space<vmem>>, vector<16xi32>,
    %add3A_144 = arith.constant 192 : i32
    %add3A_145 = vector.broadcast %add3A_144 : i32 to vector<16xi32>
    %add3A_146 = arith.addi %iota3A, %add3A_145 : vector<16xi32>
    %broadcast_in_dim3A_147 = arith.constant 0 : i32
    %broadcast_in_dim3A_148 = vector.broadcast %broadcast_in_dim3A_147 : i32 to vector<16xi32>
    %gather3A_149 = tpu.vector_load_idx %arg5[%add3A_146, %broadcast_in_dim3A_148] : memref<512x56xi32, #tpu.memory_space<vmem>>[vector<16xi32>, vector<16xi32>], vector<16xi32>,
    %swap3A_150 = arith.constant 0 : i32
    %swap3A_151 = arith.constant 1 : i32
    %swap3A_152 = arith.index_cast %swap3A_150 : i32 to index
    %swap3A_153 = arith.index_cast %swap3A_151 : i32 to index
    %swap3A_154 = arith.constant 64 : index
    %swap3A_155 = tpu.vector_load %arg6[%swap3A_152, %swap3A_153, %swap3A_154] {strides = array<i32>} : memref<50x4x128xi32, #tpu.memory_space<vmem>>, vector<16xi32>,
    tpu.vector_store %arg6[%swap3A_152, %swap3A_153, %swap3A_154], %gather3A_149 {strides = array<i32>} : memref<50x4x128xi32, #tpu.memory_space<vmem>>, vector<16xi32>,
    %add3A_156 = arith.constant 208 : i32
    %add3A_157 = vector.broadcast %add3A_156 : i32 to vector<16xi32>
    %add3A_158 = arith.addi %iota3A, %add3A_157 : vector<16xi32>
    %broadcast_in_dim3A_159 = arith.constant 0 : i32
    %broadcast_in_dim3A_160 = vector.broadcast %broadcast_in_dim3A_159 : i32 to vector<16xi32>
    %gather3A_161 = tpu.vector_load_idx %arg5[%add3A_158, %broadcast_in_dim3A_160] : memref<512x56xi32, #tpu.memory_space<vmem>>[vector<16xi32>, vector<16xi32>], vector<16xi32>,
    %swap3A_162 = arith.constant 0 : i32
    %swap3A_163 = arith.constant 1 : i32
    %swap3A_164 = arith.index_cast %swap3A_162 : i32 to index
    %swap3A_165 = arith.index_cast %swap3A_163 : i32 to index
    %swap3A_166 = arith.constant 80 : index
    %swap3A_167 = tpu.vector_load %arg6[%swap3A_164, %swap3A_165, %swap3A_166] {strides = array<i32>} : memref<50x4x128xi32, #tpu.memory_space<vmem>>, vector<16xi32>,
    tpu.vector_store %arg6[%swap3A_164, %swap3A_165, %swap3A_166], %gather3A_161 {strides = array<i32>} : memref<50x4x128xi32, #tpu.memory_space<vmem>>, vector<16xi32>,
    %add3A_168 = arith.constant 224 : i32
    %add3A_169 = vector.broadcast %add3A_168 : i32 to vector<16xi32>
    %add3A_170 = arith.addi %iota3A, %add3A_169 : vector<16xi32>
    %broadcast_in_dim3A_171 = arith.constant 0 : i32
    %broadcast_in_dim3A_172 = vector.broadcast %broadcast_in_dim3A_171 : i32 to vector<16xi32>
    %gather3A_173 = tpu.vector_load_idx %arg5[%add3A_170, %broadcast_in_dim3A_172] : memref<512x56xi32, #tpu.memory_space<vmem>>[vector<16xi32>, vector<16xi32>], vector<16xi32>,
    %swap3A_174 = arith.constant 0 : i32
    %swap3A_175 = arith.constant 1 : i32
    %swap3A_176 = arith.index_cast %swap3A_174 : i32 to index
    %swap3A_177 = arith.index_cast %swap3A_175 : i32 to index
    %swap3A_178 = arith.constant 96 : index
    %swap3A_179 = tpu.vector_load %arg6[%swap3A_176, %swap3A_177, %swap3A_178] {strides = array<i32>} : memref<50x4x128xi32, #tpu.memory_space<vmem>>, vector<16xi32>,
    tpu.vector_store %arg6[%swap3A_176, %swap3A_177, %swap3A_178], %gather3A_173 {strides = array<i32>} : memref<50x4x128xi32, #tpu.memory_space<vmem>>, vector<16xi32>,
    %add3A_180 = arith.constant 240 : i32
    %add3A_181 = vector.broadcast %add3A_180 : i32 to vector<16xi32>
    %add3A_182 = arith.addi %iota3A, %add3A_181 : vector<16xi32>
    %broadcast_in_dim3A_183 = arith.constant 0 : i32
    %broadcast_in_dim3A_184 = vector.broadcast %broadcast_in_dim3A_183 : i32 to vector<16xi32>
    %gather3A_185 = tpu.vector_load_idx %arg5[%add3A_182, %broadcast_in_dim3A_184] : memref<512x56xi32, #tpu.memory_space<vmem>>[vector<16xi32>, vector<16xi32>], vector<16xi32>,
    %swap3A_186 = arith.constant 0 : i32
    %swap3A_187 = arith.constant 1 : i32
    %swap3A_188 = arith.index_cast %swap3A_186 : i32 to index
    %swap3A_189 = arith.index_cast %swap3A_187 : i32 to index
    %swap3A_190 = arith.constant 112 : index
    %swap3A_191 = tpu.vector_load %arg6[%swap3A_188, %swap3A_189, %swap3A_190] {strides = array<i32>} : memref<50x4x128xi32, #tpu.memory_space<vmem>>, vector<16xi32>,
    tpu.vector_store %arg6[%swap3A_188, %swap3A_189, %swap3A_190], %gather3A_185 {strides = array<i32>} : memref<50x4x128xi32, #tpu.memory_space<vmem>>, vector<16xi32>,
    %add3A_192 = arith.constant 256 : i32
    %add3A_193 = vector.broadcast %add3A_192 : i32 to vector<16xi32>
    %add3A_194 = arith.addi %iota3A, %add3A_193 : vector<16xi32>
    %broadcast_in_dim3A_195 = arith.constant 0 : i32
    %broadcast_in_dim3A_196 = vector.broadcast %broadcast_in_dim3A_195 : i32 to vector<16xi32>
    %gather3A_197 = tpu.vector_load_idx %arg5[%add3A_194, %broadcast_in_dim3A_196] : memref<512x56xi32, #tpu.memory_space<vmem>>[vector<16xi32>, vector<16xi32>], vector<16xi32>,
    %swap3A_198 = arith.constant 0 : i32
    %swap3A_199 = arith.constant 2 : i32
    %swap3A_200 = arith.index_cast %swap3A_198 : i32 to index
    %swap3A_201 = arith.index_cast %swap3A_199 : i32 to index
    %swap3A_202 = arith.constant 0 : index
    %swap3A_203 = tpu.vector_load %arg6[%swap3A_200, %swap3A_201, %swap3A_202] {strides = array<i32>} : memref<50x4x128xi32, #tpu.memory_space<vmem>>, vector<16xi32>,
    tpu.vector_store %arg6[%swap3A_200, %swap3A_201, %swap3A_202], %gather3A_197 {strides = array<i32>} : memref<50x4x128xi32, #tpu.memory_space<vmem>>, vector<16xi32>,
    %add3A_204 = arith.constant 272 : i32
    %add3A_205 = vector.broadcast %add3A_204 : i32 to vector<16xi32>
    %add3A_206 = arith.addi %iota3A, %add3A_205 : vector<16xi32>
    %broadcast_in_dim3A_207 = arith.constant 0 : i32
    %broadcast_in_dim3A_208 = vector.broadcast %broadcast_in_dim3A_207 : i32 to vector<16xi32>
    %gather3A_209 = tpu.vector_load_idx %arg5[%add3A_206, %broadcast_in_dim3A_208] : memref<512x56xi32, #tpu.memory_space<vmem>>[vector<16xi32>, vector<16xi32>], vector<16xi32>,
    %swap3A_210 = arith.constant 0 : i32
    %swap3A_211 = arith.constant 2 : i32
    %swap3A_212 = arith.index_cast %swap3A_210 : i32 to index
    %swap3A_213 = arith.index_cast %swap3A_211 : i32 to index
    %swap3A_214 = arith.constant 16 : index
    %swap3A_215 = tpu.vector_load %arg6[%swap3A_212, %swap3A_213, %swap3A_214] {strides = array<i32>} : memref<50x4x128xi32, #tpu.memory_space<vmem>>, vector<16xi32>,
    tpu.vector_store %arg6[%swap3A_212, %swap3A_213, %swap3A_214], %gather3A_209 {strides = array<i32>} : memref<50x4x128xi32, #tpu.memory_space<vmem>>, vector<16xi32>,
    %add3A_216 = arith.constant 288 : i32
    %add3A_217 = vector.broadcast %add3A_216 : i32 to vector<16xi32>
    %add3A_218 = arith.addi %iota3A, %add3A_217 : vector<16xi32>
    %broadcast_in_dim3A_219 = arith.constant 0 : i32
    %broadcast_in_dim3A_220 = vector.broadcast %broadcast_in_dim3A_219 : i32 to vector<16xi32>
    %gather3A_221 = tpu.vector_load_idx %arg5[%add3A_218, %broadcast_in_dim3A_220] : memref<512x56xi32, #tpu.memory_space<vmem>>[vector<16xi32>, vector<16xi32>], vector<16xi32>,
    %swap3A_222 = arith.constant 0 : i32
    %swap3A_223 = arith.constant 2 : i32
    %swap3A_224 = arith.index_cast %swap3A_222 : i32 to index
    %swap3A_225 = arith.index_cast %swap3A_223 : i32 to index
    %swap3A_226 = arith.constant 32 : index
    %swap3A_227 = tpu.vector_load %arg6[%swap3A_224, %swap3A_225, %swap3A_226] {strides = array<i32>} : memref<50x4x128xi32, #tpu.memory_space<vmem>>, vector<16xi32>,
    tpu.vector_store %arg6[%swap3A_224, %swap3A_225, %swap3A_226], %gather3A_221 {strides = array<i32>} : memref<50x4x128xi32, #tpu.memory_space<vmem>>, vector<16xi32>,
    %add3A_228 = arith.constant 304 : i32
    %add3A_229 = vector.broadcast %add3A_228 : i32 to vector<16xi32>
    %add3A_230 = arith.addi %iota3A, %add3A_229 : vector<16xi32>
    %broadcast_in_dim3A_231 = arith.constant 0 : i32
    %broadcast_in_dim3A_232 = vector.broadcast %broadcast_in_dim3A_231 : i32 to vector<16xi32>
    %gather3A_233 = tpu.vector_load_idx %arg5[%add3A_230, %broadcast_in_dim3A_232] : memref<512x56xi32, #tpu.memory_space<vmem>>[vector<16xi32>, vector<16xi32>], vector<16xi32>,
    %swap3A_234 = arith.constant 0 : i32
    %swap3A_235 = arith.constant 2 : i32
    %swap3A_236 = arith.index_cast %swap3A_234 : i32 to index
    %swap3A_237 = arith.index_cast %swap3A_235 : i32 to index
    %swap3A_238 = arith.constant 48 : index
    %swap3A_239 = tpu.vector_load %arg6[%swap3A_236, %swap3A_237, %swap3A_238] {strides = array<i32>} : memref<50x4x128xi32, #tpu.memory_space<vmem>>, vector<16xi32>,
    tpu.vector_store %arg6[%swap3A_236, %swap3A_237, %swap3A_238], %gather3A_233 {strides = array<i32>} : memref<50x4x128xi32, #tpu.memory_space<vmem>>, vector<16xi32>,
    %add3A_240 = arith.constant 320 : i32
    %add3A_241 = vector.broadcast %add3A_240 : i32 to vector<16xi32>
    %add3A_242 = arith.addi %iota3A, %add3A_241 : vector<16xi32>
    %broadcast_in_dim3A_243 = arith.constant 0 : i32
    %broadcast_in_dim3A_244 = vector.broadcast %broadcast_in_dim3A_243 : i32 to vector<16xi32>
    %gather3A_245 = tpu.vector_load_idx %arg5[%add3A_242, %broadcast_in_dim3A_244] : memref<512x56xi32, #tpu.memory_space<vmem>>[vector<16xi32>, vector<16xi32>], vector<16xi32>,
    %swap3A_246 = arith.constant 0 : i32
    %swap3A_247 = arith.constant 2 : i32
    %swap3A_248 = arith.index_cast %swap3A_246 : i32 to index
    %swap3A_249 = arith.index_cast %swap3A_247 : i32 to index
    %swap3A_250 = arith.constant 64 : index
    %swap3A_251 = tpu.vector_load %arg6[%swap3A_248, %swap3A_249, %swap3A_250] {strides = array<i32>} : memref<50x4x128xi32, #tpu.memory_space<vmem>>, vector<16xi32>,
    tpu.vector_store %arg6[%swap3A_248, %swap3A_249, %swap3A_250], %gather3A_245 {strides = array<i32>} : memref<50x4x128xi32, #tpu.memory_space<vmem>>, vector<16xi32>,
    %add3A_252 = arith.constant 336 : i32
    %add3A_253 = vector.broadcast %add3A_252 : i32 to vector<16xi32>
    %add3A_254 = arith.addi %iota3A, %add3A_253 : vector<16xi32>
    %broadcast_in_dim3A_255 = arith.constant 0 : i32
    %broadcast_in_dim3A_256 = vector.broadcast %broadcast_in_dim3A_255 : i32 to vector<16xi32>
    %gather3A_257 = tpu.vector_load_idx %arg5[%add3A_254, %broadcast_in_dim3A_256] : memref<512x56xi32, #tpu.memory_space<vmem>>[vector<16xi32>, vector<16xi32>], vector<16xi32>,
    %swap3A_258 = arith.constant 0 : i32
    %swap3A_259 = arith.constant 2 : i32
    %swap3A_260 = arith.index_cast %swap3A_258 : i32 to index
    %swap3A_261 = arith.index_cast %swap3A_259 : i32 to index
    %swap3A_262 = arith.constant 80 : index
    %swap3A_263 = tpu.vector_load %arg6[%swap3A_260, %swap3A_261, %swap3A_262] {strides = array<i32>} : memref<50x4x128xi32, #tpu.memory_space<vmem>>, vector<16xi32>,
    tpu.vector_store %arg6[%swap3A_260, %swap3A_261, %swap3A_262], %gather3A_257 {strides = array<i32>} : memref<50x4x128xi32, #tpu.memory_space<vmem>>, vector<16xi32>,
    %add3A_264 = arith.constant 352 : i32
    %add3A_265 = vector.broadcast %add3A_264 : i32 to vector<16xi32>
    %add3A_266 = arith.addi %iota3A, %add3A_265 : vector<16xi32>
    %broadcast_in_dim3A_267 = arith.constant 0 : i32
    %broadcast_in_dim3A_268 = vector.broadcast %broadcast_in_dim3A_267 : i32 to vector<16xi32>
    %gather3A_269 = tpu.vector_load_idx %arg5[%add3A_266, %broadcast_in_dim3A_268] : memref<512x56xi32, #tpu.memory_space<vmem>>[vector<16xi32>, vector<16xi32>], vector<16xi32>,
    %swap3A_270 = arith.constant 0 : i32
    %swap3A_271 = arith.constant 2 : i32
    %swap3A_272 = arith.index_cast %swap3A_270 : i32 to index
    %swap3A_273 = arith.index_cast %swap3A_271 : i32 to index
    %swap3A_274 = arith.constant 96 : index
    %swap3A_275 = tpu.vector_load %arg6[%swap3A_272, %swap3A_273, %swap3A_274] {strides = array<i32>} : memref<50x4x128xi32, #tpu.memory_space<vmem>>, vector<16xi32>,
    tpu.vector_store %arg6[%swap3A_272, %swap3A_273, %swap3A_274], %gather3A_269 {strides = array<i32>} : memref<50x4x128xi32, #tpu.memory_space<vmem>>, vector<16xi32>,
    %add3A_276 = arith.constant 368 : i32
    %add3A_277 = vector.broadcast %add3A_276 : i32 to vector<16xi32>
    %add3A_278 = arith.addi %iota3A, %add3A_277 : vector<16xi32>
    %broadcast_in_dim3A_279 = arith.constant 0 : i32
    %broadcast_in_dim3A_280 = vector.broadcast %broadcast_in_dim3A_279 : i32 to vector<16xi32>
    %gather3A_281 = tpu.vector_load_idx %arg5[%add3A_278, %broadcast_in_dim3A_280] : memref<512x56xi32, #tpu.memory_space<vmem>>[vector<16xi32>, vector<16xi32>], vector<16xi32>,
    %swap3A_282 = arith.constant 0 : i32
    %swap3A_283 = arith.constant 2 : i32
    %swap3A_284 = arith.index_cast %swap3A_282 : i32 to index
    %swap3A_285 = arith.index_cast %swap3A_283 : i32 to index
    %swap3A_286 = arith.constant 112 : index
    %swap3A_287 = tpu.vector_load %arg6[%swap3A_284, %swap3A_285, %swap3A_286] {strides = array<i32>} : memref<50x4x128xi32, #tpu.memory_space<vmem>>, vector<16xi32>,
    tpu.vector_store %arg6[%swap3A_284, %swap3A_285, %swap3A_286], %gather3A_281 {strides = array<i32>} : memref<50x4x128xi32, #tpu.memory_space<vmem>>, vector<16xi32>,
    %add3A_288 = arith.constant 384 : i32
    %add3A_289 = vector.broadcast %add3A_288 : i32 to vector<16xi32>
    %add3A_290 = arith.addi %iota3A, %add3A_289 : vector<16xi32>
    %broadcast_in_dim3A_291 = arith.constant 0 : i32
    %broadcast_in_dim3A_292 = vector.broadcast %broadcast_in_dim3A_291 : i32 to vector<16xi32>
    %gather3A_293 = tpu.vector_load_idx %arg5[%add3A_290, %broadcast_in_dim3A_292] : memref<512x56xi32, #tpu.memory_space<vmem>>[vector<16xi32>, vector<16xi32>], vector<16xi32>,
    %swap3A_294 = arith.constant 0 : i32
    %swap3A_295 = arith.constant 3 : i32
    %swap3A_296 = arith.index_cast %swap3A_294 : i32 to index
    %swap3A_297 = arith.index_cast %swap3A_295 : i32 to index
    %swap3A_298 = arith.constant 0 : index
    %swap3A_299 = tpu.vector_load %arg6[%swap3A_296, %swap3A_297, %swap3A_298] {strides = array<i32>} : memref<50x4x128xi32, #tpu.memory_space<vmem>>, vector<16xi32>,
    tpu.vector_store %arg6[%swap3A_296, %swap3A_297, %swap3A_298], %gather3A_293 {strides = array<i32>} : memref<50x4x128xi32, #tpu.memory_space<vmem>>, vector<16xi32>,
    %add3A_300 = arith.constant 400 : i32
    %add3A_301 = vector.broadcast %add3A_300 : i32 to vector<16xi32>
    %add3A_302 = arith.addi %iota3A, %add3A_301 : vector<16xi32>
    %broadcast_in_dim3A_303 = arith.constant 0 : i32
    %broadcast_in_dim3A_304 = vector.broadcast %broadcast_in_dim3A_303 : i32 to vector<16xi32>
    %gather3A_305 = tpu.vector_load_idx %arg5[%add3A_302, %broadcast_in_dim3A_304] : memref<512x56xi32, #tpu.memory_space<vmem>>[vector<16xi32>, vector<16xi32>], vector<16xi32>,
    %swap3A_306 = arith.constant 0 : i32
    %swap3A_307 = arith.constant 3 : i32
    %swap3A_308 = arith.index_cast %swap3A_306 : i32 to index
    %swap3A_309 = arith.index_cast %swap3A_307 : i32 to index
    %swap3A_310 = arith.constant 16 : index
    %swap3A_311 = tpu.vector_load %arg6[%swap3A_308, %swap3A_309, %swap3A_310] {strides = array<i32>} : memref<50x4x128xi32, #tpu.memory_space<vmem>>, vector<16xi32>,
    tpu.vector_store %arg6[%swap3A_308, %swap3A_309, %swap3A_310], %gather3A_305 {strides = array<i32>} : memref<50x4x128xi32, #tpu.memory_space<vmem>>, vector<16xi32>,
    %add3A_312 = arith.constant 416 : i32
    %add3A_313 = vector.broadcast %add3A_312 : i32 to vector<16xi32>
    %add3A_314 = arith.addi %iota3A, %add3A_313 : vector<16xi32>
    %broadcast_in_dim3A_315 = arith.constant 0 : i32
    %broadcast_in_dim3A_316 = vector.broadcast %broadcast_in_dim3A_315 : i32 to vector<16xi32>
    %gather3A_317 = tpu.vector_load_idx %arg5[%add3A_314, %broadcast_in_dim3A_316] : memref<512x56xi32, #tpu.memory_space<vmem>>[vector<16xi32>, vector<16xi32>], vector<16xi32>,
    %swap3A_318 = arith.constant 0 : i32
    %swap3A_319 = arith.constant 3 : i32
    %swap3A_320 = arith.index_cast %swap3A_318 : i32 to index
    %swap3A_321 = arith.index_cast %swap3A_319 : i32 to index
    %swap3A_322 = arith.constant 32 : index
    %swap3A_323 = tpu.vector_load %arg6[%swap3A_320, %swap3A_321, %swap3A_322] {strides = array<i32>} : memref<50x4x128xi32, #tpu.memory_space<vmem>>, vector<16xi32>,
    tpu.vector_store %arg6[%swap3A_320, %swap3A_321, %swap3A_322], %gather3A_317 {strides = array<i32>} : memref<50x4x128xi32, #tpu.memory_space<vmem>>, vector<16xi32>,
    %add3A_324 = arith.constant 432 : i32
    %add3A_325 = vector.broadcast %add3A_324 : i32 to vector<16xi32>
    %add3A_326 = arith.addi %iota3A, %add3A_325 : vector<16xi32>
    %broadcast_in_dim3A_327 = arith.constant 0 : i32
    %broadcast_in_dim3A_328 = vector.broadcast %broadcast_in_dim3A_327 : i32 to vector<16xi32>
    %gather3A_329 = tpu.vector_load_idx %arg5[%add3A_326, %broadcast_in_dim3A_328] : memref<512x56xi32, #tpu.memory_space<vmem>>[vector<16xi32>, vector<16xi32>], vector<16xi32>,
    %swap3A_330 = arith.constant 0 : i32
    %swap3A_331 = arith.constant 3 : i32
    %swap3A_332 = arith.index_cast %swap3A_330 : i32 to index
    %swap3A_333 = arith.index_cast %swap3A_331 : i32 to index
    %swap3A_334 = arith.constant 48 : index
    %swap3A_335 = tpu.vector_load %arg6[%swap3A_332, %swap3A_333, %swap3A_334] {strides = array<i32>} : memref<50x4x128xi32, #tpu.memory_space<vmem>>, vector<16xi32>,
    tpu.vector_store %arg6[%swap3A_332, %swap3A_333, %swap3A_334], %gather3A_329 {strides = array<i32>} : memref<50x4x128xi32, #tpu.memory_space<vmem>>, vector<16xi32>,
    %add3A_336 = arith.constant 448 : i32
    %add3A_337 = vector.broadcast %add3A_336 : i32 to vector<16xi32>
    %add3A_338 = arith.addi %iota3A, %add3A_337 : vector<16xi32>
    %broadcast_in_dim3A_339 = arith.constant 0 : i32
    %broadcast_in_dim3A_340 = vector.broadcast %broadcast_in_dim3A_339 : i32 to vector<16xi32>
    %gather3A_341 = tpu.vector_load_idx %arg5[%add3A_338, %broadcast_in_dim3A_340] : memref<512x56xi32, #tpu.memory_space<vmem>>[vector<16xi32>, vector<16xi32>], vector<16xi32>,
    %swap3A_342 = arith.constant 0 : i32
    %swap3A_343 = arith.constant 3 : i32
    %swap3A_344 = arith.index_cast %swap3A_342 : i32 to index
    %swap3A_345 = arith.index_cast %swap3A_343 : i32 to index
    %swap3A_346 = arith.constant 64 : index
    %swap3A_347 = tpu.vector_load %arg6[%swap3A_344, %swap3A_345, %swap3A_346] {strides = array<i32>} : memref<50x4x128xi32, #tpu.memory_space<vmem>>, vector<16xi32>,
    tpu.vector_store %arg6[%swap3A_344, %swap3A_345, %swap3A_346], %gather3A_341 {strides = array<i32>} : memref<50x4x128xi32, #tpu.memory_space<vmem>>, vector<16xi32>,
    %add3A_348 = arith.constant 464 : i32
    %add3A_349 = vector.broadcast %add3A_348 : i32 to vector<16xi32>
    %add3A_350 = arith.addi %iota3A, %add3A_349 : vector<16xi32>
    %broadcast_in_dim3A_351 = arith.constant 0 : i32
    %broadcast_in_dim3A_352 = vector.broadcast %broadcast_in_dim3A_351 : i32 to vector<16xi32>
    %gather3A_353 = tpu.vector_load_idx %arg5[%add3A_350, %broadcast_in_dim3A_352] : memref<512x56xi32, #tpu.memory_space<vmem>>[vector<16xi32>, vector<16xi32>], vector<16xi32>,
    %swap3A_354 = arith.constant 0 : i32
    %swap3A_355 = arith.constant 3 : i32
    %swap3A_356 = arith.index_cast %swap3A_354 : i32 to index
    %swap3A_357 = arith.index_cast %swap3A_355 : i32 to index
    %swap3A_358 = arith.constant 80 : index
    %swap3A_359 = tpu.vector_load %arg6[%swap3A_356, %swap3A_357, %swap3A_358] {strides = array<i32>} : memref<50x4x128xi32, #tpu.memory_space<vmem>>, vector<16xi32>,
    tpu.vector_store %arg6[%swap3A_356, %swap3A_357, %swap3A_358], %gather3A_353 {strides = array<i32>} : memref<50x4x128xi32, #tpu.memory_space<vmem>>, vector<16xi32>,
    %add3A_360 = arith.constant 480 : i32
    %add3A_361 = vector.broadcast %add3A_360 : i32 to vector<16xi32>
    %add3A_362 = arith.addi %iota3A, %add3A_361 : vector<16xi32>
    %broadcast_in_dim3A_363 = arith.constant 0 : i32
    %broadcast_in_dim3A_364 = vector.broadcast %broadcast_in_dim3A_363 : i32 to vector<16xi32>
    %gather3A_365 = tpu.vector_load_idx %arg5[%add3A_362, %broadcast_in_dim3A_364] : memref<512x56xi32, #tpu.memory_space<vmem>>[vector<16xi32>, vector<16xi32>], vector<16xi32>,
    %swap3A_366 = arith.constant 0 : i32
    %swap3A_367 = arith.constant 3 : i32
    %swap3A_368 = arith.index_cast %swap3A_366 : i32 to index
    %swap3A_369 = arith.index_cast %swap3A_367 : i32 to index
    %swap3A_370 = arith.constant 96 : index
    %swap3A_371 = tpu.vector_load %arg6[%swap3A_368, %swap3A_369, %swap3A_370] {strides = array<i32>} : memref<50x4x128xi32, #tpu.memory_space<vmem>>, vector<16xi32>,
    tpu.vector_store %arg6[%swap3A_368, %swap3A_369, %swap3A_370], %gather3A_365 {strides = array<i32>} : memref<50x4x128xi32, #tpu.memory_space<vmem>>, vector<16xi32>,
    %add3A_372 = arith.constant 496 : i32
    %add3A_373 = vector.broadcast %add3A_372 : i32 to vector<16xi32>
    %add3A_374 = arith.addi %iota3A, %add3A_373 : vector<16xi32>
    %broadcast_in_dim3A_375 = arith.constant 0 : i32
    %broadcast_in_dim3A_376 = vector.broadcast %broadcast_in_dim3A_375 : i32 to vector<16xi32>
    %gather3A_377 = tpu.vector_load_idx %arg5[%add3A_374, %broadcast_in_dim3A_376] : memref<512x56xi32, #tpu.memory_space<vmem>>[vector<16xi32>, vector<16xi32>], vector<16xi32>,
    %swap3A_378 = arith.constant 0 : i32
    %swap3A_379 = arith.constant 3 : i32
    %swap3A_380 = arith.index_cast %swap3A_378 : i32 to index
    %swap3A_381 = arith.index_cast %swap3A_379 : i32 to index
    %swap3A_382 = arith.constant 112 : index
    %swap3A_383 = tpu.vector_load %arg6[%swap3A_380, %swap3A_381, %swap3A_382] {strides = array<i32>} : memref<50x4x128xi32, #tpu.memory_space<vmem>>, vector<16xi32>,
    tpu.vector_store %arg6[%swap3A_380, %swap3A_381, %swap3A_382], %gather3A_377 {strides = array<i32>} : memref<50x4x128xi32, #tpu.memory_space<vmem>>, vector<16xi32>,
    %dma_start3A = arith.constant 0 : i32
    %dma_start3A_384 = arith.constant 0 : i32
    %dma_start3A_385 = arith.constant 0 : i32
    %dma_start3A_386 = arith.constant 0 : i32
    %dma_start3A_387 = tpu.memref_slice %arg7[%dma_start3A_385, %dma_start3A_386] : memref<512x32xf32, #tpu.memory_space<vmem>> -> memref<128x32xf32, #tpu.memory_space<vmem>>
    %dma_start3A_388 = arith.constant 0 : i32
    %dma_start3A_389 = tpu.memref_slice %arg6[%dma_start3A, %dma_start3A_384, %dma_start3A_388] : memref<50x4x128xi32, #tpu.memory_space<vmem>> -> memref<1x1x128xi32, #tpu.memory_space<vmem>>
    %dma_start3A_390 = tpu.memref_squeeze %dma_start3A_389 : memref<1x1x128xi32, #tpu.memory_space<vmem>> -> memref<128xi32, #tpu.memory_space<vmem>>
    %dma_start3A_391 = arith.constant 0 : i32
    %dma_start3A_392 = arith.constant 0 : i32
    %dma_start3A_393 = tpu.memref_slice %arg3[%dma_start3A_391, %dma_start3A_392] : memref<1000000x32xf32, #tpu.memory_space<hbm>> -> memref<1000000x32xf32, #tpu.memory_space<hbm>>
    tpu.enqueue_indirect_dma source(%dma_start3A_393 : memref<1000000x32xf32, #tpu.memory_space<hbm>>) target(%dma_start3A_387 : memref<128x32xf32, #tpu.memory_space<vmem>>) offsets(%dma_start3A_390 : memref<128xi32, #tpu.memory_space<vmem>>) semaphore(%arg11 : memref<!tpu.dma_semaphore, #tpu.memory_space<semaphore_mem>>)
    %dma_start3A_394 = arith.constant 0 : i32
    %dma_start3A_395 = arith.constant 1 : i32
    %dma_start3A_396 = arith.constant 128 : i32
    %dma_start3A_397 = arith.constant 0 : i32
    %dma_start3A_398 = tpu.memref_slice %arg7[%dma_start3A_396, %dma_start3A_397] : memref<512x32xf32, #tpu.memory_space<vmem>> -> memref<128x32xf32, #tpu.memory_space<vmem>>
    %dma_start3A_399 = arith.constant 0 : i32
    %dma_start3A_400 = tpu.memref_slice %arg6[%dma_start3A_394, %dma_start3A_395, %dma_start3A_399] : memref<50x4x128xi32, #tpu.memory_space<vmem>> -> memref<1x1x128xi32, #tpu.memory_space<vmem>>
    %dma_start3A_401 = tpu.memref_squeeze %dma_start3A_400 : memref<1x1x128xi32, #tpu.memory_space<vmem>> -> memref<128xi32, #tpu.memory_space<vmem>>
    %dma_start3A_402 = arith.constant 0 : i32
    %dma_start3A_403 = arith.constant 0 : i32
    %dma_start3A_404 = tpu.memref_slice %arg3[%dma_start3A_402, %dma_start3A_403] : memref<1000000x32xf32, #tpu.memory_space<hbm>> -> memref<1000000x32xf32, #tpu.memory_space<hbm>>
    tpu.enqueue_indirect_dma source(%dma_start3A_404 : memref<1000000x32xf32, #tpu.memory_space<hbm>>) target(%dma_start3A_398 : memref<128x32xf32, #tpu.memory_space<vmem>>) offsets(%dma_start3A_401 : memref<128xi32, #tpu.memory_space<vmem>>) semaphore(%arg11 : memref<!tpu.dma_semaphore, #tpu.memory_space<semaphore_mem>>)
    %dma_start3A_405 = arith.constant 0 : i32
    %dma_start3A_406 = arith.constant 2 : i32
    %dma_start3A_407 = arith.constant 256 : i32
    %dma_start3A_408 = arith.constant 0 : i32
    %dma_start3A_409 = tpu.memref_slice %arg7[%dma_start3A_407, %dma_start3A_408] : memref<512x32xf32, #tpu.memory_space<vmem>> -> memref<128x32xf32, #tpu.memory_space<vmem>>
    %dma_start3A_410 = arith.constant 0 : i32
    %dma_start3A_411 = tpu.memref_slice %arg6[%dma_start3A_405, %dma_start3A_406, %dma_start3A_410] : memref<50x4x128xi32, #tpu.memory_space<vmem>> -> memref<1x1x128xi32, #tpu.memory_space<vmem>>
    %dma_start3A_412 = tpu.memref_squeeze %dma_start3A_411 : memref<1x1x128xi32, #tpu.memory_space<vmem>> -> memref<128xi32, #tpu.memory_space<vmem>>
    %dma_start3A_413 = arith.constant 0 : i32
    %dma_start3A_414 = arith.constant 0 : i32
    %dma_start3A_415 = tpu.memref_slice %arg3[%dma_start3A_413, %dma_start3A_414] : memref<1000000x32xf32, #tpu.memory_space<hbm>> -> memref<1000000x32xf32, #tpu.memory_space<hbm>>
    tpu.enqueue_indirect_dma source(%dma_start3A_415 : memref<1000000x32xf32, #tpu.memory_space<hbm>>) target(%dma_start3A_409 : memref<128x32xf32, #tpu.memory_space<vmem>>) offsets(%dma_start3A_412 : memref<128xi32, #tpu.memory_space<vmem>>) semaphore(%arg11 : memref<!tpu.dma_semaphore, #tpu.memory_space<semaphore_mem>>)
    %dma_start3A_416 = arith.constant 0 : i32
    %dma_start3A_417 = arith.constant 3 : i32
    %dma_start3A_418 = arith.constant 384 : i32
    %dma_start3A_419 = arith.constant 0 : i32
    %dma_start3A_420 = tpu.memref_slice %arg7[%dma_start3A_418, %dma_start3A_419] : memref<512x32xf32, #tpu.memory_space<vmem>> -> memref<128x32xf32, #tpu.memory_space<vmem>>
    %dma_start3A_421 = arith.constant 0 : i32
    %dma_start3A_422 = tpu.memref_slice %arg6[%dma_start3A_416, %dma_start3A_417, %dma_start3A_421] : memref<50x4x128xi32, #tpu.memory_space<vmem>> -> memref<1x1x128xi32, #tpu.memory_space<vmem>>
    %dma_start3A_423 = tpu.memref_squeeze %dma_start3A_422 : memref<1x1x128xi32, #tpu.memory_space<vmem>> -> memref<128xi32, #tpu.memory_space<vmem>>
    %dma_start3A_424 = arith.constant 0 : i32
    %dma_start3A_425 = arith.constant 0 : i32
    %dma_start3A_426 = tpu.memref_slice %arg3[%dma_start3A_424, %dma_start3A_425] : memref<1000000x32xf32, #tpu.memory_space<hbm>> -> memref<1000000x32xf32, #tpu.memory_space<hbm>>
    tpu.enqueue_indirect_dma source(%dma_start3A_426 : memref<1000000x32xf32, #tpu.memory_space<hbm>>) target(%dma_start3A_420 : memref<128x32xf32, #tpu.memory_space<vmem>>) offsets(%dma_start3A_423 : memref<128xi32, #tpu.memory_space<vmem>>) semaphore(%arg11 : memref<!tpu.dma_semaphore, #tpu.memory_space<semaphore_mem>>)
    %add3A_427 = arith.constant 0 : i32
    %add3A_428 = vector.broadcast %add3A_427 : i32 to vector<16xi32>
    %add3A_429 = arith.addi %iota3A, %add3A_428 : vector<16xi32>
    %get3A = arith.constant 0 : i32
    %get3A_430 = arith.constant 0 : i32
    %get3A_431 = arith.index_cast %get3A : i32 to index
    %get3A_432 = arith.index_cast %get3A_430 : i32 to index
    %get3A_433 = arith.constant 0 : index
    %get3A_434 = tpu.vector_load %arg6[%get3A_431, %get3A_432, %get3A_433] {strides = array<i32>} : memref<50x4x128xi32, #tpu.memory_space<vmem>>, vector<16xi32>,
    %ne3A = arith.constant 0 : i32
    %ne3A_435 = vector.broadcast %ne3A : i32 to vector<16xi32>
    %ne3A_436 = arith.cmpi ne, %get3A_434, %ne3A_435 : vector<16xi32>
    %convert_element_type3A = arith.extui %ne3A_436 : vector<16xi1> to vector<16xi32>
    %scan3A = arith.constant 1 : i32
    %scan3A_437 = arith.constant 49 : i32
    %scan3A_438 = arith.addi %scan3A, %scan3A_437 : i32
    %scan3A_439 = arith.constant 1 : i32
    %scan3A_440 = scf.for %scan3A_1735 = %scan3A to %scan3A_438 step %scan3A_439 iter_args(%scan3A_1736 = %convert_element_type3A) -> (vector<16xi32>)  : i32 {
      %broadcast_in_dim3A_1737 = vector.broadcast %scan3A_1735 : i32 to vector<16xi32>
      %gather3A_1738 = tpu.vector_load_idx %arg5[%add3A_429, %broadcast_in_dim3A_1737] : memref<512x56xi32, #tpu.memory_space<vmem>>[vector<16xi32>, vector<16xi32>], vector<16xi32>,
      %swap3A_1739 = arith.constant 0 : i32
      %swap3A_1740 = arith.index_cast %scan3A_1735 : i32 to index
      %swap3A_1741 = arith.index_cast %swap3A_1739 : i32 to index
      %swap3A_1742 = arith.constant 0 : index
      %swap3A_1743 = tpu.vector_load %arg6[%swap3A_1740, %swap3A_1741, %swap3A_1742] {strides = array<i32>} : memref<50x4x128xi32, #tpu.memory_space<vmem>>, vector<16xi32>,
      tpu.vector_store %arg6[%swap3A_1740, %swap3A_1741, %swap3A_1742], %gather3A_1738 {strides = array<i32>} : memref<50x4x128xi32, #tpu.memory_space<vmem>>, vector<16xi32>,
      %ne3A_1744 = arith.constant 0 : i32
      %ne3A_1745 = vector.broadcast %ne3A_1744 : i32 to vector<16xi32>
      %ne3A_1746 = arith.cmpi ne, %gather3A_1738, %ne3A_1745 : vector<16xi32>
      %convert_element_type3A_1747 = arith.extui %ne3A_1746 : vector<16xi1> to vector<16xi32>
      %add3A_1748 = arith.addi %scan3A_1736, %convert_element_type3A_1747 : vector<16xi32>
      scf.yield %add3A_1748 : vector<16xi32>
    }
    %scan3A_441 = arith.constant 49 : i32
    %convert_element_type3A_442 = arith.sitofp %scan3A_440 : vector<16xi32> to vector<16xf32>
    %eq3A = arith.constant 0 : i32
    %eq3A_443 = vector.broadcast %eq3A : i32 to vector<16xi32>
    %eq3A_444 = arith.cmpi eq, %scan3A_440, %eq3A_443 : vector<16xi32>
    %add3A_445 = arith.constant 9.99999993E-9 : f32
    %add3A_446 = vector.broadcast %add3A_445 : f32 to vector<16xf32>
    %add3A_447 = arith.addf %convert_element_type3A_442, %add3A_446 : vector<16xf32>
    %div3A = arith.constant 1.000000e+00 : f32
    %div3A_448 = vector.broadcast %div3A : f32 to vector<16xf32>
    %div3A_449 = arith.divf %div3A_448, %add3A_447 : vector<16xf32>
    %jit3A = arith.constant 0.000000e+00 : f32
    %broadcast_in_dim3A_450 = vector.broadcast %jit3A : f32 to vector<16xf32>
    %select_n3A = arith.select %eq3A_444, %broadcast_in_dim3A_450, %div3A_449 : vector<16xi1>, vector<16xf32>
    %swap3A_451 = arith.constant 0 : index
    %swap3A_452 = tpu.vector_load %arg8[%swap3A_451] {strides = array<i32>} : memref<512xf32, #tpu.memory_space<vmem>>, vector<16xf32>,
    tpu.vector_store %arg8[%swap3A_451], %select_n3A {strides = array<i32>} : memref<512xf32, #tpu.memory_space<vmem>>, vector<16xf32>,
    %sub3A = arith.constant 5.000000e+01 : f32
    %sub3A_453 = vector.broadcast %sub3A : f32 to vector<16xf32>
    %sub3A_454 = arith.subf %sub3A_453, %convert_element_type3A_442 : vector<16xf32>
    %swap3A_455 = arith.constant 0 : index
    %swap3A_456 = tpu.vector_load %arg9[%swap3A_455] {strides = array<i32>} : memref<512xf32, #tpu.memory_space<vmem>>, vector<16xf32>,
    tpu.vector_store %arg9[%swap3A_455], %sub3A_454 {strides = array<i32>} : memref<512xf32, #tpu.memory_space<vmem>>, vector<16xf32>,
    %add3A_457 = arith.constant 16 : i32
    %add3A_458 = vector.broadcast %add3A_457 : i32 to vector<16xi32>
    %add3A_459 = arith.addi %iota3A, %add3A_458 : vector<16xi32>
    %get3A_460 = arith.constant 0 : i32
    %get3A_461 = arith.constant 0 : i32
    %get3A_462 = arith.index_cast %get3A_460 : i32 to index
    %get3A_463 = arith.index_cast %get3A_461 : i32 to index
    %get3A_464 = arith.constant 16 : index
    %get3A_465 = tpu.vector_load %arg6[%get3A_462, %get3A_463, %get3A_464] {strides = array<i32>} : memref<50x4x128xi32, #tpu.memory_space<vmem>>, vector<16xi32>,
    %ne3A_466 = arith.constant 0 : i32
    %ne3A_467 = vector.broadcast %ne3A_466 : i32 to vector<16xi32>
    %ne3A_468 = arith.cmpi ne, %get3A_465, %ne3A_467 : vector<16xi32>
    %convert_element_type3A_469 = arith.extui %ne3A_468 : vector<16xi1> to vector<16xi32>
    %scan3A_470 = arith.constant 1 : i32
    %scan3A_471 = arith.constant 49 : i32
    %scan3A_472 = arith.addi %scan3A_470, %scan3A_471 : i32
    %scan3A_473 = arith.constant 1 : i32
    %scan3A_474 = scf.for %scan3A_1735 = %scan3A_470 to %scan3A_472 step %scan3A_473 iter_args(%scan3A_1736 = %convert_element_type3A_469) -> (vector<16xi32>)  : i32 {
      %broadcast_in_dim3A_1737 = vector.broadcast %scan3A_1735 : i32 to vector<16xi32>
      %gather3A_1738 = tpu.vector_load_idx %arg5[%add3A_459, %broadcast_in_dim3A_1737] : memref<512x56xi32, #tpu.memory_space<vmem>>[vector<16xi32>, vector<16xi32>], vector<16xi32>,
      %swap3A_1739 = arith.constant 0 : i32
      %swap3A_1740 = arith.index_cast %scan3A_1735 : i32 to index
      %swap3A_1741 = arith.index_cast %swap3A_1739 : i32 to index
      %swap3A_1742 = arith.constant 16 : index
      %swap3A_1743 = tpu.vector_load %arg6[%swap3A_1740, %swap3A_1741, %swap3A_1742] {strides = array<i32>} : memref<50x4x128xi32, #tpu.memory_space<vmem>>, vector<16xi32>,
      tpu.vector_store %arg6[%swap3A_1740, %swap3A_1741, %swap3A_1742], %gather3A_1738 {strides = array<i32>} : memref<50x4x128xi32, #tpu.memory_space<vmem>>, vector<16xi32>,
      %ne3A_1744 = arith.constant 0 : i32
      %ne3A_1745 = vector.broadcast %ne3A_1744 : i32 to vector<16xi32>
      %ne3A_1746 = arith.cmpi ne, %gather3A_1738, %ne3A_1745 : vector<16xi32>
      %convert_element_type3A_1747 = arith.extui %ne3A_1746 : vector<16xi1> to vector<16xi32>
      %add3A_1748 = arith.addi %scan3A_1736, %convert_element_type3A_1747 : vector<16xi32>
      scf.yield %add3A_1748 : vector<16xi32>
    }
    %scan3A_475 = arith.constant 49 : i32
    %convert_element_type3A_476 = arith.sitofp %scan3A_474 : vector<16xi32> to vector<16xf32>
    %eq3A_477 = arith.constant 0 : i32
    %eq3A_478 = vector.broadcast %eq3A_477 : i32 to vector<16xi32>
    %eq3A_479 = arith.cmpi eq, %scan3A_474, %eq3A_478 : vector<16xi32>
    %add3A_480 = arith.constant 9.99999993E-9 : f32
    %add3A_481 = vector.broadcast %add3A_480 : f32 to vector<16xf32>
    %add3A_482 = arith.addf %convert_element_type3A_476, %add3A_481 : vector<16xf32>
    %div3A_483 = arith.constant 1.000000e+00 : f32
    %div3A_484 = vector.broadcast %div3A_483 : f32 to vector<16xf32>
    %div3A_485 = arith.divf %div3A_484, %add3A_482 : vector<16xf32>
    %jit3A_486 = arith.constant 0.000000e+00 : f32
    %broadcast_in_dim3A_487 = vector.broadcast %jit3A_486 : f32 to vector<16xf32>
    %select_n3A_488 = arith.select %eq3A_479, %broadcast_in_dim3A_487, %div3A_485 : vector<16xi1>, vector<16xf32>
    %swap3A_489 = arith.constant 16 : index
    %swap3A_490 = tpu.vector_load %arg8[%swap3A_489] {strides = array<i32>} : memref<512xf32, #tpu.memory_space<vmem>>, vector<16xf32>,
    tpu.vector_store %arg8[%swap3A_489], %select_n3A_488 {strides = array<i32>} : memref<512xf32, #tpu.memory_space<vmem>>, vector<16xf32>,
    %sub3A_491 = arith.constant 5.000000e+01 : f32
    %sub3A_492 = vector.broadcast %sub3A_491 : f32 to vector<16xf32>
    %sub3A_493 = arith.subf %sub3A_492, %convert_element_type3A_476 : vector<16xf32>
    %swap3A_494 = arith.constant 16 : index
    %swap3A_495 = tpu.vector_load %arg9[%swap3A_494] {strides = array<i32>} : memref<512xf32, #tpu.memory_space<vmem>>, vector<16xf32>,
    tpu.vector_store %arg9[%swap3A_494], %sub3A_493 {strides = array<i32>} : memref<512xf32, #tpu.memory_space<vmem>>, vector<16xf32>,
    %add3A_496 = arith.constant 32 : i32
    %add3A_497 = vector.broadcast %add3A_496 : i32 to vector<16xi32>
    %add3A_498 = arith.addi %iota3A, %add3A_497 : vector<16xi32>
    %get3A_499 = arith.constant 0 : i32
    %get3A_500 = arith.constant 0 : i32
    %get3A_501 = arith.index_cast %get3A_499 : i32 to index
    %get3A_502 = arith.index_cast %get3A_500 : i32 to index
    %get3A_503 = arith.constant 32 : index
    %get3A_504 = tpu.vector_load %arg6[%get3A_501, %get3A_502, %get3A_503] {strides = array<i32>} : memref<50x4x128xi32, #tpu.memory_space<vmem>>, vector<16xi32>,
    %ne3A_505 = arith.constant 0 : i32
    %ne3A_506 = vector.broadcast %ne3A_505 : i32 to vector<16xi32>
    %ne3A_507 = arith.cmpi ne, %get3A_504, %ne3A_506 : vector<16xi32>
    %convert_element_type3A_508 = arith.extui %ne3A_507 : vector<16xi1> to vector<16xi32>
    %scan3A_509 = arith.constant 1 : i32
    %scan3A_510 = arith.constant 49 : i32
    %scan3A_511 = arith.addi %scan3A_509, %scan3A_510 : i32
    %scan3A_512 = arith.constant 1 : i32
    %scan3A_513 = scf.for %scan3A_1735 = %scan3A_509 to %scan3A_511 step %scan3A_512 iter_args(%scan3A_1736 = %convert_element_type3A_508) -> (vector<16xi32>)  : i32 {
      %broadcast_in_dim3A_1737 = vector.broadcast %scan3A_1735 : i32 to vector<16xi32>
      %gather3A_1738 = tpu.vector_load_idx %arg5[%add3A_498, %broadcast_in_dim3A_1737] : memref<512x56xi32, #tpu.memory_space<vmem>>[vector<16xi32>, vector<16xi32>], vector<16xi32>,
      %swap3A_1739 = arith.constant 0 : i32
      %swap3A_1740 = arith.index_cast %scan3A_1735 : i32 to index
      %swap3A_1741 = arith.index_cast %swap3A_1739 : i32 to index
      %swap3A_1742 = arith.constant 32 : index
      %swap3A_1743 = tpu.vector_load %arg6[%swap3A_1740, %swap3A_1741, %swap3A_1742] {strides = array<i32>} : memref<50x4x128xi32, #tpu.memory_space<vmem>>, vector<16xi32>,
      tpu.vector_store %arg6[%swap3A_1740, %swap3A_1741, %swap3A_1742], %gather3A_1738 {strides = array<i32>} : memref<50x4x128xi32, #tpu.memory_space<vmem>>, vector<16xi32>,
      %ne3A_1744 = arith.constant 0 : i32
      %ne3A_1745 = vector.broadcast %ne3A_1744 : i32 to vector<16xi32>
      %ne3A_1746 = arith.cmpi ne, %gather3A_1738, %ne3A_1745 : vector<16xi32>
      %convert_element_type3A_1747 = arith.extui %ne3A_1746 : vector<16xi1> to vector<16xi32>
      %add3A_1748 = arith.addi %scan3A_1736, %convert_element_type3A_1747 : vector<16xi32>
      scf.yield %add3A_1748 : vector<16xi32>
    }
    %scan3A_514 = arith.constant 49 : i32
    %convert_element_type3A_515 = arith.sitofp %scan3A_513 : vector<16xi32> to vector<16xf32>
    %eq3A_516 = arith.constant 0 : i32
    %eq3A_517 = vector.broadcast %eq3A_516 : i32 to vector<16xi32>
    %eq3A_518 = arith.cmpi eq, %scan3A_513, %eq3A_517 : vector<16xi32>
    %add3A_519 = arith.constant 9.99999993E-9 : f32
    %add3A_520 = vector.broadcast %add3A_519 : f32 to vector<16xf32>
    %add3A_521 = arith.addf %convert_element_type3A_515, %add3A_520 : vector<16xf32>
    %div3A_522 = arith.constant 1.000000e+00 : f32
    %div3A_523 = vector.broadcast %div3A_522 : f32 to vector<16xf32>
    %div3A_524 = arith.divf %div3A_523, %add3A_521 : vector<16xf32>
    %jit3A_525 = arith.constant 0.000000e+00 : f32
    %broadcast_in_dim3A_526 = vector.broadcast %jit3A_525 : f32 to vector<16xf32>
    %select_n3A_527 = arith.select %eq3A_518, %broadcast_in_dim3A_526, %div3A_524 : vector<16xi1>, vector<16xf32>
    %swap3A_528 = arith.constant 32 : index
    %swap3A_529 = tpu.vector_load %arg8[%swap3A_528] {strides = array<i32>} : memref<512xf32, #tpu.memory_space<vmem>>, vector<16xf32>,
    tpu.vector_store %arg8[%swap3A_528], %select_n3A_527 {strides = array<i32>} : memref<512xf32, #tpu.memory_space<vmem>>, vector<16xf32>,
    %sub3A_530 = arith.constant 5.000000e+01 : f32
    %sub3A_531 = vector.broadcast %sub3A_530 : f32 to vector<16xf32>
    %sub3A_532 = arith.subf %sub3A_531, %convert_element_type3A_515 : vector<16xf32>
    %swap3A_533 = arith.constant 32 : index
    %swap3A_534 = tpu.vector_load %arg9[%swap3A_533] {strides = array<i32>} : memref<512xf32, #tpu.memory_space<vmem>>, vector<16xf32>,
    tpu.vector_store %arg9[%swap3A_533], %sub3A_532 {strides = array<i32>} : memref<512xf32, #tpu.memory_space<vmem>>, vector<16xf32>,
    %add3A_535 = arith.constant 48 : i32
    %add3A_536 = vector.broadcast %add3A_535 : i32 to vector<16xi32>
    %add3A_537 = arith.addi %iota3A, %add3A_536 : vector<16xi32>
    %get3A_538 = arith.constant 0 : i32
    %get3A_539 = arith.constant 0 : i32
    %get3A_540 = arith.index_cast %get3A_538 : i32 to index
    %get3A_541 = arith.index_cast %get3A_539 : i32 to index
    %get3A_542 = arith.constant 48 : index
    %get3A_543 = tpu.vector_load %arg6[%get3A_540, %get3A_541, %get3A_542] {strides = array<i32>} : memref<50x4x128xi32, #tpu.memory_space<vmem>>, vector<16xi32>,
    %ne3A_544 = arith.constant 0 : i32
    %ne3A_545 = vector.broadcast %ne3A_544 : i32 to vector<16xi32>
    %ne3A_546 = arith.cmpi ne, %get3A_543, %ne3A_545 : vector<16xi32>
    %convert_element_type3A_547 = arith.extui %ne3A_546 : vector<16xi1> to vector<16xi32>
    %scan3A_548 = arith.constant 1 : i32
    %scan3A_549 = arith.constant 49 : i32
    %scan3A_550 = arith.addi %scan3A_548, %scan3A_549 : i32
    %scan3A_551 = arith.constant 1 : i32
    %scan3A_552 = scf.for %scan3A_1735 = %scan3A_548 to %scan3A_550 step %scan3A_551 iter_args(%scan3A_1736 = %convert_element_type3A_547) -> (vector<16xi32>)  : i32 {
      %broadcast_in_dim3A_1737 = vector.broadcast %scan3A_1735 : i32 to vector<16xi32>
      %gather3A_1738 = tpu.vector_load_idx %arg5[%add3A_537, %broadcast_in_dim3A_1737] : memref<512x56xi32, #tpu.memory_space<vmem>>[vector<16xi32>, vector<16xi32>], vector<16xi32>,
      %swap3A_1739 = arith.constant 0 : i32
      %swap3A_1740 = arith.index_cast %scan3A_1735 : i32 to index
      %swap3A_1741 = arith.index_cast %swap3A_1739 : i32 to index
      %swap3A_1742 = arith.constant 48 : index
      %swap3A_1743 = tpu.vector_load %arg6[%swap3A_1740, %swap3A_1741, %swap3A_1742] {strides = array<i32>} : memref<50x4x128xi32, #tpu.memory_space<vmem>>, vector<16xi32>,
      tpu.vector_store %arg6[%swap3A_1740, %swap3A_1741, %swap3A_1742], %gather3A_1738 {strides = array<i32>} : memref<50x4x128xi32, #tpu.memory_space<vmem>>, vector<16xi32>,
      %ne3A_1744 = arith.constant 0 : i32
      %ne3A_1745 = vector.broadcast %ne3A_1744 : i32 to vector<16xi32>
      %ne3A_1746 = arith.cmpi ne, %gather3A_1738, %ne3A_1745 : vector<16xi32>
      %convert_element_type3A_1747 = arith.extui %ne3A_1746 : vector<16xi1> to vector<16xi32>
      %add3A_1748 = arith.addi %scan3A_1736, %convert_element_type3A_1747 : vector<16xi32>
      scf.yield %add3A_1748 : vector<16xi32>
    }
    %scan3A_553 = arith.constant 49 : i32
    %convert_element_type3A_554 = arith.sitofp %scan3A_552 : vector<16xi32> to vector<16xf32>
    %eq3A_555 = arith.constant 0 : i32
    %eq3A_556 = vector.broadcast %eq3A_555 : i32 to vector<16xi32>
    %eq3A_557 = arith.cmpi eq, %scan3A_552, %eq3A_556 : vector<16xi32>
    %add3A_558 = arith.constant 9.99999993E-9 : f32
    %add3A_559 = vector.broadcast %add3A_558 : f32 to vector<16xf32>
    %add3A_560 = arith.addf %convert_element_type3A_554, %add3A_559 : vector<16xf32>
    %div3A_561 = arith.constant 1.000000e+00 : f32
    %div3A_562 = vector.broadcast %div3A_561 : f32 to vector<16xf32>
    %div3A_563 = arith.divf %div3A_562, %add3A_560 : vector<16xf32>
    %jit3A_564 = arith.constant 0.000000e+00 : f32
    %broadcast_in_dim3A_565 = vector.broadcast %jit3A_564 : f32 to vector<16xf32>
    %select_n3A_566 = arith.select %eq3A_557, %broadcast_in_dim3A_565, %div3A_563 : vector<16xi1>, vector<16xf32>
    %swap3A_567 = arith.constant 48 : index
    %swap3A_568 = tpu.vector_load %arg8[%swap3A_567] {strides = array<i32>} : memref<512xf32, #tpu.memory_space<vmem>>, vector<16xf32>,
    tpu.vector_store %arg8[%swap3A_567], %select_n3A_566 {strides = array<i32>} : memref<512xf32, #tpu.memory_space<vmem>>, vector<16xf32>,
    %sub3A_569 = arith.constant 5.000000e+01 : f32
    %sub3A_570 = vector.broadcast %sub3A_569 : f32 to vector<16xf32>
    %sub3A_571 = arith.subf %sub3A_570, %convert_element_type3A_554 : vector<16xf32>
    %swap3A_572 = arith.constant 48 : index
    %swap3A_573 = tpu.vector_load %arg9[%swap3A_572] {strides = array<i32>} : memref<512xf32, #tpu.memory_space<vmem>>, vector<16xf32>,
    tpu.vector_store %arg9[%swap3A_572], %sub3A_571 {strides = array<i32>} : memref<512xf32, #tpu.memory_space<vmem>>, vector<16xf32>,
    %add3A_574 = arith.constant 64 : i32
    %add3A_575 = vector.broadcast %add3A_574 : i32 to vector<16xi32>
    %add3A_576 = arith.addi %iota3A, %add3A_575 : vector<16xi32>
    %get3A_577 = arith.constant 0 : i32
    %get3A_578 = arith.constant 0 : i32
    %get3A_579 = arith.index_cast %get3A_577 : i32 to index
    %get3A_580 = arith.index_cast %get3A_578 : i32 to index
    %get3A_581 = arith.constant 64 : index
    %get3A_582 = tpu.vector_load %arg6[%get3A_579, %get3A_580, %get3A_581] {strides = array<i32>} : memref<50x4x128xi32, #tpu.memory_space<vmem>>, vector<16xi32>,
    %ne3A_583 = arith.constant 0 : i32
    %ne3A_584 = vector.broadcast %ne3A_583 : i32 to vector<16xi32>
    %ne3A_585 = arith.cmpi ne, %get3A_582, %ne3A_584 : vector<16xi32>
    %convert_element_type3A_586 = arith.extui %ne3A_585 : vector<16xi1> to vector<16xi32>
    %scan3A_587 = arith.constant 1 : i32
    %scan3A_588 = arith.constant 49 : i32
    %scan3A_589 = arith.addi %scan3A_587, %scan3A_588 : i32
    %scan3A_590 = arith.constant 1 : i32
    %scan3A_591 = scf.for %scan3A_1735 = %scan3A_587 to %scan3A_589 step %scan3A_590 iter_args(%scan3A_1736 = %convert_element_type3A_586) -> (vector<16xi32>)  : i32 {
      %broadcast_in_dim3A_1737 = vector.broadcast %scan3A_1735 : i32 to vector<16xi32>
      %gather3A_1738 = tpu.vector_load_idx %arg5[%add3A_576, %broadcast_in_dim3A_1737] : memref<512x56xi32, #tpu.memory_space<vmem>>[vector<16xi32>, vector<16xi32>], vector<16xi32>,
      %swap3A_1739 = arith.constant 0 : i32
      %swap3A_1740 = arith.index_cast %scan3A_1735 : i32 to index
      %swap3A_1741 = arith.index_cast %swap3A_1739 : i32 to index
      %swap3A_1742 = arith.constant 64 : index
      %swap3A_1743 = tpu.vector_load %arg6[%swap3A_1740, %swap3A_1741, %swap3A_1742] {strides = array<i32>} : memref<50x4x128xi32, #tpu.memory_space<vmem>>, vector<16xi32>,
      tpu.vector_store %arg6[%swap3A_1740, %swap3A_1741, %swap3A_1742], %gather3A_1738 {strides = array<i32>} : memref<50x4x128xi32, #tpu.memory_space<vmem>>, vector<16xi32>,
      %ne3A_1744 = arith.constant 0 : i32
      %ne3A_1745 = vector.broadcast %ne3A_1744 : i32 to vector<16xi32>
      %ne3A_1746 = arith.cmpi ne, %gather3A_1738, %ne3A_1745 : vector<16xi32>
      %convert_element_type3A_1747 = arith.extui %ne3A_1746 : vector<16xi1> to vector<16xi32>
      %add3A_1748 = arith.addi %scan3A_1736, %convert_element_type3A_1747 : vector<16xi32>
      scf.yield %add3A_1748 : vector<16xi32>
    }
    %scan3A_592 = arith.constant 49 : i32
    %convert_element_type3A_593 = arith.sitofp %scan3A_591 : vector<16xi32> to vector<16xf32>
    %eq3A_594 = arith.constant 0 : i32
    %eq3A_595 = vector.broadcast %eq3A_594 : i32 to vector<16xi32>
    %eq3A_596 = arith.cmpi eq, %scan3A_591, %eq3A_595 : vector<16xi32>
    %add3A_597 = arith.constant 9.99999993E-9 : f32
    %add3A_598 = vector.broadcast %add3A_597 : f32 to vector<16xf32>
    %add3A_599 = arith.addf %convert_element_type3A_593, %add3A_598 : vector<16xf32>
    %div3A_600 = arith.constant 1.000000e+00 : f32
    %div3A_601 = vector.broadcast %div3A_600 : f32 to vector<16xf32>
    %div3A_602 = arith.divf %div3A_601, %add3A_599 : vector<16xf32>
    %jit3A_603 = arith.constant 0.000000e+00 : f32
    %broadcast_in_dim3A_604 = vector.broadcast %jit3A_603 : f32 to vector<16xf32>
    %select_n3A_605 = arith.select %eq3A_596, %broadcast_in_dim3A_604, %div3A_602 : vector<16xi1>, vector<16xf32>
    %swap3A_606 = arith.constant 64 : index
    %swap3A_607 = tpu.vector_load %arg8[%swap3A_606] {strides = array<i32>} : memref<512xf32, #tpu.memory_space<vmem>>, vector<16xf32>,
    tpu.vector_store %arg8[%swap3A_606], %select_n3A_605 {strides = array<i32>} : memref<512xf32, #tpu.memory_space<vmem>>, vector<16xf32>,
    %sub3A_608 = arith.constant 5.000000e+01 : f32
    %sub3A_609 = vector.broadcast %sub3A_608 : f32 to vector<16xf32>
    %sub3A_610 = arith.subf %sub3A_609, %convert_element_type3A_593 : vector<16xf32>
    %swap3A_611 = arith.constant 64 : index
    %swap3A_612 = tpu.vector_load %arg9[%swap3A_611] {strides = array<i32>} : memref<512xf32, #tpu.memory_space<vmem>>, vector<16xf32>,
    tpu.vector_store %arg9[%swap3A_611], %sub3A_610 {strides = array<i32>} : memref<512xf32, #tpu.memory_space<vmem>>, vector<16xf32>,
    %add3A_613 = arith.constant 80 : i32
    %add3A_614 = vector.broadcast %add3A_613 : i32 to vector<16xi32>
    %add3A_615 = arith.addi %iota3A, %add3A_614 : vector<16xi32>
    %get3A_616 = arith.constant 0 : i32
    %get3A_617 = arith.constant 0 : i32
    %get3A_618 = arith.index_cast %get3A_616 : i32 to index
    %get3A_619 = arith.index_cast %get3A_617 : i32 to index
    %get3A_620 = arith.constant 80 : index
    %get3A_621 = tpu.vector_load %arg6[%get3A_618, %get3A_619, %get3A_620] {strides = array<i32>} : memref<50x4x128xi32, #tpu.memory_space<vmem>>, vector<16xi32>,
    %ne3A_622 = arith.constant 0 : i32
    %ne3A_623 = vector.broadcast %ne3A_622 : i32 to vector<16xi32>
    %ne3A_624 = arith.cmpi ne, %get3A_621, %ne3A_623 : vector<16xi32>
    %convert_element_type3A_625 = arith.extui %ne3A_624 : vector<16xi1> to vector<16xi32>
    %scan3A_626 = arith.constant 1 : i32
    %scan3A_627 = arith.constant 49 : i32
    %scan3A_628 = arith.addi %scan3A_626, %scan3A_627 : i32
    %scan3A_629 = arith.constant 1 : i32
    %scan3A_630 = scf.for %scan3A_1735 = %scan3A_626 to %scan3A_628 step %scan3A_629 iter_args(%scan3A_1736 = %convert_element_type3A_625) -> (vector<16xi32>)  : i32 {
      %broadcast_in_dim3A_1737 = vector.broadcast %scan3A_1735 : i32 to vector<16xi32>
      %gather3A_1738 = tpu.vector_load_idx %arg5[%add3A_615, %broadcast_in_dim3A_1737] : memref<512x56xi32, #tpu.memory_space<vmem>>[vector<16xi32>, vector<16xi32>], vector<16xi32>,
      %swap3A_1739 = arith.constant 0 : i32
      %swap3A_1740 = arith.index_cast %scan3A_1735 : i32 to index
      %swap3A_1741 = arith.index_cast %swap3A_1739 : i32 to index
      %swap3A_1742 = arith.constant 80 : index
      %swap3A_1743 = tpu.vector_load %arg6[%swap3A_1740, %swap3A_1741, %swap3A_1742] {strides = array<i32>} : memref<50x4x128xi32, #tpu.memory_space<vmem>>, vector<16xi32>,
      tpu.vector_store %arg6[%swap3A_1740, %swap3A_1741, %swap3A_1742], %gather3A_1738 {strides = array<i32>} : memref<50x4x128xi32, #tpu.memory_space<vmem>>, vector<16xi32>,
      %ne3A_1744 = arith.constant 0 : i32
      %ne3A_1745 = vector.broadcast %ne3A_1744 : i32 to vector<16xi32>
      %ne3A_1746 = arith.cmpi ne, %gather3A_1738, %ne3A_1745 : vector<16xi32>
      %convert_element_type3A_1747 = arith.extui %ne3A_1746 : vector<16xi1> to vector<16xi32>
      %add3A_1748 = arith.addi %scan3A_1736, %convert_element_type3A_1747 : vector<16xi32>
      scf.yield %add3A_1748 : vector<16xi32>
    }
    %scan3A_631 = arith.constant 49 : i32
    %convert_element_type3A_632 = arith.sitofp %scan3A_630 : vector<16xi32> to vector<16xf32>
    %eq3A_633 = arith.constant 0 : i32
    %eq3A_634 = vector.broadcast %eq3A_633 : i32 to vector<16xi32>
    %eq3A_635 = arith.cmpi eq, %scan3A_630, %eq3A_634 : vector<16xi32>
    %add3A_636 = arith.constant 9.99999993E-9 : f32
    %add3A_637 = vector.broadcast %add3A_636 : f32 to vector<16xf32>
    %add3A_638 = arith.addf %convert_element_type3A_632, %add3A_637 : vector<16xf32>
    %div3A_639 = arith.constant 1.000000e+00 : f32
    %div3A_640 = vector.broadcast %div3A_639 : f32 to vector<16xf32>
    %div3A_641 = arith.divf %div3A_640, %add3A_638 : vector<16xf32>
    %jit3A_642 = arith.constant 0.000000e+00 : f32
    %broadcast_in_dim3A_643 = vector.broadcast %jit3A_642 : f32 to vector<16xf32>
    %select_n3A_644 = arith.select %eq3A_635, %broadcast_in_dim3A_643, %div3A_641 : vector<16xi1>, vector<16xf32>
    %swap3A_645 = arith.constant 80 : index
    %swap3A_646 = tpu.vector_load %arg8[%swap3A_645] {strides = array<i32>} : memref<512xf32, #tpu.memory_space<vmem>>, vector<16xf32>,
    tpu.vector_store %arg8[%swap3A_645], %select_n3A_644 {strides = array<i32>} : memref<512xf32, #tpu.memory_space<vmem>>, vector<16xf32>,
    %sub3A_647 = arith.constant 5.000000e+01 : f32
    %sub3A_648 = vector.broadcast %sub3A_647 : f32 to vector<16xf32>
    %sub3A_649 = arith.subf %sub3A_648, %convert_element_type3A_632 : vector<16xf32>
    %swap3A_650 = arith.constant 80 : index
    %swap3A_651 = tpu.vector_load %arg9[%swap3A_650] {strides = array<i32>} : memref<512xf32, #tpu.memory_space<vmem>>, vector<16xf32>,
    tpu.vector_store %arg9[%swap3A_650], %sub3A_649 {strides = array<i32>} : memref<512xf32, #tpu.memory_space<vmem>>, vector<16xf32>,
    %add3A_652 = arith.constant 96 : i32
    %add3A_653 = vector.broadcast %add3A_652 : i32 to vector<16xi32>
    %add3A_654 = arith.addi %iota3A, %add3A_653 : vector<16xi32>
    %get3A_655 = arith.constant 0 : i32
    %get3A_656 = arith.constant 0 : i32
    %get3A_657 = arith.index_cast %get3A_655 : i32 to index
    %get3A_658 = arith.index_cast %get3A_656 : i32 to index
    %get3A_659 = arith.constant 96 : index
    %get3A_660 = tpu.vector_load %arg6[%get3A_657, %get3A_658, %get3A_659] {strides = array<i32>} : memref<50x4x128xi32, #tpu.memory_space<vmem>>, vector<16xi32>,
    %ne3A_661 = arith.constant 0 : i32
    %ne3A_662 = vector.broadcast %ne3A_661 : i32 to vector<16xi32>
    %ne3A_663 = arith.cmpi ne, %get3A_660, %ne3A_662 : vector<16xi32>
    %convert_element_type3A_664 = arith.extui %ne3A_663 : vector<16xi1> to vector<16xi32>
    %scan3A_665 = arith.constant 1 : i32
    %scan3A_666 = arith.constant 49 : i32
    %scan3A_667 = arith.addi %scan3A_665, %scan3A_666 : i32
    %scan3A_668 = arith.constant 1 : i32
    %scan3A_669 = scf.for %scan3A_1735 = %scan3A_665 to %scan3A_667 step %scan3A_668 iter_args(%scan3A_1736 = %convert_element_type3A_664) -> (vector<16xi32>)  : i32 {
      %broadcast_in_dim3A_1737 = vector.broadcast %scan3A_1735 : i32 to vector<16xi32>
      %gather3A_1738 = tpu.vector_load_idx %arg5[%add3A_654, %broadcast_in_dim3A_1737] : memref<512x56xi32, #tpu.memory_space<vmem>>[vector<16xi32>, vector<16xi32>], vector<16xi32>,
      %swap3A_1739 = arith.constant 0 : i32
      %swap3A_1740 = arith.index_cast %scan3A_1735 : i32 to index
      %swap3A_1741 = arith.index_cast %swap3A_1739 : i32 to index
      %swap3A_1742 = arith.constant 96 : index
      %swap3A_1743 = tpu.vector_load %arg6[%swap3A_1740, %swap3A_1741, %swap3A_1742] {strides = array<i32>} : memref<50x4x128xi32, #tpu.memory_space<vmem>>, vector<16xi32>,
      tpu.vector_store %arg6[%swap3A_1740, %swap3A_1741, %swap3A_1742], %gather3A_1738 {strides = array<i32>} : memref<50x4x128xi32, #tpu.memory_space<vmem>>, vector<16xi32>,
      %ne3A_1744 = arith.constant 0 : i32
      %ne3A_1745 = vector.broadcast %ne3A_1744 : i32 to vector<16xi32>
      %ne3A_1746 = arith.cmpi ne, %gather3A_1738, %ne3A_1745 : vector<16xi32>
      %convert_element_type3A_1747 = arith.extui %ne3A_1746 : vector<16xi1> to vector<16xi32>
      %add3A_1748 = arith.addi %scan3A_1736, %convert_element_type3A_1747 : vector<16xi32>
      scf.yield %add3A_1748 : vector<16xi32>
    }
    %scan3A_670 = arith.constant 49 : i32
    %convert_element_type3A_671 = arith.sitofp %scan3A_669 : vector<16xi32> to vector<16xf32>
    %eq3A_672 = arith.constant 0 : i32
    %eq3A_673 = vector.broadcast %eq3A_672 : i32 to vector<16xi32>
    %eq3A_674 = arith.cmpi eq, %scan3A_669, %eq3A_673 : vector<16xi32>
    %add3A_675 = arith.constant 9.99999993E-9 : f32
    %add3A_676 = vector.broadcast %add3A_675 : f32 to vector<16xf32>
    %add3A_677 = arith.addf %convert_element_type3A_671, %add3A_676 : vector<16xf32>
    %div3A_678 = arith.constant 1.000000e+00 : f32
    %div3A_679 = vector.broadcast %div3A_678 : f32 to vector<16xf32>
    %div3A_680 = arith.divf %div3A_679, %add3A_677 : vector<16xf32>
    %jit3A_681 = arith.constant 0.000000e+00 : f32
    %broadcast_in_dim3A_682 = vector.broadcast %jit3A_681 : f32 to vector<16xf32>
    %select_n3A_683 = arith.select %eq3A_674, %broadcast_in_dim3A_682, %div3A_680 : vector<16xi1>, vector<16xf32>
    %swap3A_684 = arith.constant 96 : index
    %swap3A_685 = tpu.vector_load %arg8[%swap3A_684] {strides = array<i32>} : memref<512xf32, #tpu.memory_space<vmem>>, vector<16xf32>,
    tpu.vector_store %arg8[%swap3A_684], %select_n3A_683 {strides = array<i32>} : memref<512xf32, #tpu.memory_space<vmem>>, vector<16xf32>,
    %sub3A_686 = arith.constant 5.000000e+01 : f32
    %sub3A_687 = vector.broadcast %sub3A_686 : f32 to vector<16xf32>
    %sub3A_688 = arith.subf %sub3A_687, %convert_element_type3A_671 : vector<16xf32>
    %swap3A_689 = arith.constant 96 : index
    %swap3A_690 = tpu.vector_load %arg9[%swap3A_689] {strides = array<i32>} : memref<512xf32, #tpu.memory_space<vmem>>, vector<16xf32>,
    tpu.vector_store %arg9[%swap3A_689], %sub3A_688 {strides = array<i32>} : memref<512xf32, #tpu.memory_space<vmem>>, vector<16xf32>,
    %add3A_691 = arith.constant 112 : i32
    %add3A_692 = vector.broadcast %add3A_691 : i32 to vector<16xi32>
    %add3A_693 = arith.addi %iota3A, %add3A_692 : vector<16xi32>
    %get3A_694 = arith.constant 0 : i32
    %get3A_695 = arith.constant 0 : i32
    %get3A_696 = arith.index_cast %get3A_694 : i32 to index
    %get3A_697 = arith.index_cast %get3A_695 : i32 to index
    %get3A_698 = arith.constant 112 : index
    %get3A_699 = tpu.vector_load %arg6[%get3A_696, %get3A_697, %get3A_698] {strides = array<i32>} : memref<50x4x128xi32, #tpu.memory_space<vmem>>, vector<16xi32>,
    %ne3A_700 = arith.constant 0 : i32
    %ne3A_701 = vector.broadcast %ne3A_700 : i32 to vector<16xi32>
    %ne3A_702 = arith.cmpi ne, %get3A_699, %ne3A_701 : vector<16xi32>
    %convert_element_type3A_703 = arith.extui %ne3A_702 : vector<16xi1> to vector<16xi32>
    %scan3A_704 = arith.constant 1 : i32
    %scan3A_705 = arith.constant 49 : i32
    %scan3A_706 = arith.addi %scan3A_704, %scan3A_705 : i32
    %scan3A_707 = arith.constant 1 : i32
    %scan3A_708 = scf.for %scan3A_1735 = %scan3A_704 to %scan3A_706 step %scan3A_707 iter_args(%scan3A_1736 = %convert_element_type3A_703) -> (vector<16xi32>)  : i32 {
      %broadcast_in_dim3A_1737 = vector.broadcast %scan3A_1735 : i32 to vector<16xi32>
      %gather3A_1738 = tpu.vector_load_idx %arg5[%add3A_693, %broadcast_in_dim3A_1737] : memref<512x56xi32, #tpu.memory_space<vmem>>[vector<16xi32>, vector<16xi32>], vector<16xi32>,
      %swap3A_1739 = arith.constant 0 : i32
      %swap3A_1740 = arith.index_cast %scan3A_1735 : i32 to index
      %swap3A_1741 = arith.index_cast %swap3A_1739 : i32 to index
      %swap3A_1742 = arith.constant 112 : index
      %swap3A_1743 = tpu.vector_load %arg6[%swap3A_1740, %swap3A_1741, %swap3A_1742] {strides = array<i32>} : memref<50x4x128xi32, #tpu.memory_space<vmem>>, vector<16xi32>,
      tpu.vector_store %arg6[%swap3A_1740, %swap3A_1741, %swap3A_1742], %gather3A_1738 {strides = array<i32>} : memref<50x4x128xi32, #tpu.memory_space<vmem>>, vector<16xi32>,
      %ne3A_1744 = arith.constant 0 : i32
      %ne3A_1745 = vector.broadcast %ne3A_1744 : i32 to vector<16xi32>
      %ne3A_1746 = arith.cmpi ne, %gather3A_1738, %ne3A_1745 : vector<16xi32>
      %convert_element_type3A_1747 = arith.extui %ne3A_1746 : vector<16xi1> to vector<16xi32>
      %add3A_1748 = arith.addi %scan3A_1736, %convert_element_type3A_1747 : vector<16xi32>
      scf.yield %add3A_1748 : vector<16xi32>
    }
    %scan3A_709 = arith.constant 49 : i32
    %convert_element_type3A_710 = arith.sitofp %scan3A_708 : vector<16xi32> to vector<16xf32>
    %eq3A_711 = arith.constant 0 : i32
    %eq3A_712 = vector.broadcast %eq3A_711 : i32 to vector<16xi32>
    %eq3A_713 = arith.cmpi eq, %scan3A_708, %eq3A_712 : vector<16xi32>
    %add3A_714 = arith.constant 9.99999993E-9 : f32
    %add3A_715 = vector.broadcast %add3A_714 : f32 to vector<16xf32>
    %add3A_716 = arith.addf %convert_element_type3A_710, %add3A_715 : vector<16xf32>
    %div3A_717 = arith.constant 1.000000e+00 : f32
    %div3A_718 = vector.broadcast %div3A_717 : f32 to vector<16xf32>
    %div3A_719 = arith.divf %div3A_718, %add3A_716 : vector<16xf32>
    %jit3A_720 = arith.constant 0.000000e+00 : f32
    %broadcast_in_dim3A_721 = vector.broadcast %jit3A_720 : f32 to vector<16xf32>
    %select_n3A_722 = arith.select %eq3A_713, %broadcast_in_dim3A_721, %div3A_719 : vector<16xi1>, vector<16xf32>
    %swap3A_723 = arith.constant 112 : index
    %swap3A_724 = tpu.vector_load %arg8[%swap3A_723] {strides = array<i32>} : memref<512xf32, #tpu.memory_space<vmem>>, vector<16xf32>,
    tpu.vector_store %arg8[%swap3A_723], %select_n3A_722 {strides = array<i32>} : memref<512xf32, #tpu.memory_space<vmem>>, vector<16xf32>,
    %sub3A_725 = arith.constant 5.000000e+01 : f32
    %sub3A_726 = vector.broadcast %sub3A_725 : f32 to vector<16xf32>
    %sub3A_727 = arith.subf %sub3A_726, %convert_element_type3A_710 : vector<16xf32>
    %swap3A_728 = arith.constant 112 : index
    %swap3A_729 = tpu.vector_load %arg9[%swap3A_728] {strides = array<i32>} : memref<512xf32, #tpu.memory_space<vmem>>, vector<16xf32>,
    tpu.vector_store %arg9[%swap3A_728], %sub3A_727 {strides = array<i32>} : memref<512xf32, #tpu.memory_space<vmem>>, vector<16xf32>,
    %add3A_730 = arith.constant 128 : i32
    %add3A_731 = vector.broadcast %add3A_730 : i32 to vector<16xi32>
    %add3A_732 = arith.addi %iota3A, %add3A_731 : vector<16xi32>
    %get3A_733 = arith.constant 0 : i32
    %get3A_734 = arith.constant 1 : i32
    %get3A_735 = arith.index_cast %get3A_733 : i32 to index
    %get3A_736 = arith.index_cast %get3A_734 : i32 to index
    %get3A_737 = arith.constant 0 : index
    %get3A_738 = tpu.vector_load %arg6[%get3A_735, %get3A_736, %get3A_737] {strides = array<i32>} : memref<50x4x128xi32, #tpu.memory_space<vmem>>, vector<16xi32>,
    %ne3A_739 = arith.constant 0 : i32
    %ne3A_740 = vector.broadcast %ne3A_739 : i32 to vector<16xi32>
    %ne3A_741 = arith.cmpi ne, %get3A_738, %ne3A_740 : vector<16xi32>
    %convert_element_type3A_742 = arith.extui %ne3A_741 : vector<16xi1> to vector<16xi32>
    %scan3A_743 = arith.constant 1 : i32
    %scan3A_744 = arith.constant 49 : i32
    %scan3A_745 = arith.addi %scan3A_743, %scan3A_744 : i32
    %scan3A_746 = arith.constant 1 : i32
    %scan3A_747 = scf.for %scan3A_1735 = %scan3A_743 to %scan3A_745 step %scan3A_746 iter_args(%scan3A_1736 = %convert_element_type3A_742) -> (vector<16xi32>)  : i32 {
      %broadcast_in_dim3A_1737 = vector.broadcast %scan3A_1735 : i32 to vector<16xi32>
      %gather3A_1738 = tpu.vector_load_idx %arg5[%add3A_732, %broadcast_in_dim3A_1737] : memref<512x56xi32, #tpu.memory_space<vmem>>[vector<16xi32>, vector<16xi32>], vector<16xi32>,
      %swap3A_1739 = arith.constant 1 : i32
      %swap3A_1740 = arith.index_cast %scan3A_1735 : i32 to index
      %swap3A_1741 = arith.index_cast %swap3A_1739 : i32 to index
      %swap3A_1742 = arith.constant 0 : index
      %swap3A_1743 = tpu.vector_load %arg6[%swap3A_1740, %swap3A_1741, %swap3A_1742] {strides = array<i32>} : memref<50x4x128xi32, #tpu.memory_space<vmem>>, vector<16xi32>,
      tpu.vector_store %arg6[%swap3A_1740, %swap3A_1741, %swap3A_1742], %gather3A_1738 {strides = array<i32>} : memref<50x4x128xi32, #tpu.memory_space<vmem>>, vector<16xi32>,
      %ne3A_1744 = arith.constant 0 : i32
      %ne3A_1745 = vector.broadcast %ne3A_1744 : i32 to vector<16xi32>
      %ne3A_1746 = arith.cmpi ne, %gather3A_1738, %ne3A_1745 : vector<16xi32>
      %convert_element_type3A_1747 = arith.extui %ne3A_1746 : vector<16xi1> to vector<16xi32>
      %add3A_1748 = arith.addi %scan3A_1736, %convert_element_type3A_1747 : vector<16xi32>
      scf.yield %add3A_1748 : vector<16xi32>
    }
    %scan3A_748 = arith.constant 49 : i32
    %convert_element_type3A_749 = arith.sitofp %scan3A_747 : vector<16xi32> to vector<16xf32>
    %eq3A_750 = arith.constant 0 : i32
    %eq3A_751 = vector.broadcast %eq3A_750 : i32 to vector<16xi32>
    %eq3A_752 = arith.cmpi eq, %scan3A_747, %eq3A_751 : vector<16xi32>
    %add3A_753 = arith.constant 9.99999993E-9 : f32
    %add3A_754 = vector.broadcast %add3A_753 : f32 to vector<16xf32>
    %add3A_755 = arith.addf %convert_element_type3A_749, %add3A_754 : vector<16xf32>
    %div3A_756 = arith.constant 1.000000e+00 : f32
    %div3A_757 = vector.broadcast %div3A_756 : f32 to vector<16xf32>
    %div3A_758 = arith.divf %div3A_757, %add3A_755 : vector<16xf32>
    %jit3A_759 = arith.constant 0.000000e+00 : f32
    %broadcast_in_dim3A_760 = vector.broadcast %jit3A_759 : f32 to vector<16xf32>
    %select_n3A_761 = arith.select %eq3A_752, %broadcast_in_dim3A_760, %div3A_758 : vector<16xi1>, vector<16xf32>
    %swap3A_762 = arith.constant 128 : index
    %swap3A_763 = tpu.vector_load %arg8[%swap3A_762] {strides = array<i32>} : memref<512xf32, #tpu.memory_space<vmem>>, vector<16xf32>,
    tpu.vector_store %arg8[%swap3A_762], %select_n3A_761 {strides = array<i32>} : memref<512xf32, #tpu.memory_space<vmem>>, vector<16xf32>,
    %sub3A_764 = arith.constant 5.000000e+01 : f32
    %sub3A_765 = vector.broadcast %sub3A_764 : f32 to vector<16xf32>
    %sub3A_766 = arith.subf %sub3A_765, %convert_element_type3A_749 : vector<16xf32>
    %swap3A_767 = arith.constant 128 : index
    %swap3A_768 = tpu.vector_load %arg9[%swap3A_767] {strides = array<i32>} : memref<512xf32, #tpu.memory_space<vmem>>, vector<16xf32>,
    tpu.vector_store %arg9[%swap3A_767], %sub3A_766 {strides = array<i32>} : memref<512xf32, #tpu.memory_space<vmem>>, vector<16xf32>,
    %add3A_769 = arith.constant 144 : i32
    %add3A_770 = vector.broadcast %add3A_769 : i32 to vector<16xi32>
    %add3A_771 = arith.addi %iota3A, %add3A_770 : vector<16xi32>
    %get3A_772 = arith.constant 0 : i32
    %get3A_773 = arith.constant 1 : i32
    %get3A_774 = arith.index_cast %get3A_772 : i32 to index
    %get3A_775 = arith.index_cast %get3A_773 : i32 to index
    %get3A_776 = arith.constant 16 : index
    %get3A_777 = tpu.vector_load %arg6[%get3A_774, %get3A_775, %get3A_776] {strides = array<i32>} : memref<50x4x128xi32, #tpu.memory_space<vmem>>, vector<16xi32>,
    %ne3A_778 = arith.constant 0 : i32
    %ne3A_779 = vector.broadcast %ne3A_778 : i32 to vector<16xi32>
    %ne3A_780 = arith.cmpi ne, %get3A_777, %ne3A_779 : vector<16xi32>
    %convert_element_type3A_781 = arith.extui %ne3A_780 : vector<16xi1> to vector<16xi32>
    %scan3A_782 = arith.constant 1 : i32
    %scan3A_783 = arith.constant 49 : i32
    %scan3A_784 = arith.addi %scan3A_782, %scan3A_783 : i32
    %scan3A_785 = arith.constant 1 : i32
    %scan3A_786 = scf.for %scan3A_1735 = %scan3A_782 to %scan3A_784 step %scan3A_785 iter_args(%scan3A_1736 = %convert_element_type3A_781) -> (vector<16xi32>)  : i32 {
      %broadcast_in_dim3A_1737 = vector.broadcast %scan3A_1735 : i32 to vector<16xi32>
      %gather3A_1738 = tpu.vector_load_idx %arg5[%add3A_771, %broadcast_in_dim3A_1737] : memref<512x56xi32, #tpu.memory_space<vmem>>[vector<16xi32>, vector<16xi32>], vector<16xi32>,
      %swap3A_1739 = arith.constant 1 : i32
      %swap3A_1740 = arith.index_cast %scan3A_1735 : i32 to index
      %swap3A_1741 = arith.index_cast %swap3A_1739 : i32 to index
      %swap3A_1742 = arith.constant 16 : index
      %swap3A_1743 = tpu.vector_load %arg6[%swap3A_1740, %swap3A_1741, %swap3A_1742] {strides = array<i32>} : memref<50x4x128xi32, #tpu.memory_space<vmem>>, vector<16xi32>,
      tpu.vector_store %arg6[%swap3A_1740, %swap3A_1741, %swap3A_1742], %gather3A_1738 {strides = array<i32>} : memref<50x4x128xi32, #tpu.memory_space<vmem>>, vector<16xi32>,
      %ne3A_1744 = arith.constant 0 : i32
      %ne3A_1745 = vector.broadcast %ne3A_1744 : i32 to vector<16xi32>
      %ne3A_1746 = arith.cmpi ne, %gather3A_1738, %ne3A_1745 : vector<16xi32>
      %convert_element_type3A_1747 = arith.extui %ne3A_1746 : vector<16xi1> to vector<16xi32>
      %add3A_1748 = arith.addi %scan3A_1736, %convert_element_type3A_1747 : vector<16xi32>
      scf.yield %add3A_1748 : vector<16xi32>
    }
    %scan3A_787 = arith.constant 49 : i32
    %convert_element_type3A_788 = arith.sitofp %scan3A_786 : vector<16xi32> to vector<16xf32>
    %eq3A_789 = arith.constant 0 : i32
    %eq3A_790 = vector.broadcast %eq3A_789 : i32 to vector<16xi32>
    %eq3A_791 = arith.cmpi eq, %scan3A_786, %eq3A_790 : vector<16xi32>
    %add3A_792 = arith.constant 9.99999993E-9 : f32
    %add3A_793 = vector.broadcast %add3A_792 : f32 to vector<16xf32>
    %add3A_794 = arith.addf %convert_element_type3A_788, %add3A_793 : vector<16xf32>
    %div3A_795 = arith.constant 1.000000e+00 : f32
    %div3A_796 = vector.broadcast %div3A_795 : f32 to vector<16xf32>
    %div3A_797 = arith.divf %div3A_796, %add3A_794 : vector<16xf32>
    %jit3A_798 = arith.constant 0.000000e+00 : f32
    %broadcast_in_dim3A_799 = vector.broadcast %jit3A_798 : f32 to vector<16xf32>
    %select_n3A_800 = arith.select %eq3A_791, %broadcast_in_dim3A_799, %div3A_797 : vector<16xi1>, vector<16xf32>
    %swap3A_801 = arith.constant 144 : index
    %swap3A_802 = tpu.vector_load %arg8[%swap3A_801] {strides = array<i32>} : memref<512xf32, #tpu.memory_space<vmem>>, vector<16xf32>,
    tpu.vector_store %arg8[%swap3A_801], %select_n3A_800 {strides = array<i32>} : memref<512xf32, #tpu.memory_space<vmem>>, vector<16xf32>,
    %sub3A_803 = arith.constant 5.000000e+01 : f32
    %sub3A_804 = vector.broadcast %sub3A_803 : f32 to vector<16xf32>
    %sub3A_805 = arith.subf %sub3A_804, %convert_element_type3A_788 : vector<16xf32>
    %swap3A_806 = arith.constant 144 : index
    %swap3A_807 = tpu.vector_load %arg9[%swap3A_806] {strides = array<i32>} : memref<512xf32, #tpu.memory_space<vmem>>, vector<16xf32>,
    tpu.vector_store %arg9[%swap3A_806], %sub3A_805 {strides = array<i32>} : memref<512xf32, #tpu.memory_space<vmem>>, vector<16xf32>,
    %add3A_808 = arith.constant 160 : i32
    %add3A_809 = vector.broadcast %add3A_808 : i32 to vector<16xi32>
    %add3A_810 = arith.addi %iota3A, %add3A_809 : vector<16xi32>
    %get3A_811 = arith.constant 0 : i32
    %get3A_812 = arith.constant 1 : i32
    %get3A_813 = arith.index_cast %get3A_811 : i32 to index
    %get3A_814 = arith.index_cast %get3A_812 : i32 to index
    %get3A_815 = arith.constant 32 : index
    %get3A_816 = tpu.vector_load %arg6[%get3A_813, %get3A_814, %get3A_815] {strides = array<i32>} : memref<50x4x128xi32, #tpu.memory_space<vmem>>, vector<16xi32>,
    %ne3A_817 = arith.constant 0 : i32
    %ne3A_818 = vector.broadcast %ne3A_817 : i32 to vector<16xi32>
    %ne3A_819 = arith.cmpi ne, %get3A_816, %ne3A_818 : vector<16xi32>
    %convert_element_type3A_820 = arith.extui %ne3A_819 : vector<16xi1> to vector<16xi32>
    %scan3A_821 = arith.constant 1 : i32
    %scan3A_822 = arith.constant 49 : i32
    %scan3A_823 = arith.addi %scan3A_821, %scan3A_822 : i32
    %scan3A_824 = arith.constant 1 : i32
    %scan3A_825 = scf.for %scan3A_1735 = %scan3A_821 to %scan3A_823 step %scan3A_824 iter_args(%scan3A_1736 = %convert_element_type3A_820) -> (vector<16xi32>)  : i32 {
      %broadcast_in_dim3A_1737 = vector.broadcast %scan3A_1735 : i32 to vector<16xi32>
      %gather3A_1738 = tpu.vector_load_idx %arg5[%add3A_810, %broadcast_in_dim3A_1737] : memref<512x56xi32, #tpu.memory_space<vmem>>[vector<16xi32>, vector<16xi32>], vector<16xi32>,
      %swap3A_1739 = arith.constant 1 : i32
      %swap3A_1740 = arith.index_cast %scan3A_1735 : i32 to index
      %swap3A_1741 = arith.index_cast %swap3A_1739 : i32 to index
      %swap3A_1742 = arith.constant 32 : index
      %swap3A_1743 = tpu.vector_load %arg6[%swap3A_1740, %swap3A_1741, %swap3A_1742] {strides = array<i32>} : memref<50x4x128xi32, #tpu.memory_space<vmem>>, vector<16xi32>,
      tpu.vector_store %arg6[%swap3A_1740, %swap3A_1741, %swap3A_1742], %gather3A_1738 {strides = array<i32>} : memref<50x4x128xi32, #tpu.memory_space<vmem>>, vector<16xi32>,
      %ne3A_1744 = arith.constant 0 : i32
      %ne3A_1745 = vector.broadcast %ne3A_1744 : i32 to vector<16xi32>
      %ne3A_1746 = arith.cmpi ne, %gather3A_1738, %ne3A_1745 : vector<16xi32>
      %convert_element_type3A_1747 = arith.extui %ne3A_1746 : vector<16xi1> to vector<16xi32>
      %add3A_1748 = arith.addi %scan3A_1736, %convert_element_type3A_1747 : vector<16xi32>
      scf.yield %add3A_1748 : vector<16xi32>
    }
    %scan3A_826 = arith.constant 49 : i32
    %convert_element_type3A_827 = arith.sitofp %scan3A_825 : vector<16xi32> to vector<16xf32>
    %eq3A_828 = arith.constant 0 : i32
    %eq3A_829 = vector.broadcast %eq3A_828 : i32 to vector<16xi32>
    %eq3A_830 = arith.cmpi eq, %scan3A_825, %eq3A_829 : vector<16xi32>
    %add3A_831 = arith.constant 9.99999993E-9 : f32
    %add3A_832 = vector.broadcast %add3A_831 : f32 to vector<16xf32>
    %add3A_833 = arith.addf %convert_element_type3A_827, %add3A_832 : vector<16xf32>
    %div3A_834 = arith.constant 1.000000e+00 : f32
    %div3A_835 = vector.broadcast %div3A_834 : f32 to vector<16xf32>
    %div3A_836 = arith.divf %div3A_835, %add3A_833 : vector<16xf32>
    %jit3A_837 = arith.constant 0.000000e+00 : f32
    %broadcast_in_dim3A_838 = vector.broadcast %jit3A_837 : f32 to vector<16xf32>
    %select_n3A_839 = arith.select %eq3A_830, %broadcast_in_dim3A_838, %div3A_836 : vector<16xi1>, vector<16xf32>
    %swap3A_840 = arith.constant 160 : index
    %swap3A_841 = tpu.vector_load %arg8[%swap3A_840] {strides = array<i32>} : memref<512xf32, #tpu.memory_space<vmem>>, vector<16xf32>,
    tpu.vector_store %arg8[%swap3A_840], %select_n3A_839 {strides = array<i32>} : memref<512xf32, #tpu.memory_space<vmem>>, vector<16xf32>,
    %sub3A_842 = arith.constant 5.000000e+01 : f32
    %sub3A_843 = vector.broadcast %sub3A_842 : f32 to vector<16xf32>
    %sub3A_844 = arith.subf %sub3A_843, %convert_element_type3A_827 : vector<16xf32>
    %swap3A_845 = arith.constant 160 : index
    %swap3A_846 = tpu.vector_load %arg9[%swap3A_845] {strides = array<i32>} : memref<512xf32, #tpu.memory_space<vmem>>, vector<16xf32>,
    tpu.vector_store %arg9[%swap3A_845], %sub3A_844 {strides = array<i32>} : memref<512xf32, #tpu.memory_space<vmem>>, vector<16xf32>,
    %add3A_847 = arith.constant 176 : i32
    %add3A_848 = vector.broadcast %add3A_847 : i32 to vector<16xi32>
    %add3A_849 = arith.addi %iota3A, %add3A_848 : vector<16xi32>
    %get3A_850 = arith.constant 0 : i32
    %get3A_851 = arith.constant 1 : i32
    %get3A_852 = arith.index_cast %get3A_850 : i32 to index
    %get3A_853 = arith.index_cast %get3A_851 : i32 to index
    %get3A_854 = arith.constant 48 : index
    %get3A_855 = tpu.vector_load %arg6[%get3A_852, %get3A_853, %get3A_854] {strides = array<i32>} : memref<50x4x128xi32, #tpu.memory_space<vmem>>, vector<16xi32>,
    %ne3A_856 = arith.constant 0 : i32
    %ne3A_857 = vector.broadcast %ne3A_856 : i32 to vector<16xi32>
    %ne3A_858 = arith.cmpi ne, %get3A_855, %ne3A_857 : vector<16xi32>
    %convert_element_type3A_859 = arith.extui %ne3A_858 : vector<16xi1> to vector<16xi32>
    %scan3A_860 = arith.constant 1 : i32
    %scan3A_861 = arith.constant 49 : i32
    %scan3A_862 = arith.addi %scan3A_860, %scan3A_861 : i32
    %scan3A_863 = arith.constant 1 : i32
    %scan3A_864 = scf.for %scan3A_1735 = %scan3A_860 to %scan3A_862 step %scan3A_863 iter_args(%scan3A_1736 = %convert_element_type3A_859) -> (vector<16xi32>)  : i32 {
      %broadcast_in_dim3A_1737 = vector.broadcast %scan3A_1735 : i32 to vector<16xi32>
      %gather3A_1738 = tpu.vector_load_idx %arg5[%add3A_849, %broadcast_in_dim3A_1737] : memref<512x56xi32, #tpu.memory_space<vmem>>[vector<16xi32>, vector<16xi32>], vector<16xi32>,
      %swap3A_1739 = arith.constant 1 : i32
      %swap3A_1740 = arith.index_cast %scan3A_1735 : i32 to index
      %swap3A_1741 = arith.index_cast %swap3A_1739 : i32 to index
      %swap3A_1742 = arith.constant 48 : index
      %swap3A_1743 = tpu.vector_load %arg6[%swap3A_1740, %swap3A_1741, %swap3A_1742] {strides = array<i32>} : memref<50x4x128xi32, #tpu.memory_space<vmem>>, vector<16xi32>,
      tpu.vector_store %arg6[%swap3A_1740, %swap3A_1741, %swap3A_1742], %gather3A_1738 {strides = array<i32>} : memref<50x4x128xi32, #tpu.memory_space<vmem>>, vector<16xi32>,
      %ne3A_1744 = arith.constant 0 : i32
      %ne3A_1745 = vector.broadcast %ne3A_1744 : i32 to vector<16xi32>
      %ne3A_1746 = arith.cmpi ne, %gather3A_1738, %ne3A_1745 : vector<16xi32>
      %convert_element_type3A_1747 = arith.extui %ne3A_1746 : vector<16xi1> to vector<16xi32>
      %add3A_1748 = arith.addi %scan3A_1736, %convert_element_type3A_1747 : vector<16xi32>
      scf.yield %add3A_1748 : vector<16xi32>
    }
    %scan3A_865 = arith.constant 49 : i32
    %convert_element_type3A_866 = arith.sitofp %scan3A_864 : vector<16xi32> to vector<16xf32>
    %eq3A_867 = arith.constant 0 : i32
    %eq3A_868 = vector.broadcast %eq3A_867 : i32 to vector<16xi32>
    %eq3A_869 = arith.cmpi eq, %scan3A_864, %eq3A_868 : vector<16xi32>
    %add3A_870 = arith.constant 9.99999993E-9 : f32
    %add3A_871 = vector.broadcast %add3A_870 : f32 to vector<16xf32>
    %add3A_872 = arith.addf %convert_element_type3A_866, %add3A_871 : vector<16xf32>
    %div3A_873 = arith.constant 1.000000e+00 : f32
    %div3A_874 = vector.broadcast %div3A_873 : f32 to vector<16xf32>
    %div3A_875 = arith.divf %div3A_874, %add3A_872 : vector<16xf32>
    %jit3A_876 = arith.constant 0.000000e+00 : f32
    %broadcast_in_dim3A_877 = vector.broadcast %jit3A_876 : f32 to vector<16xf32>
    %select_n3A_878 = arith.select %eq3A_869, %broadcast_in_dim3A_877, %div3A_875 : vector<16xi1>, vector<16xf32>
    %swap3A_879 = arith.constant 176 : index
    %swap3A_880 = tpu.vector_load %arg8[%swap3A_879] {strides = array<i32>} : memref<512xf32, #tpu.memory_space<vmem>>, vector<16xf32>,
    tpu.vector_store %arg8[%swap3A_879], %select_n3A_878 {strides = array<i32>} : memref<512xf32, #tpu.memory_space<vmem>>, vector<16xf32>,
    %sub3A_881 = arith.constant 5.000000e+01 : f32
    %sub3A_882 = vector.broadcast %sub3A_881 : f32 to vector<16xf32>
    %sub3A_883 = arith.subf %sub3A_882, %convert_element_type3A_866 : vector<16xf32>
    %swap3A_884 = arith.constant 176 : index
    %swap3A_885 = tpu.vector_load %arg9[%swap3A_884] {strides = array<i32>} : memref<512xf32, #tpu.memory_space<vmem>>, vector<16xf32>,
    tpu.vector_store %arg9[%swap3A_884], %sub3A_883 {strides = array<i32>} : memref<512xf32, #tpu.memory_space<vmem>>, vector<16xf32>,
    %add3A_886 = arith.constant 192 : i32
    %add3A_887 = vector.broadcast %add3A_886 : i32 to vector<16xi32>
    %add3A_888 = arith.addi %iota3A, %add3A_887 : vector<16xi32>
    %get3A_889 = arith.constant 0 : i32
    %get3A_890 = arith.constant 1 : i32
    %get3A_891 = arith.index_cast %get3A_889 : i32 to index
    %get3A_892 = arith.index_cast %get3A_890 : i32 to index
    %get3A_893 = arith.constant 64 : index
    %get3A_894 = tpu.vector_load %arg6[%get3A_891, %get3A_892, %get3A_893] {strides = array<i32>} : memref<50x4x128xi32, #tpu.memory_space<vmem>>, vector<16xi32>,
    %ne3A_895 = arith.constant 0 : i32
    %ne3A_896 = vector.broadcast %ne3A_895 : i32 to vector<16xi32>
    %ne3A_897 = arith.cmpi ne, %get3A_894, %ne3A_896 : vector<16xi32>
    %convert_element_type3A_898 = arith.extui %ne3A_897 : vector<16xi1> to vector<16xi32>
    %scan3A_899 = arith.constant 1 : i32
    %scan3A_900 = arith.constant 49 : i32
    %scan3A_901 = arith.addi %scan3A_899, %scan3A_900 : i32
    %scan3A_902 = arith.constant 1 : i32
    %scan3A_903 = scf.for %scan3A_1735 = %scan3A_899 to %scan3A_901 step %scan3A_902 iter_args(%scan3A_1736 = %convert_element_type3A_898) -> (vector<16xi32>)  : i32 {
      %broadcast_in_dim3A_1737 = vector.broadcast %scan3A_1735 : i32 to vector<16xi32>
      %gather3A_1738 = tpu.vector_load_idx %arg5[%add3A_888, %broadcast_in_dim3A_1737] : memref<512x56xi32, #tpu.memory_space<vmem>>[vector<16xi32>, vector<16xi32>], vector<16xi32>,
      %swap3A_1739 = arith.constant 1 : i32
      %swap3A_1740 = arith.index_cast %scan3A_1735 : i32 to index
      %swap3A_1741 = arith.index_cast %swap3A_1739 : i32 to index
      %swap3A_1742 = arith.constant 64 : index
      %swap3A_1743 = tpu.vector_load %arg6[%swap3A_1740, %swap3A_1741, %swap3A_1742] {strides = array<i32>} : memref<50x4x128xi32, #tpu.memory_space<vmem>>, vector<16xi32>,
      tpu.vector_store %arg6[%swap3A_1740, %swap3A_1741, %swap3A_1742], %gather3A_1738 {strides = array<i32>} : memref<50x4x128xi32, #tpu.memory_space<vmem>>, vector<16xi32>,
      %ne3A_1744 = arith.constant 0 : i32
      %ne3A_1745 = vector.broadcast %ne3A_1744 : i32 to vector<16xi32>
      %ne3A_1746 = arith.cmpi ne, %gather3A_1738, %ne3A_1745 : vector<16xi32>
      %convert_element_type3A_1747 = arith.extui %ne3A_1746 : vector<16xi1> to vector<16xi32>
      %add3A_1748 = arith.addi %scan3A_1736, %convert_element_type3A_1747 : vector<16xi32>
      scf.yield %add3A_1748 : vector<16xi32>
    }
    %scan3A_904 = arith.constant 49 : i32
    %convert_element_type3A_905 = arith.sitofp %scan3A_903 : vector<16xi32> to vector<16xf32>
    %eq3A_906 = arith.constant 0 : i32
    %eq3A_907 = vector.broadcast %eq3A_906 : i32 to vector<16xi32>
    %eq3A_908 = arith.cmpi eq, %scan3A_903, %eq3A_907 : vector<16xi32>
    %add3A_909 = arith.constant 9.99999993E-9 : f32
    %add3A_910 = vector.broadcast %add3A_909 : f32 to vector<16xf32>
    %add3A_911 = arith.addf %convert_element_type3A_905, %add3A_910 : vector<16xf32>
    %div3A_912 = arith.constant 1.000000e+00 : f32
    %div3A_913 = vector.broadcast %div3A_912 : f32 to vector<16xf32>
    %div3A_914 = arith.divf %div3A_913, %add3A_911 : vector<16xf32>
    %jit3A_915 = arith.constant 0.000000e+00 : f32
    %broadcast_in_dim3A_916 = vector.broadcast %jit3A_915 : f32 to vector<16xf32>
    %select_n3A_917 = arith.select %eq3A_908, %broadcast_in_dim3A_916, %div3A_914 : vector<16xi1>, vector<16xf32>
    %swap3A_918 = arith.constant 192 : index
    %swap3A_919 = tpu.vector_load %arg8[%swap3A_918] {strides = array<i32>} : memref<512xf32, #tpu.memory_space<vmem>>, vector<16xf32>,
    tpu.vector_store %arg8[%swap3A_918], %select_n3A_917 {strides = array<i32>} : memref<512xf32, #tpu.memory_space<vmem>>, vector<16xf32>,
    %sub3A_920 = arith.constant 5.000000e+01 : f32
    %sub3A_921 = vector.broadcast %sub3A_920 : f32 to vector<16xf32>
    %sub3A_922 = arith.subf %sub3A_921, %convert_element_type3A_905 : vector<16xf32>
    %swap3A_923 = arith.constant 192 : index
    %swap3A_924 = tpu.vector_load %arg9[%swap3A_923] {strides = array<i32>} : memref<512xf32, #tpu.memory_space<vmem>>, vector<16xf32>,
    tpu.vector_store %arg9[%swap3A_923], %sub3A_922 {strides = array<i32>} : memref<512xf32, #tpu.memory_space<vmem>>, vector<16xf32>,
    %add3A_925 = arith.constant 208 : i32
    %add3A_926 = vector.broadcast %add3A_925 : i32 to vector<16xi32>
    %add3A_927 = arith.addi %iota3A, %add3A_926 : vector<16xi32>
    %get3A_928 = arith.constant 0 : i32
    %get3A_929 = arith.constant 1 : i32
    %get3A_930 = arith.index_cast %get3A_928 : i32 to index
    %get3A_931 = arith.index_cast %get3A_929 : i32 to index
    %get3A_932 = arith.constant 80 : index
    %get3A_933 = tpu.vector_load %arg6[%get3A_930, %get3A_931, %get3A_932] {strides = array<i32>} : memref<50x4x128xi32, #tpu.memory_space<vmem>>, vector<16xi32>,
    %ne3A_934 = arith.constant 0 : i32
    %ne3A_935 = vector.broadcast %ne3A_934 : i32 to vector<16xi32>
    %ne3A_936 = arith.cmpi ne, %get3A_933, %ne3A_935 : vector<16xi32>
    %convert_element_type3A_937 = arith.extui %ne3A_936 : vector<16xi1> to vector<16xi32>
    %scan3A_938 = arith.constant 1 : i32
    %scan3A_939 = arith.constant 49 : i32
    %scan3A_940 = arith.addi %scan3A_938, %scan3A_939 : i32
    %scan3A_941 = arith.constant 1 : i32
    %scan3A_942 = scf.for %scan3A_1735 = %scan3A_938 to %scan3A_940 step %scan3A_941 iter_args(%scan3A_1736 = %convert_element_type3A_937) -> (vector<16xi32>)  : i32 {
      %broadcast_in_dim3A_1737 = vector.broadcast %scan3A_1735 : i32 to vector<16xi32>
      %gather3A_1738 = tpu.vector_load_idx %arg5[%add3A_927, %broadcast_in_dim3A_1737] : memref<512x56xi32, #tpu.memory_space<vmem>>[vector<16xi32>, vector<16xi32>], vector<16xi32>,
      %swap3A_1739 = arith.constant 1 : i32
      %swap3A_1740 = arith.index_cast %scan3A_1735 : i32 to index
      %swap3A_1741 = arith.index_cast %swap3A_1739 : i32 to index
      %swap3A_1742 = arith.constant 80 : index
      %swap3A_1743 = tpu.vector_load %arg6[%swap3A_1740, %swap3A_1741, %swap3A_1742] {strides = array<i32>} : memref<50x4x128xi32, #tpu.memory_space<vmem>>, vector<16xi32>,
      tpu.vector_store %arg6[%swap3A_1740, %swap3A_1741, %swap3A_1742], %gather3A_1738 {strides = array<i32>} : memref<50x4x128xi32, #tpu.memory_space<vmem>>, vector<16xi32>,
      %ne3A_1744 = arith.constant 0 : i32
      %ne3A_1745 = vector.broadcast %ne3A_1744 : i32 to vector<16xi32>
      %ne3A_1746 = arith.cmpi ne, %gather3A_1738, %ne3A_1745 : vector<16xi32>
      %convert_element_type3A_1747 = arith.extui %ne3A_1746 : vector<16xi1> to vector<16xi32>
      %add3A_1748 = arith.addi %scan3A_1736, %convert_element_type3A_1747 : vector<16xi32>
      scf.yield %add3A_1748 : vector<16xi32>
    }
    %scan3A_943 = arith.constant 49 : i32
    %convert_element_type3A_944 = arith.sitofp %scan3A_942 : vector<16xi32> to vector<16xf32>
    %eq3A_945 = arith.constant 0 : i32
    %eq3A_946 = vector.broadcast %eq3A_945 : i32 to vector<16xi32>
    %eq3A_947 = arith.cmpi eq, %scan3A_942, %eq3A_946 : vector<16xi32>
    %add3A_948 = arith.constant 9.99999993E-9 : f32
    %add3A_949 = vector.broadcast %add3A_948 : f32 to vector<16xf32>
    %add3A_950 = arith.addf %convert_element_type3A_944, %add3A_949 : vector<16xf32>
    %div3A_951 = arith.constant 1.000000e+00 : f32
    %div3A_952 = vector.broadcast %div3A_951 : f32 to vector<16xf32>
    %div3A_953 = arith.divf %div3A_952, %add3A_950 : vector<16xf32>
    %jit3A_954 = arith.constant 0.000000e+00 : f32
    %broadcast_in_dim3A_955 = vector.broadcast %jit3A_954 : f32 to vector<16xf32>
    %select_n3A_956 = arith.select %eq3A_947, %broadcast_in_dim3A_955, %div3A_953 : vector<16xi1>, vector<16xf32>
    %swap3A_957 = arith.constant 208 : index
    %swap3A_958 = tpu.vector_load %arg8[%swap3A_957] {strides = array<i32>} : memref<512xf32, #tpu.memory_space<vmem>>, vector<16xf32>,
    tpu.vector_store %arg8[%swap3A_957], %select_n3A_956 {strides = array<i32>} : memref<512xf32, #tpu.memory_space<vmem>>, vector<16xf32>,
    %sub3A_959 = arith.constant 5.000000e+01 : f32
    %sub3A_960 = vector.broadcast %sub3A_959 : f32 to vector<16xf32>
    %sub3A_961 = arith.subf %sub3A_960, %convert_element_type3A_944 : vector<16xf32>
    %swap3A_962 = arith.constant 208 : index
    %swap3A_963 = tpu.vector_load %arg9[%swap3A_962] {strides = array<i32>} : memref<512xf32, #tpu.memory_space<vmem>>, vector<16xf32>,
    tpu.vector_store %arg9[%swap3A_962], %sub3A_961 {strides = array<i32>} : memref<512xf32, #tpu.memory_space<vmem>>, vector<16xf32>,
    %add3A_964 = arith.constant 224 : i32
    %add3A_965 = vector.broadcast %add3A_964 : i32 to vector<16xi32>
    %add3A_966 = arith.addi %iota3A, %add3A_965 : vector<16xi32>
    %get3A_967 = arith.constant 0 : i32
    %get3A_968 = arith.constant 1 : i32
    %get3A_969 = arith.index_cast %get3A_967 : i32 to index
    %get3A_970 = arith.index_cast %get3A_968 : i32 to index
    %get3A_971 = arith.constant 96 : index
    %get3A_972 = tpu.vector_load %arg6[%get3A_969, %get3A_970, %get3A_971] {strides = array<i32>} : memref<50x4x128xi32, #tpu.memory_space<vmem>>, vector<16xi32>,
    %ne3A_973 = arith.constant 0 : i32
    %ne3A_974 = vector.broadcast %ne3A_973 : i32 to vector<16xi32>
    %ne3A_975 = arith.cmpi ne, %get3A_972, %ne3A_974 : vector<16xi32>
    %convert_element_type3A_976 = arith.extui %ne3A_975 : vector<16xi1> to vector<16xi32>
    %scan3A_977 = arith.constant 1 : i32
    %scan3A_978 = arith.constant 49 : i32
    %scan3A_979 = arith.addi %scan3A_977, %scan3A_978 : i32
    %scan3A_980 = arith.constant 1 : i32
    %scan3A_981 = scf.for %scan3A_1735 = %scan3A_977 to %scan3A_979 step %scan3A_980 iter_args(%scan3A_1736 = %convert_element_type3A_976) -> (vector<16xi32>)  : i32 {
      %broadcast_in_dim3A_1737 = vector.broadcast %scan3A_1735 : i32 to vector<16xi32>
      %gather3A_1738 = tpu.vector_load_idx %arg5[%add3A_966, %broadcast_in_dim3A_1737] : memref<512x56xi32, #tpu.memory_space<vmem>>[vector<16xi32>, vector<16xi32>], vector<16xi32>,
      %swap3A_1739 = arith.constant 1 : i32
      %swap3A_1740 = arith.index_cast %scan3A_1735 : i32 to index
      %swap3A_1741 = arith.index_cast %swap3A_1739 : i32 to index
      %swap3A_1742 = arith.constant 96 : index
      %swap3A_1743 = tpu.vector_load %arg6[%swap3A_1740, %swap3A_1741, %swap3A_1742] {strides = array<i32>} : memref<50x4x128xi32, #tpu.memory_space<vmem>>, vector<16xi32>,
      tpu.vector_store %arg6[%swap3A_1740, %swap3A_1741, %swap3A_1742], %gather3A_1738 {strides = array<i32>} : memref<50x4x128xi32, #tpu.memory_space<vmem>>, vector<16xi32>,
      %ne3A_1744 = arith.constant 0 : i32
      %ne3A_1745 = vector.broadcast %ne3A_1744 : i32 to vector<16xi32>
      %ne3A_1746 = arith.cmpi ne, %gather3A_1738, %ne3A_1745 : vector<16xi32>
      %convert_element_type3A_1747 = arith.extui %ne3A_1746 : vector<16xi1> to vector<16xi32>
      %add3A_1748 = arith.addi %scan3A_1736, %convert_element_type3A_1747 : vector<16xi32>
      scf.yield %add3A_1748 : vector<16xi32>
    }
    %scan3A_982 = arith.constant 49 : i32
    %convert_element_type3A_983 = arith.sitofp %scan3A_981 : vector<16xi32> to vector<16xf32>
    %eq3A_984 = arith.constant 0 : i32
    %eq3A_985 = vector.broadcast %eq3A_984 : i32 to vector<16xi32>
    %eq3A_986 = arith.cmpi eq, %scan3A_981, %eq3A_985 : vector<16xi32>
    %add3A_987 = arith.constant 9.99999993E-9 : f32
    %add3A_988 = vector.broadcast %add3A_987 : f32 to vector<16xf32>
    %add3A_989 = arith.addf %convert_element_type3A_983, %add3A_988 : vector<16xf32>
    %div3A_990 = arith.constant 1.000000e+00 : f32
    %div3A_991 = vector.broadcast %div3A_990 : f32 to vector<16xf32>
    %div3A_992 = arith.divf %div3A_991, %add3A_989 : vector<16xf32>
    %jit3A_993 = arith.constant 0.000000e+00 : f32
    %broadcast_in_dim3A_994 = vector.broadcast %jit3A_993 : f32 to vector<16xf32>
    %select_n3A_995 = arith.select %eq3A_986, %broadcast_in_dim3A_994, %div3A_992 : vector<16xi1>, vector<16xf32>
    %swap3A_996 = arith.constant 224 : index
    %swap3A_997 = tpu.vector_load %arg8[%swap3A_996] {strides = array<i32>} : memref<512xf32, #tpu.memory_space<vmem>>, vector<16xf32>,
    tpu.vector_store %arg8[%swap3A_996], %select_n3A_995 {strides = array<i32>} : memref<512xf32, #tpu.memory_space<vmem>>, vector<16xf32>,
    %sub3A_998 = arith.constant 5.000000e+01 : f32
    %sub3A_999 = vector.broadcast %sub3A_998 : f32 to vector<16xf32>
    %sub3A_1000 = arith.subf %sub3A_999, %convert_element_type3A_983 : vector<16xf32>
    %swap3A_1001 = arith.constant 224 : index
    %swap3A_1002 = tpu.vector_load %arg9[%swap3A_1001] {strides = array<i32>} : memref<512xf32, #tpu.memory_space<vmem>>, vector<16xf32>,
    tpu.vector_store %arg9[%swap3A_1001], %sub3A_1000 {strides = array<i32>} : memref<512xf32, #tpu.memory_space<vmem>>, vector<16xf32>,
    %add3A_1003 = arith.constant 240 : i32
    %add3A_1004 = vector.broadcast %add3A_1003 : i32 to vector<16xi32>
    %add3A_1005 = arith.addi %iota3A, %add3A_1004 : vector<16xi32>
    %get3A_1006 = arith.constant 0 : i32
    %get3A_1007 = arith.constant 1 : i32
    %get3A_1008 = arith.index_cast %get3A_1006 : i32 to index
    %get3A_1009 = arith.index_cast %get3A_1007 : i32 to index
    %get3A_1010 = arith.constant 112 : index
    %get3A_1011 = tpu.vector_load %arg6[%get3A_1008, %get3A_1009, %get3A_1010] {strides = array<i32>} : memref<50x4x128xi32, #tpu.memory_space<vmem>>, vector<16xi32>,
    %ne3A_1012 = arith.constant 0 : i32
    %ne3A_1013 = vector.broadcast %ne3A_1012 : i32 to vector<16xi32>
    %ne3A_1014 = arith.cmpi ne, %get3A_1011, %ne3A_1013 : vector<16xi32>
    %convert_element_type3A_1015 = arith.extui %ne3A_1014 : vector<16xi1> to vector<16xi32>
    %scan3A_1016 = arith.constant 1 : i32
    %scan3A_1017 = arith.constant 49 : i32
    %scan3A_1018 = arith.addi %scan3A_1016, %scan3A_1017 : i32
    %scan3A_1019 = arith.constant 1 : i32
    %scan3A_1020 = scf.for %scan3A_1735 = %scan3A_1016 to %scan3A_1018 step %scan3A_1019 iter_args(%scan3A_1736 = %convert_element_type3A_1015) -> (vector<16xi32>)  : i32 {
      %broadcast_in_dim3A_1737 = vector.broadcast %scan3A_1735 : i32 to vector<16xi32>
      %gather3A_1738 = tpu.vector_load_idx %arg5[%add3A_1005, %broadcast_in_dim3A_1737] : memref<512x56xi32, #tpu.memory_space<vmem>>[vector<16xi32>, vector<16xi32>], vector<16xi32>,
      %swap3A_1739 = arith.constant 1 : i32
      %swap3A_1740 = arith.index_cast %scan3A_1735 : i32 to index
      %swap3A_1741 = arith.index_cast %swap3A_1739 : i32 to index
      %swap3A_1742 = arith.constant 112 : index
      %swap3A_1743 = tpu.vector_load %arg6[%swap3A_1740, %swap3A_1741, %swap3A_1742] {strides = array<i32>} : memref<50x4x128xi32, #tpu.memory_space<vmem>>, vector<16xi32>,
      tpu.vector_store %arg6[%swap3A_1740, %swap3A_1741, %swap3A_1742], %gather3A_1738 {strides = array<i32>} : memref<50x4x128xi32, #tpu.memory_space<vmem>>, vector<16xi32>,
      %ne3A_1744 = arith.constant 0 : i32
      %ne3A_1745 = vector.broadcast %ne3A_1744 : i32 to vector<16xi32>
      %ne3A_1746 = arith.cmpi ne, %gather3A_1738, %ne3A_1745 : vector<16xi32>
      %convert_element_type3A_1747 = arith.extui %ne3A_1746 : vector<16xi1> to vector<16xi32>
      %add3A_1748 = arith.addi %scan3A_1736, %convert_element_type3A_1747 : vector<16xi32>
      scf.yield %add3A_1748 : vector<16xi32>
    }
    %scan3A_1021 = arith.constant 49 : i32
    %convert_element_type3A_1022 = arith.sitofp %scan3A_1020 : vector<16xi32> to vector<16xf32>
    %eq3A_1023 = arith.constant 0 : i32
    %eq3A_1024 = vector.broadcast %eq3A_1023 : i32 to vector<16xi32>
    %eq3A_1025 = arith.cmpi eq, %scan3A_1020, %eq3A_1024 : vector<16xi32>
    %add3A_1026 = arith.constant 9.99999993E-9 : f32
    %add3A_1027 = vector.broadcast %add3A_1026 : f32 to vector<16xf32>
    %add3A_1028 = arith.addf %convert_element_type3A_1022, %add3A_1027 : vector<16xf32>
    %div3A_1029 = arith.constant 1.000000e+00 : f32
    %div3A_1030 = vector.broadcast %div3A_1029 : f32 to vector<16xf32>
    %div3A_1031 = arith.divf %div3A_1030, %add3A_1028 : vector<16xf32>
    %jit3A_1032 = arith.constant 0.000000e+00 : f32
    %broadcast_in_dim3A_1033 = vector.broadcast %jit3A_1032 : f32 to vector<16xf32>
    %select_n3A_1034 = arith.select %eq3A_1025, %broadcast_in_dim3A_1033, %div3A_1031 : vector<16xi1>, vector<16xf32>
    %swap3A_1035 = arith.constant 240 : index
    %swap3A_1036 = tpu.vector_load %arg8[%swap3A_1035] {strides = array<i32>} : memref<512xf32, #tpu.memory_space<vmem>>, vector<16xf32>,
    tpu.vector_store %arg8[%swap3A_1035], %select_n3A_1034 {strides = array<i32>} : memref<512xf32, #tpu.memory_space<vmem>>, vector<16xf32>,
    %sub3A_1037 = arith.constant 5.000000e+01 : f32
    %sub3A_1038 = vector.broadcast %sub3A_1037 : f32 to vector<16xf32>
    %sub3A_1039 = arith.subf %sub3A_1038, %convert_element_type3A_1022 : vector<16xf32>
    %swap3A_1040 = arith.constant 240 : index
    %swap3A_1041 = tpu.vector_load %arg9[%swap3A_1040] {strides = array<i32>} : memref<512xf32, #tpu.memory_space<vmem>>, vector<16xf32>,
    tpu.vector_store %arg9[%swap3A_1040], %sub3A_1039 {strides = array<i32>} : memref<512xf32, #tpu.memory_space<vmem>>, vector<16xf32>,
    %add3A_1042 = arith.constant 256 : i32
    %add3A_1043 = vector.broadcast %add3A_1042 : i32 to vector<16xi32>
    %add3A_1044 = arith.addi %iota3A, %add3A_1043 : vector<16xi32>
    %get3A_1045 = arith.constant 0 : i32
    %get3A_1046 = arith.constant 2 : i32
    %get3A_1047 = arith.index_cast %get3A_1045 : i32 to index
    %get3A_1048 = arith.index_cast %get3A_1046 : i32 to index
    %get3A_1049 = arith.constant 0 : index
    %get3A_1050 = tpu.vector_load %arg6[%get3A_1047, %get3A_1048, %get3A_1049] {strides = array<i32>} : memref<50x4x128xi32, #tpu.memory_space<vmem>>, vector<16xi32>,
    %ne3A_1051 = arith.constant 0 : i32
    %ne3A_1052 = vector.broadcast %ne3A_1051 : i32 to vector<16xi32>
    %ne3A_1053 = arith.cmpi ne, %get3A_1050, %ne3A_1052 : vector<16xi32>
    %convert_element_type3A_1054 = arith.extui %ne3A_1053 : vector<16xi1> to vector<16xi32>
    %scan3A_1055 = arith.constant 1 : i32
    %scan3A_1056 = arith.constant 49 : i32
    %scan3A_1057 = arith.addi %scan3A_1055, %scan3A_1056 : i32
    %scan3A_1058 = arith.constant 1 : i32
    %scan3A_1059 = scf.for %scan3A_1735 = %scan3A_1055 to %scan3A_1057 step %scan3A_1058 iter_args(%scan3A_1736 = %convert_element_type3A_1054) -> (vector<16xi32>)  : i32 {
      %broadcast_in_dim3A_1737 = vector.broadcast %scan3A_1735 : i32 to vector<16xi32>
      %gather3A_1738 = tpu.vector_load_idx %arg5[%add3A_1044, %broadcast_in_dim3A_1737] : memref<512x56xi32, #tpu.memory_space<vmem>>[vector<16xi32>, vector<16xi32>], vector<16xi32>,
      %swap3A_1739 = arith.constant 2 : i32
      %swap3A_1740 = arith.index_cast %scan3A_1735 : i32 to index
      %swap3A_1741 = arith.index_cast %swap3A_1739 : i32 to index
      %swap3A_1742 = arith.constant 0 : index
      %swap3A_1743 = tpu.vector_load %arg6[%swap3A_1740, %swap3A_1741, %swap3A_1742] {strides = array<i32>} : memref<50x4x128xi32, #tpu.memory_space<vmem>>, vector<16xi32>,
      tpu.vector_store %arg6[%swap3A_1740, %swap3A_1741, %swap3A_1742], %gather3A_1738 {strides = array<i32>} : memref<50x4x128xi32, #tpu.memory_space<vmem>>, vector<16xi32>,
      %ne3A_1744 = arith.constant 0 : i32
      %ne3A_1745 = vector.broadcast %ne3A_1744 : i32 to vector<16xi32>
      %ne3A_1746 = arith.cmpi ne, %gather3A_1738, %ne3A_1745 : vector<16xi32>
      %convert_element_type3A_1747 = arith.extui %ne3A_1746 : vector<16xi1> to vector<16xi32>
      %add3A_1748 = arith.addi %scan3A_1736, %convert_element_type3A_1747 : vector<16xi32>
      scf.yield %add3A_1748 : vector<16xi32>
    }
    %scan3A_1060 = arith.constant 49 : i32
    %convert_element_type3A_1061 = arith.sitofp %scan3A_1059 : vector<16xi32> to vector<16xf32>
    %eq3A_1062 = arith.constant 0 : i32
    %eq3A_1063 = vector.broadcast %eq3A_1062 : i32 to vector<16xi32>
    %eq3A_1064 = arith.cmpi eq, %scan3A_1059, %eq3A_1063 : vector<16xi32>
    %add3A_1065 = arith.constant 9.99999993E-9 : f32
    %add3A_1066 = vector.broadcast %add3A_1065 : f32 to vector<16xf32>
    %add3A_1067 = arith.addf %convert_element_type3A_1061, %add3A_1066 : vector<16xf32>
    %div3A_1068 = arith.constant 1.000000e+00 : f32
    %div3A_1069 = vector.broadcast %div3A_1068 : f32 to vector<16xf32>
    %div3A_1070 = arith.divf %div3A_1069, %add3A_1067 : vector<16xf32>
    %jit3A_1071 = arith.constant 0.000000e+00 : f32
    %broadcast_in_dim3A_1072 = vector.broadcast %jit3A_1071 : f32 to vector<16xf32>
    %select_n3A_1073 = arith.select %eq3A_1064, %broadcast_in_dim3A_1072, %div3A_1070 : vector<16xi1>, vector<16xf32>
    %swap3A_1074 = arith.constant 256 : index
    %swap3A_1075 = tpu.vector_load %arg8[%swap3A_1074] {strides = array<i32>} : memref<512xf32, #tpu.memory_space<vmem>>, vector<16xf32>,
    tpu.vector_store %arg8[%swap3A_1074], %select_n3A_1073 {strides = array<i32>} : memref<512xf32, #tpu.memory_space<vmem>>, vector<16xf32>,
    %sub3A_1076 = arith.constant 5.000000e+01 : f32
    %sub3A_1077 = vector.broadcast %sub3A_1076 : f32 to vector<16xf32>
    %sub3A_1078 = arith.subf %sub3A_1077, %convert_element_type3A_1061 : vector<16xf32>
    %swap3A_1079 = arith.constant 256 : index
    %swap3A_1080 = tpu.vector_load %arg9[%swap3A_1079] {strides = array<i32>} : memref<512xf32, #tpu.memory_space<vmem>>, vector<16xf32>,
    tpu.vector_store %arg9[%swap3A_1079], %sub3A_1078 {strides = array<i32>} : memref<512xf32, #tpu.memory_space<vmem>>, vector<16xf32>,
    %add3A_1081 = arith.constant 272 : i32
    %add3A_1082 = vector.broadcast %add3A_1081 : i32 to vector<16xi32>
    %add3A_1083 = arith.addi %iota3A, %add3A_1082 : vector<16xi32>
    %get3A_1084 = arith.constant 0 : i32
    %get3A_1085 = arith.constant 2 : i32
    %get3A_1086 = arith.index_cast %get3A_1084 : i32 to index
    %get3A_1087 = arith.index_cast %get3A_1085 : i32 to index
    %get3A_1088 = arith.constant 16 : index
    %get3A_1089 = tpu.vector_load %arg6[%get3A_1086, %get3A_1087, %get3A_1088] {strides = array<i32>} : memref<50x4x128xi32, #tpu.memory_space<vmem>>, vector<16xi32>,
    %ne3A_1090 = arith.constant 0 : i32
    %ne3A_1091 = vector.broadcast %ne3A_1090 : i32 to vector<16xi32>
    %ne3A_1092 = arith.cmpi ne, %get3A_1089, %ne3A_1091 : vector<16xi32>
    %convert_element_type3A_1093 = arith.extui %ne3A_1092 : vector<16xi1> to vector<16xi32>
    %scan3A_1094 = arith.constant 1 : i32
    %scan3A_1095 = arith.constant 49 : i32
    %scan3A_1096 = arith.addi %scan3A_1094, %scan3A_1095 : i32
    %scan3A_1097 = arith.constant 1 : i32
    %scan3A_1098 = scf.for %scan3A_1735 = %scan3A_1094 to %scan3A_1096 step %scan3A_1097 iter_args(%scan3A_1736 = %convert_element_type3A_1093) -> (vector<16xi32>)  : i32 {
      %broadcast_in_dim3A_1737 = vector.broadcast %scan3A_1735 : i32 to vector<16xi32>
      %gather3A_1738 = tpu.vector_load_idx %arg5[%add3A_1083, %broadcast_in_dim3A_1737] : memref<512x56xi32, #tpu.memory_space<vmem>>[vector<16xi32>, vector<16xi32>], vector<16xi32>,
      %swap3A_1739 = arith.constant 2 : i32
      %swap3A_1740 = arith.index_cast %scan3A_1735 : i32 to index
      %swap3A_1741 = arith.index_cast %swap3A_1739 : i32 to index
      %swap3A_1742 = arith.constant 16 : index
      %swap3A_1743 = tpu.vector_load %arg6[%swap3A_1740, %swap3A_1741, %swap3A_1742] {strides = array<i32>} : memref<50x4x128xi32, #tpu.memory_space<vmem>>, vector<16xi32>,
      tpu.vector_store %arg6[%swap3A_1740, %swap3A_1741, %swap3A_1742], %gather3A_1738 {strides = array<i32>} : memref<50x4x128xi32, #tpu.memory_space<vmem>>, vector<16xi32>,
      %ne3A_1744 = arith.constant 0 : i32
      %ne3A_1745 = vector.broadcast %ne3A_1744 : i32 to vector<16xi32>
      %ne3A_1746 = arith.cmpi ne, %gather3A_1738, %ne3A_1745 : vector<16xi32>
      %convert_element_type3A_1747 = arith.extui %ne3A_1746 : vector<16xi1> to vector<16xi32>
      %add3A_1748 = arith.addi %scan3A_1736, %convert_element_type3A_1747 : vector<16xi32>
      scf.yield %add3A_1748 : vector<16xi32>
    }
    %scan3A_1099 = arith.constant 49 : i32
    %convert_element_type3A_1100 = arith.sitofp %scan3A_1098 : vector<16xi32> to vector<16xf32>
    %eq3A_1101 = arith.constant 0 : i32
    %eq3A_1102 = vector.broadcast %eq3A_1101 : i32 to vector<16xi32>
    %eq3A_1103 = arith.cmpi eq, %scan3A_1098, %eq3A_1102 : vector<16xi32>
    %add3A_1104 = arith.constant 9.99999993E-9 : f32
    %add3A_1105 = vector.broadcast %add3A_1104 : f32 to vector<16xf32>
    %add3A_1106 = arith.addf %convert_element_type3A_1100, %add3A_1105 : vector<16xf32>
    %div3A_1107 = arith.constant 1.000000e+00 : f32
    %div3A_1108 = vector.broadcast %div3A_1107 : f32 to vector<16xf32>
    %div3A_1109 = arith.divf %div3A_1108, %add3A_1106 : vector<16xf32>
    %jit3A_1110 = arith.constant 0.000000e+00 : f32
    %broadcast_in_dim3A_1111 = vector.broadcast %jit3A_1110 : f32 to vector<16xf32>
    %select_n3A_1112 = arith.select %eq3A_1103, %broadcast_in_dim3A_1111, %div3A_1109 : vector<16xi1>, vector<16xf32>
    %swap3A_1113 = arith.constant 272 : index
    %swap3A_1114 = tpu.vector_load %arg8[%swap3A_1113] {strides = array<i32>} : memref<512xf32, #tpu.memory_space<vmem>>, vector<16xf32>,
    tpu.vector_store %arg8[%swap3A_1113], %select_n3A_1112 {strides = array<i32>} : memref<512xf32, #tpu.memory_space<vmem>>, vector<16xf32>,
    %sub3A_1115 = arith.constant 5.000000e+01 : f32
    %sub3A_1116 = vector.broadcast %sub3A_1115 : f32 to vector<16xf32>
    %sub3A_1117 = arith.subf %sub3A_1116, %convert_element_type3A_1100 : vector<16xf32>
    %swap3A_1118 = arith.constant 272 : index
    %swap3A_1119 = tpu.vector_load %arg9[%swap3A_1118] {strides = array<i32>} : memref<512xf32, #tpu.memory_space<vmem>>, vector<16xf32>,
    tpu.vector_store %arg9[%swap3A_1118], %sub3A_1117 {strides = array<i32>} : memref<512xf32, #tpu.memory_space<vmem>>, vector<16xf32>,
    %add3A_1120 = arith.constant 288 : i32
    %add3A_1121 = vector.broadcast %add3A_1120 : i32 to vector<16xi32>
    %add3A_1122 = arith.addi %iota3A, %add3A_1121 : vector<16xi32>
    %get3A_1123 = arith.constant 0 : i32
    %get3A_1124 = arith.constant 2 : i32
    %get3A_1125 = arith.index_cast %get3A_1123 : i32 to index
    %get3A_1126 = arith.index_cast %get3A_1124 : i32 to index
    %get3A_1127 = arith.constant 32 : index
    %get3A_1128 = tpu.vector_load %arg6[%get3A_1125, %get3A_1126, %get3A_1127] {strides = array<i32>} : memref<50x4x128xi32, #tpu.memory_space<vmem>>, vector<16xi32>,
    %ne3A_1129 = arith.constant 0 : i32
    %ne3A_1130 = vector.broadcast %ne3A_1129 : i32 to vector<16xi32>
    %ne3A_1131 = arith.cmpi ne, %get3A_1128, %ne3A_1130 : vector<16xi32>
    %convert_element_type3A_1132 = arith.extui %ne3A_1131 : vector<16xi1> to vector<16xi32>
    %scan3A_1133 = arith.constant 1 : i32
    %scan3A_1134 = arith.constant 49 : i32
    %scan3A_1135 = arith.addi %scan3A_1133, %scan3A_1134 : i32
    %scan3A_1136 = arith.constant 1 : i32
    %scan3A_1137 = scf.for %scan3A_1735 = %scan3A_1133 to %scan3A_1135 step %scan3A_1136 iter_args(%scan3A_1736 = %convert_element_type3A_1132) -> (vector<16xi32>)  : i32 {
      %broadcast_in_dim3A_1737 = vector.broadcast %scan3A_1735 : i32 to vector<16xi32>
      %gather3A_1738 = tpu.vector_load_idx %arg5[%add3A_1122, %broadcast_in_dim3A_1737] : memref<512x56xi32, #tpu.memory_space<vmem>>[vector<16xi32>, vector<16xi32>], vector<16xi32>,
      %swap3A_1739 = arith.constant 2 : i32
      %swap3A_1740 = arith.index_cast %scan3A_1735 : i32 to index
      %swap3A_1741 = arith.index_cast %swap3A_1739 : i32 to index
      %swap3A_1742 = arith.constant 32 : index
      %swap3A_1743 = tpu.vector_load %arg6[%swap3A_1740, %swap3A_1741, %swap3A_1742] {strides = array<i32>} : memref<50x4x128xi32, #tpu.memory_space<vmem>>, vector<16xi32>,
      tpu.vector_store %arg6[%swap3A_1740, %swap3A_1741, %swap3A_1742], %gather3A_1738 {strides = array<i32>} : memref<50x4x128xi32, #tpu.memory_space<vmem>>, vector<16xi32>,
      %ne3A_1744 = arith.constant 0 : i32
      %ne3A_1745 = vector.broadcast %ne3A_1744 : i32 to vector<16xi32>
      %ne3A_1746 = arith.cmpi ne, %gather3A_1738, %ne3A_1745 : vector<16xi32>
      %convert_element_type3A_1747 = arith.extui %ne3A_1746 : vector<16xi1> to vector<16xi32>
      %add3A_1748 = arith.addi %scan3A_1736, %convert_element_type3A_1747 : vector<16xi32>
      scf.yield %add3A_1748 : vector<16xi32>
    }
    %scan3A_1138 = arith.constant 49 : i32
    %convert_element_type3A_1139 = arith.sitofp %scan3A_1137 : vector<16xi32> to vector<16xf32>
    %eq3A_1140 = arith.constant 0 : i32
    %eq3A_1141 = vector.broadcast %eq3A_1140 : i32 to vector<16xi32>
    %eq3A_1142 = arith.cmpi eq, %scan3A_1137, %eq3A_1141 : vector<16xi32>
    %add3A_1143 = arith.constant 9.99999993E-9 : f32
    %add3A_1144 = vector.broadcast %add3A_1143 : f32 to vector<16xf32>
    %add3A_1145 = arith.addf %convert_element_type3A_1139, %add3A_1144 : vector<16xf32>
    %div3A_1146 = arith.constant 1.000000e+00 : f32
    %div3A_1147 = vector.broadcast %div3A_1146 : f32 to vector<16xf32>
    %div3A_1148 = arith.divf %div3A_1147, %add3A_1145 : vector<16xf32>
    %jit3A_1149 = arith.constant 0.000000e+00 : f32
    %broadcast_in_dim3A_1150 = vector.broadcast %jit3A_1149 : f32 to vector<16xf32>
    %select_n3A_1151 = arith.select %eq3A_1142, %broadcast_in_dim3A_1150, %div3A_1148 : vector<16xi1>, vector<16xf32>
    %swap3A_1152 = arith.constant 288 : index
    %swap3A_1153 = tpu.vector_load %arg8[%swap3A_1152] {strides = array<i32>} : memref<512xf32, #tpu.memory_space<vmem>>, vector<16xf32>,
    tpu.vector_store %arg8[%swap3A_1152], %select_n3A_1151 {strides = array<i32>} : memref<512xf32, #tpu.memory_space<vmem>>, vector<16xf32>,
    %sub3A_1154 = arith.constant 5.000000e+01 : f32
    %sub3A_1155 = vector.broadcast %sub3A_1154 : f32 to vector<16xf32>
    %sub3A_1156 = arith.subf %sub3A_1155, %convert_element_type3A_1139 : vector<16xf32>
    %swap3A_1157 = arith.constant 288 : index
    %swap3A_1158 = tpu.vector_load %arg9[%swap3A_1157] {strides = array<i32>} : memref<512xf32, #tpu.memory_space<vmem>>, vector<16xf32>,
    tpu.vector_store %arg9[%swap3A_1157], %sub3A_1156 {strides = array<i32>} : memref<512xf32, #tpu.memory_space<vmem>>, vector<16xf32>,
    %add3A_1159 = arith.constant 304 : i32
    %add3A_1160 = vector.broadcast %add3A_1159 : i32 to vector<16xi32>
    %add3A_1161 = arith.addi %iota3A, %add3A_1160 : vector<16xi32>
    %get3A_1162 = arith.constant 0 : i32
    %get3A_1163 = arith.constant 2 : i32
    %get3A_1164 = arith.index_cast %get3A_1162 : i32 to index
    %get3A_1165 = arith.index_cast %get3A_1163 : i32 to index
    %get3A_1166 = arith.constant 48 : index
    %get3A_1167 = tpu.vector_load %arg6[%get3A_1164, %get3A_1165, %get3A_1166] {strides = array<i32>} : memref<50x4x128xi32, #tpu.memory_space<vmem>>, vector<16xi32>,
    %ne3A_1168 = arith.constant 0 : i32
    %ne3A_1169 = vector.broadcast %ne3A_1168 : i32 to vector<16xi32>
    %ne3A_1170 = arith.cmpi ne, %get3A_1167, %ne3A_1169 : vector<16xi32>
    %convert_element_type3A_1171 = arith.extui %ne3A_1170 : vector<16xi1> to vector<16xi32>
    %scan3A_1172 = arith.constant 1 : i32
    %scan3A_1173 = arith.constant 49 : i32
    %scan3A_1174 = arith.addi %scan3A_1172, %scan3A_1173 : i32
    %scan3A_1175 = arith.constant 1 : i32
    %scan3A_1176 = scf.for %scan3A_1735 = %scan3A_1172 to %scan3A_1174 step %scan3A_1175 iter_args(%scan3A_1736 = %convert_element_type3A_1171) -> (vector<16xi32>)  : i32 {
      %broadcast_in_dim3A_1737 = vector.broadcast %scan3A_1735 : i32 to vector<16xi32>
      %gather3A_1738 = tpu.vector_load_idx %arg5[%add3A_1161, %broadcast_in_dim3A_1737] : memref<512x56xi32, #tpu.memory_space<vmem>>[vector<16xi32>, vector<16xi32>], vector<16xi32>,
      %swap3A_1739 = arith.constant 2 : i32
      %swap3A_1740 = arith.index_cast %scan3A_1735 : i32 to index
      %swap3A_1741 = arith.index_cast %swap3A_1739 : i32 to index
      %swap3A_1742 = arith.constant 48 : index
      %swap3A_1743 = tpu.vector_load %arg6[%swap3A_1740, %swap3A_1741, %swap3A_1742] {strides = array<i32>} : memref<50x4x128xi32, #tpu.memory_space<vmem>>, vector<16xi32>,
      tpu.vector_store %arg6[%swap3A_1740, %swap3A_1741, %swap3A_1742], %gather3A_1738 {strides = array<i32>} : memref<50x4x128xi32, #tpu.memory_space<vmem>>, vector<16xi32>,
      %ne3A_1744 = arith.constant 0 : i32
      %ne3A_1745 = vector.broadcast %ne3A_1744 : i32 to vector<16xi32>
      %ne3A_1746 = arith.cmpi ne, %gather3A_1738, %ne3A_1745 : vector<16xi32>
      %convert_element_type3A_1747 = arith.extui %ne3A_1746 : vector<16xi1> to vector<16xi32>
      %add3A_1748 = arith.addi %scan3A_1736, %convert_element_type3A_1747 : vector<16xi32>
      scf.yield %add3A_1748 : vector<16xi32>
    }
    %scan3A_1177 = arith.constant 49 : i32
    %convert_element_type3A_1178 = arith.sitofp %scan3A_1176 : vector<16xi32> to vector<16xf32>
    %eq3A_1179 = arith.constant 0 : i32
    %eq3A_1180 = vector.broadcast %eq3A_1179 : i32 to vector<16xi32>
    %eq3A_1181 = arith.cmpi eq, %scan3A_1176, %eq3A_1180 : vector<16xi32>
    %add3A_1182 = arith.constant 9.99999993E-9 : f32
    %add3A_1183 = vector.broadcast %add3A_1182 : f32 to vector<16xf32>
    %add3A_1184 = arith.addf %convert_element_type3A_1178, %add3A_1183 : vector<16xf32>
    %div3A_1185 = arith.constant 1.000000e+00 : f32
    %div3A_1186 = vector.broadcast %div3A_1185 : f32 to vector<16xf32>
    %div3A_1187 = arith.divf %div3A_1186, %add3A_1184 : vector<16xf32>
    %jit3A_1188 = arith.constant 0.000000e+00 : f32
    %broadcast_in_dim3A_1189 = vector.broadcast %jit3A_1188 : f32 to vector<16xf32>
    %select_n3A_1190 = arith.select %eq3A_1181, %broadcast_in_dim3A_1189, %div3A_1187 : vector<16xi1>, vector<16xf32>
    %swap3A_1191 = arith.constant 304 : index
    %swap3A_1192 = tpu.vector_load %arg8[%swap3A_1191] {strides = array<i32>} : memref<512xf32, #tpu.memory_space<vmem>>, vector<16xf32>,
    tpu.vector_store %arg8[%swap3A_1191], %select_n3A_1190 {strides = array<i32>} : memref<512xf32, #tpu.memory_space<vmem>>, vector<16xf32>,
    %sub3A_1193 = arith.constant 5.000000e+01 : f32
    %sub3A_1194 = vector.broadcast %sub3A_1193 : f32 to vector<16xf32>
    %sub3A_1195 = arith.subf %sub3A_1194, %convert_element_type3A_1178 : vector<16xf32>
    %swap3A_1196 = arith.constant 304 : index
    %swap3A_1197 = tpu.vector_load %arg9[%swap3A_1196] {strides = array<i32>} : memref<512xf32, #tpu.memory_space<vmem>>, vector<16xf32>,
    tpu.vector_store %arg9[%swap3A_1196], %sub3A_1195 {strides = array<i32>} : memref<512xf32, #tpu.memory_space<vmem>>, vector<16xf32>,
    %add3A_1198 = arith.constant 320 : i32
    %add3A_1199 = vector.broadcast %add3A_1198 : i32 to vector<16xi32>
    %add3A_1200 = arith.addi %iota3A, %add3A_1199 : vector<16xi32>
    %get3A_1201 = arith.constant 0 : i32
    %get3A_1202 = arith.constant 2 : i32
    %get3A_1203 = arith.index_cast %get3A_1201 : i32 to index
    %get3A_1204 = arith.index_cast %get3A_1202 : i32 to index
    %get3A_1205 = arith.constant 64 : index
    %get3A_1206 = tpu.vector_load %arg6[%get3A_1203, %get3A_1204, %get3A_1205] {strides = array<i32>} : memref<50x4x128xi32, #tpu.memory_space<vmem>>, vector<16xi32>,
    %ne3A_1207 = arith.constant 0 : i32
    %ne3A_1208 = vector.broadcast %ne3A_1207 : i32 to vector<16xi32>
    %ne3A_1209 = arith.cmpi ne, %get3A_1206, %ne3A_1208 : vector<16xi32>
    %convert_element_type3A_1210 = arith.extui %ne3A_1209 : vector<16xi1> to vector<16xi32>
    %scan3A_1211 = arith.constant 1 : i32
    %scan3A_1212 = arith.constant 49 : i32
    %scan3A_1213 = arith.addi %scan3A_1211, %scan3A_1212 : i32
    %scan3A_1214 = arith.constant 1 : i32
    %scan3A_1215 = scf.for %scan3A_1735 = %scan3A_1211 to %scan3A_1213 step %scan3A_1214 iter_args(%scan3A_1736 = %convert_element_type3A_1210) -> (vector<16xi32>)  : i32 {
      %broadcast_in_dim3A_1737 = vector.broadcast %scan3A_1735 : i32 to vector<16xi32>
      %gather3A_1738 = tpu.vector_load_idx %arg5[%add3A_1200, %broadcast_in_dim3A_1737] : memref<512x56xi32, #tpu.memory_space<vmem>>[vector<16xi32>, vector<16xi32>], vector<16xi32>,
      %swap3A_1739 = arith.constant 2 : i32
      %swap3A_1740 = arith.index_cast %scan3A_1735 : i32 to index
      %swap3A_1741 = arith.index_cast %swap3A_1739 : i32 to index
      %swap3A_1742 = arith.constant 64 : index
      %swap3A_1743 = tpu.vector_load %arg6[%swap3A_1740, %swap3A_1741, %swap3A_1742] {strides = array<i32>} : memref<50x4x128xi32, #tpu.memory_space<vmem>>, vector<16xi32>,
      tpu.vector_store %arg6[%swap3A_1740, %swap3A_1741, %swap3A_1742], %gather3A_1738 {strides = array<i32>} : memref<50x4x128xi32, #tpu.memory_space<vmem>>, vector<16xi32>,
      %ne3A_1744 = arith.constant 0 : i32
      %ne3A_1745 = vector.broadcast %ne3A_1744 : i32 to vector<16xi32>
      %ne3A_1746 = arith.cmpi ne, %gather3A_1738, %ne3A_1745 : vector<16xi32>
      %convert_element_type3A_1747 = arith.extui %ne3A_1746 : vector<16xi1> to vector<16xi32>
      %add3A_1748 = arith.addi %scan3A_1736, %convert_element_type3A_1747 : vector<16xi32>
      scf.yield %add3A_1748 : vector<16xi32>
    }
    %scan3A_1216 = arith.constant 49 : i32
    %convert_element_type3A_1217 = arith.sitofp %scan3A_1215 : vector<16xi32> to vector<16xf32>
    %eq3A_1218 = arith.constant 0 : i32
    %eq3A_1219 = vector.broadcast %eq3A_1218 : i32 to vector<16xi32>
    %eq3A_1220 = arith.cmpi eq, %scan3A_1215, %eq3A_1219 : vector<16xi32>
    %add3A_1221 = arith.constant 9.99999993E-9 : f32
    %add3A_1222 = vector.broadcast %add3A_1221 : f32 to vector<16xf32>
    %add3A_1223 = arith.addf %convert_element_type3A_1217, %add3A_1222 : vector<16xf32>
    %div3A_1224 = arith.constant 1.000000e+00 : f32
    %div3A_1225 = vector.broadcast %div3A_1224 : f32 to vector<16xf32>
    %div3A_1226 = arith.divf %div3A_1225, %add3A_1223 : vector<16xf32>
    %jit3A_1227 = arith.constant 0.000000e+00 : f32
    %broadcast_in_dim3A_1228 = vector.broadcast %jit3A_1227 : f32 to vector<16xf32>
    %select_n3A_1229 = arith.select %eq3A_1220, %broadcast_in_dim3A_1228, %div3A_1226 : vector<16xi1>, vector<16xf32>
    %swap3A_1230 = arith.constant 320 : index
    %swap3A_1231 = tpu.vector_load %arg8[%swap3A_1230] {strides = array<i32>} : memref<512xf32, #tpu.memory_space<vmem>>, vector<16xf32>,
    tpu.vector_store %arg8[%swap3A_1230], %select_n3A_1229 {strides = array<i32>} : memref<512xf32, #tpu.memory_space<vmem>>, vector<16xf32>,
    %sub3A_1232 = arith.constant 5.000000e+01 : f32
    %sub3A_1233 = vector.broadcast %sub3A_1232 : f32 to vector<16xf32>
    %sub3A_1234 = arith.subf %sub3A_1233, %convert_element_type3A_1217 : vector<16xf32>
    %swap3A_1235 = arith.constant 320 : index
    %swap3A_1236 = tpu.vector_load %arg9[%swap3A_1235] {strides = array<i32>} : memref<512xf32, #tpu.memory_space<vmem>>, vector<16xf32>,
    tpu.vector_store %arg9[%swap3A_1235], %sub3A_1234 {strides = array<i32>} : memref<512xf32, #tpu.memory_space<vmem>>, vector<16xf32>,
    %add3A_1237 = arith.constant 336 : i32
    %add3A_1238 = vector.broadcast %add3A_1237 : i32 to vector<16xi32>
    %add3A_1239 = arith.addi %iota3A, %add3A_1238 : vector<16xi32>
    %get3A_1240 = arith.constant 0 : i32
    %get3A_1241 = arith.constant 2 : i32
    %get3A_1242 = arith.index_cast %get3A_1240 : i32 to index
    %get3A_1243 = arith.index_cast %get3A_1241 : i32 to index
    %get3A_1244 = arith.constant 80 : index
    %get3A_1245 = tpu.vector_load %arg6[%get3A_1242, %get3A_1243, %get3A_1244] {strides = array<i32>} : memref<50x4x128xi32, #tpu.memory_space<vmem>>, vector<16xi32>,
    %ne3A_1246 = arith.constant 0 : i32
    %ne3A_1247 = vector.broadcast %ne3A_1246 : i32 to vector<16xi32>
    %ne3A_1248 = arith.cmpi ne, %get3A_1245, %ne3A_1247 : vector<16xi32>
    %convert_element_type3A_1249 = arith.extui %ne3A_1248 : vector<16xi1> to vector<16xi32>
    %scan3A_1250 = arith.constant 1 : i32
    %scan3A_1251 = arith.constant 49 : i32
    %scan3A_1252 = arith.addi %scan3A_1250, %scan3A_1251 : i32
    %scan3A_1253 = arith.constant 1 : i32
    %scan3A_1254 = scf.for %scan3A_1735 = %scan3A_1250 to %scan3A_1252 step %scan3A_1253 iter_args(%scan3A_1736 = %convert_element_type3A_1249) -> (vector<16xi32>)  : i32 {
      %broadcast_in_dim3A_1737 = vector.broadcast %scan3A_1735 : i32 to vector<16xi32>
      %gather3A_1738 = tpu.vector_load_idx %arg5[%add3A_1239, %broadcast_in_dim3A_1737] : memref<512x56xi32, #tpu.memory_space<vmem>>[vector<16xi32>, vector<16xi32>], vector<16xi32>,
      %swap3A_1739 = arith.constant 2 : i32
      %swap3A_1740 = arith.index_cast %scan3A_1735 : i32 to index
      %swap3A_1741 = arith.index_cast %swap3A_1739 : i32 to index
      %swap3A_1742 = arith.constant 80 : index
      %swap3A_1743 = tpu.vector_load %arg6[%swap3A_1740, %swap3A_1741, %swap3A_1742] {strides = array<i32>} : memref<50x4x128xi32, #tpu.memory_space<vmem>>, vector<16xi32>,
      tpu.vector_store %arg6[%swap3A_1740, %swap3A_1741, %swap3A_1742], %gather3A_1738 {strides = array<i32>} : memref<50x4x128xi32, #tpu.memory_space<vmem>>, vector<16xi32>,
      %ne3A_1744 = arith.constant 0 : i32
      %ne3A_1745 = vector.broadcast %ne3A_1744 : i32 to vector<16xi32>
      %ne3A_1746 = arith.cmpi ne, %gather3A_1738, %ne3A_1745 : vector<16xi32>
      %convert_element_type3A_1747 = arith.extui %ne3A_1746 : vector<16xi1> to vector<16xi32>
      %add3A_1748 = arith.addi %scan3A_1736, %convert_element_type3A_1747 : vector<16xi32>
      scf.yield %add3A_1748 : vector<16xi32>
    }
    %scan3A_1255 = arith.constant 49 : i32
    %convert_element_type3A_1256 = arith.sitofp %scan3A_1254 : vector<16xi32> to vector<16xf32>
    %eq3A_1257 = arith.constant 0 : i32
    %eq3A_1258 = vector.broadcast %eq3A_1257 : i32 to vector<16xi32>
    %eq3A_1259 = arith.cmpi eq, %scan3A_1254, %eq3A_1258 : vector<16xi32>
    %add3A_1260 = arith.constant 9.99999993E-9 : f32
    %add3A_1261 = vector.broadcast %add3A_1260 : f32 to vector<16xf32>
    %add3A_1262 = arith.addf %convert_element_type3A_1256, %add3A_1261 : vector<16xf32>
    %div3A_1263 = arith.constant 1.000000e+00 : f32
    %div3A_1264 = vector.broadcast %div3A_1263 : f32 to vector<16xf32>
    %div3A_1265 = arith.divf %div3A_1264, %add3A_1262 : vector<16xf32>
    %jit3A_1266 = arith.constant 0.000000e+00 : f32
    %broadcast_in_dim3A_1267 = vector.broadcast %jit3A_1266 : f32 to vector<16xf32>
    %select_n3A_1268 = arith.select %eq3A_1259, %broadcast_in_dim3A_1267, %div3A_1265 : vector<16xi1>, vector<16xf32>
    %swap3A_1269 = arith.constant 336 : index
    %swap3A_1270 = tpu.vector_load %arg8[%swap3A_1269] {strides = array<i32>} : memref<512xf32, #tpu.memory_space<vmem>>, vector<16xf32>,
    tpu.vector_store %arg8[%swap3A_1269], %select_n3A_1268 {strides = array<i32>} : memref<512xf32, #tpu.memory_space<vmem>>, vector<16xf32>,
    %sub3A_1271 = arith.constant 5.000000e+01 : f32
    %sub3A_1272 = vector.broadcast %sub3A_1271 : f32 to vector<16xf32>
    %sub3A_1273 = arith.subf %sub3A_1272, %convert_element_type3A_1256 : vector<16xf32>
    %swap3A_1274 = arith.constant 336 : index
    %swap3A_1275 = tpu.vector_load %arg9[%swap3A_1274] {strides = array<i32>} : memref<512xf32, #tpu.memory_space<vmem>>, vector<16xf32>,
    tpu.vector_store %arg9[%swap3A_1274], %sub3A_1273 {strides = array<i32>} : memref<512xf32, #tpu.memory_space<vmem>>, vector<16xf32>,
    %add3A_1276 = arith.constant 352 : i32
    %add3A_1277 = vector.broadcast %add3A_1276 : i32 to vector<16xi32>
    %add3A_1278 = arith.addi %iota3A, %add3A_1277 : vector<16xi32>
    %get3A_1279 = arith.constant 0 : i32
    %get3A_1280 = arith.constant 2 : i32
    %get3A_1281 = arith.index_cast %get3A_1279 : i32 to index
    %get3A_1282 = arith.index_cast %get3A_1280 : i32 to index
    %get3A_1283 = arith.constant 96 : index
    %get3A_1284 = tpu.vector_load %arg6[%get3A_1281, %get3A_1282, %get3A_1283] {strides = array<i32>} : memref<50x4x128xi32, #tpu.memory_space<vmem>>, vector<16xi32>,
    %ne3A_1285 = arith.constant 0 : i32
    %ne3A_1286 = vector.broadcast %ne3A_1285 : i32 to vector<16xi32>
    %ne3A_1287 = arith.cmpi ne, %get3A_1284, %ne3A_1286 : vector<16xi32>
    %convert_element_type3A_1288 = arith.extui %ne3A_1287 : vector<16xi1> to vector<16xi32>
    %scan3A_1289 = arith.constant 1 : i32
    %scan3A_1290 = arith.constant 49 : i32
    %scan3A_1291 = arith.addi %scan3A_1289, %scan3A_1290 : i32
    %scan3A_1292 = arith.constant 1 : i32
    %scan3A_1293 = scf.for %scan3A_1735 = %scan3A_1289 to %scan3A_1291 step %scan3A_1292 iter_args(%scan3A_1736 = %convert_element_type3A_1288) -> (vector<16xi32>)  : i32 {
      %broadcast_in_dim3A_1737 = vector.broadcast %scan3A_1735 : i32 to vector<16xi32>
      %gather3A_1738 = tpu.vector_load_idx %arg5[%add3A_1278, %broadcast_in_dim3A_1737] : memref<512x56xi32, #tpu.memory_space<vmem>>[vector<16xi32>, vector<16xi32>], vector<16xi32>,
      %swap3A_1739 = arith.constant 2 : i32
      %swap3A_1740 = arith.index_cast %scan3A_1735 : i32 to index
      %swap3A_1741 = arith.index_cast %swap3A_1739 : i32 to index
      %swap3A_1742 = arith.constant 96 : index
      %swap3A_1743 = tpu.vector_load %arg6[%swap3A_1740, %swap3A_1741, %swap3A_1742] {strides = array<i32>} : memref<50x4x128xi32, #tpu.memory_space<vmem>>, vector<16xi32>,
      tpu.vector_store %arg6[%swap3A_1740, %swap3A_1741, %swap3A_1742], %gather3A_1738 {strides = array<i32>} : memref<50x4x128xi32, #tpu.memory_space<vmem>>, vector<16xi32>,
      %ne3A_1744 = arith.constant 0 : i32
      %ne3A_1745 = vector.broadcast %ne3A_1744 : i32 to vector<16xi32>
      %ne3A_1746 = arith.cmpi ne, %gather3A_1738, %ne3A_1745 : vector<16xi32>
      %convert_element_type3A_1747 = arith.extui %ne3A_1746 : vector<16xi1> to vector<16xi32>
      %add3A_1748 = arith.addi %scan3A_1736, %convert_element_type3A_1747 : vector<16xi32>
      scf.yield %add3A_1748 : vector<16xi32>
    }
    %scan3A_1294 = arith.constant 49 : i32
    %convert_element_type3A_1295 = arith.sitofp %scan3A_1293 : vector<16xi32> to vector<16xf32>
    %eq3A_1296 = arith.constant 0 : i32
    %eq3A_1297 = vector.broadcast %eq3A_1296 : i32 to vector<16xi32>
    %eq3A_1298 = arith.cmpi eq, %scan3A_1293, %eq3A_1297 : vector<16xi32>
    %add3A_1299 = arith.constant 9.99999993E-9 : f32
    %add3A_1300 = vector.broadcast %add3A_1299 : f32 to vector<16xf32>
    %add3A_1301 = arith.addf %convert_element_type3A_1295, %add3A_1300 : vector<16xf32>
    %div3A_1302 = arith.constant 1.000000e+00 : f32
    %div3A_1303 = vector.broadcast %div3A_1302 : f32 to vector<16xf32>
    %div3A_1304 = arith.divf %div3A_1303, %add3A_1301 : vector<16xf32>
    %jit3A_1305 = arith.constant 0.000000e+00 : f32
    %broadcast_in_dim3A_1306 = vector.broadcast %jit3A_1305 : f32 to vector<16xf32>
    %select_n3A_1307 = arith.select %eq3A_1298, %broadcast_in_dim3A_1306, %div3A_1304 : vector<16xi1>, vector<16xf32>
    %swap3A_1308 = arith.constant 352 : index
    %swap3A_1309 = tpu.vector_load %arg8[%swap3A_1308] {strides = array<i32>} : memref<512xf32, #tpu.memory_space<vmem>>, vector<16xf32>,
    tpu.vector_store %arg8[%swap3A_1308], %select_n3A_1307 {strides = array<i32>} : memref<512xf32, #tpu.memory_space<vmem>>, vector<16xf32>,
    %sub3A_1310 = arith.constant 5.000000e+01 : f32
    %sub3A_1311 = vector.broadcast %sub3A_1310 : f32 to vector<16xf32>
    %sub3A_1312 = arith.subf %sub3A_1311, %convert_element_type3A_1295 : vector<16xf32>
    %swap3A_1313 = arith.constant 352 : index
    %swap3A_1314 = tpu.vector_load %arg9[%swap3A_1313] {strides = array<i32>} : memref<512xf32, #tpu.memory_space<vmem>>, vector<16xf32>,
    tpu.vector_store %arg9[%swap3A_1313], %sub3A_1312 {strides = array<i32>} : memref<512xf32, #tpu.memory_space<vmem>>, vector<16xf32>,
    %add3A_1315 = arith.constant 368 : i32
    %add3A_1316 = vector.broadcast %add3A_1315 : i32 to vector<16xi32>
    %add3A_1317 = arith.addi %iota3A, %add3A_1316 : vector<16xi32>
    %get3A_1318 = arith.constant 0 : i32
    %get3A_1319 = arith.constant 2 : i32
    %get3A_1320 = arith.index_cast %get3A_1318 : i32 to index
    %get3A_1321 = arith.index_cast %get3A_1319 : i32 to index
    %get3A_1322 = arith.constant 112 : index
    %get3A_1323 = tpu.vector_load %arg6[%get3A_1320, %get3A_1321, %get3A_1322] {strides = array<i32>} : memref<50x4x128xi32, #tpu.memory_space<vmem>>, vector<16xi32>,
    %ne3A_1324 = arith.constant 0 : i32
    %ne3A_1325 = vector.broadcast %ne3A_1324 : i32 to vector<16xi32>
    %ne3A_1326 = arith.cmpi ne, %get3A_1323, %ne3A_1325 : vector<16xi32>
    %convert_element_type3A_1327 = arith.extui %ne3A_1326 : vector<16xi1> to vector<16xi32>
    %scan3A_1328 = arith.constant 1 : i32
    %scan3A_1329 = arith.constant 49 : i32
    %scan3A_1330 = arith.addi %scan3A_1328, %scan3A_1329 : i32
    %scan3A_1331 = arith.constant 1 : i32
    %scan3A_1332 = scf.for %scan3A_1735 = %scan3A_1328 to %scan3A_1330 step %scan3A_1331 iter_args(%scan3A_1736 = %convert_element_type3A_1327) -> (vector<16xi32>)  : i32 {
      %broadcast_in_dim3A_1737 = vector.broadcast %scan3A_1735 : i32 to vector<16xi32>
      %gather3A_1738 = tpu.vector_load_idx %arg5[%add3A_1317, %broadcast_in_dim3A_1737] : memref<512x56xi32, #tpu.memory_space<vmem>>[vector<16xi32>, vector<16xi32>], vector<16xi32>,
      %swap3A_1739 = arith.constant 2 : i32
      %swap3A_1740 = arith.index_cast %scan3A_1735 : i32 to index
      %swap3A_1741 = arith.index_cast %swap3A_1739 : i32 to index
      %swap3A_1742 = arith.constant 112 : index
      %swap3A_1743 = tpu.vector_load %arg6[%swap3A_1740, %swap3A_1741, %swap3A_1742] {strides = array<i32>} : memref<50x4x128xi32, #tpu.memory_space<vmem>>, vector<16xi32>,
      tpu.vector_store %arg6[%swap3A_1740, %swap3A_1741, %swap3A_1742], %gather3A_1738 {strides = array<i32>} : memref<50x4x128xi32, #tpu.memory_space<vmem>>, vector<16xi32>,
      %ne3A_1744 = arith.constant 0 : i32
      %ne3A_1745 = vector.broadcast %ne3A_1744 : i32 to vector<16xi32>
      %ne3A_1746 = arith.cmpi ne, %gather3A_1738, %ne3A_1745 : vector<16xi32>
      %convert_element_type3A_1747 = arith.extui %ne3A_1746 : vector<16xi1> to vector<16xi32>
      %add3A_1748 = arith.addi %scan3A_1736, %convert_element_type3A_1747 : vector<16xi32>
      scf.yield %add3A_1748 : vector<16xi32>
    }
    %scan3A_1333 = arith.constant 49 : i32
    %convert_element_type3A_1334 = arith.sitofp %scan3A_1332 : vector<16xi32> to vector<16xf32>
    %eq3A_1335 = arith.constant 0 : i32
    %eq3A_1336 = vector.broadcast %eq3A_1335 : i32 to vector<16xi32>
    %eq3A_1337 = arith.cmpi eq, %scan3A_1332, %eq3A_1336 : vector<16xi32>
    %add3A_1338 = arith.constant 9.99999993E-9 : f32
    %add3A_1339 = vector.broadcast %add3A_1338 : f32 to vector<16xf32>
    %add3A_1340 = arith.addf %convert_element_type3A_1334, %add3A_1339 : vector<16xf32>
    %div3A_1341 = arith.constant 1.000000e+00 : f32
    %div3A_1342 = vector.broadcast %div3A_1341 : f32 to vector<16xf32>
    %div3A_1343 = arith.divf %div3A_1342, %add3A_1340 : vector<16xf32>
    %jit3A_1344 = arith.constant 0.000000e+00 : f32
    %broadcast_in_dim3A_1345 = vector.broadcast %jit3A_1344 : f32 to vector<16xf32>
    %select_n3A_1346 = arith.select %eq3A_1337, %broadcast_in_dim3A_1345, %div3A_1343 : vector<16xi1>, vector<16xf32>
    %swap3A_1347 = arith.constant 368 : index
    %swap3A_1348 = tpu.vector_load %arg8[%swap3A_1347] {strides = array<i32>} : memref<512xf32, #tpu.memory_space<vmem>>, vector<16xf32>,
    tpu.vector_store %arg8[%swap3A_1347], %select_n3A_1346 {strides = array<i32>} : memref<512xf32, #tpu.memory_space<vmem>>, vector<16xf32>,
    %sub3A_1349 = arith.constant 5.000000e+01 : f32
    %sub3A_1350 = vector.broadcast %sub3A_1349 : f32 to vector<16xf32>
    %sub3A_1351 = arith.subf %sub3A_1350, %convert_element_type3A_1334 : vector<16xf32>
    %swap3A_1352 = arith.constant 368 : index
    %swap3A_1353 = tpu.vector_load %arg9[%swap3A_1352] {strides = array<i32>} : memref<512xf32, #tpu.memory_space<vmem>>, vector<16xf32>,
    tpu.vector_store %arg9[%swap3A_1352], %sub3A_1351 {strides = array<i32>} : memref<512xf32, #tpu.memory_space<vmem>>, vector<16xf32>,
    %add3A_1354 = arith.constant 384 : i32
    %add3A_1355 = vector.broadcast %add3A_1354 : i32 to vector<16xi32>
    %add3A_1356 = arith.addi %iota3A, %add3A_1355 : vector<16xi32>
    %get3A_1357 = arith.constant 0 : i32
    %get3A_1358 = arith.constant 3 : i32
    %get3A_1359 = arith.index_cast %get3A_1357 : i32 to index
    %get3A_1360 = arith.index_cast %get3A_1358 : i32 to index
    %get3A_1361 = arith.constant 0 : index
    %get3A_1362 = tpu.vector_load %arg6[%get3A_1359, %get3A_1360, %get3A_1361] {strides = array<i32>} : memref<50x4x128xi32, #tpu.memory_space<vmem>>, vector<16xi32>,
    %ne3A_1363 = arith.constant 0 : i32
    %ne3A_1364 = vector.broadcast %ne3A_1363 : i32 to vector<16xi32>
    %ne3A_1365 = arith.cmpi ne, %get3A_1362, %ne3A_1364 : vector<16xi32>
    %convert_element_type3A_1366 = arith.extui %ne3A_1365 : vector<16xi1> to vector<16xi32>
    %scan3A_1367 = arith.constant 1 : i32
    %scan3A_1368 = arith.constant 49 : i32
    %scan3A_1369 = arith.addi %scan3A_1367, %scan3A_1368 : i32
    %scan3A_1370 = arith.constant 1 : i32
    %scan3A_1371 = scf.for %scan3A_1735 = %scan3A_1367 to %scan3A_1369 step %scan3A_1370 iter_args(%scan3A_1736 = %convert_element_type3A_1366) -> (vector<16xi32>)  : i32 {
      %broadcast_in_dim3A_1737 = vector.broadcast %scan3A_1735 : i32 to vector<16xi32>
      %gather3A_1738 = tpu.vector_load_idx %arg5[%add3A_1356, %broadcast_in_dim3A_1737] : memref<512x56xi32, #tpu.memory_space<vmem>>[vector<16xi32>, vector<16xi32>], vector<16xi32>,
      %swap3A_1739 = arith.constant 3 : i32
      %swap3A_1740 = arith.index_cast %scan3A_1735 : i32 to index
      %swap3A_1741 = arith.index_cast %swap3A_1739 : i32 to index
      %swap3A_1742 = arith.constant 0 : index
      %swap3A_1743 = tpu.vector_load %arg6[%swap3A_1740, %swap3A_1741, %swap3A_1742] {strides = array<i32>} : memref<50x4x128xi32, #tpu.memory_space<vmem>>, vector<16xi32>,
      tpu.vector_store %arg6[%swap3A_1740, %swap3A_1741, %swap3A_1742], %gather3A_1738 {strides = array<i32>} : memref<50x4x128xi32, #tpu.memory_space<vmem>>, vector<16xi32>,
      %ne3A_1744 = arith.constant 0 : i32
      %ne3A_1745 = vector.broadcast %ne3A_1744 : i32 to vector<16xi32>
      %ne3A_1746 = arith.cmpi ne, %gather3A_1738, %ne3A_1745 : vector<16xi32>
      %convert_element_type3A_1747 = arith.extui %ne3A_1746 : vector<16xi1> to vector<16xi32>
      %add3A_1748 = arith.addi %scan3A_1736, %convert_element_type3A_1747 : vector<16xi32>
      scf.yield %add3A_1748 : vector<16xi32>
    }
    %scan3A_1372 = arith.constant 49 : i32
    %convert_element_type3A_1373 = arith.sitofp %scan3A_1371 : vector<16xi32> to vector<16xf32>
    %eq3A_1374 = arith.constant 0 : i32
    %eq3A_1375 = vector.broadcast %eq3A_1374 : i32 to vector<16xi32>
    %eq3A_1376 = arith.cmpi eq, %scan3A_1371, %eq3A_1375 : vector<16xi32>
    %add3A_1377 = arith.constant 9.99999993E-9 : f32
    %add3A_1378 = vector.broadcast %add3A_1377 : f32 to vector<16xf32>
    %add3A_1379 = arith.addf %convert_element_type3A_1373, %add3A_1378 : vector<16xf32>
    %div3A_1380 = arith.constant 1.000000e+00 : f32
    %div3A_1381 = vector.broadcast %div3A_1380 : f32 to vector<16xf32>
    %div3A_1382 = arith.divf %div3A_1381, %add3A_1379 : vector<16xf32>
    %jit3A_1383 = arith.constant 0.000000e+00 : f32
    %broadcast_in_dim3A_1384 = vector.broadcast %jit3A_1383 : f32 to vector<16xf32>
    %select_n3A_1385 = arith.select %eq3A_1376, %broadcast_in_dim3A_1384, %div3A_1382 : vector<16xi1>, vector<16xf32>
    %swap3A_1386 = arith.constant 384 : index
    %swap3A_1387 = tpu.vector_load %arg8[%swap3A_1386] {strides = array<i32>} : memref<512xf32, #tpu.memory_space<vmem>>, vector<16xf32>,
    tpu.vector_store %arg8[%swap3A_1386], %select_n3A_1385 {strides = array<i32>} : memref<512xf32, #tpu.memory_space<vmem>>, vector<16xf32>,
    %sub3A_1388 = arith.constant 5.000000e+01 : f32
    %sub3A_1389 = vector.broadcast %sub3A_1388 : f32 to vector<16xf32>
    %sub3A_1390 = arith.subf %sub3A_1389, %convert_element_type3A_1373 : vector<16xf32>
    %swap3A_1391 = arith.constant 384 : index
    %swap3A_1392 = tpu.vector_load %arg9[%swap3A_1391] {strides = array<i32>} : memref<512xf32, #tpu.memory_space<vmem>>, vector<16xf32>,
    tpu.vector_store %arg9[%swap3A_1391], %sub3A_1390 {strides = array<i32>} : memref<512xf32, #tpu.memory_space<vmem>>, vector<16xf32>,
    %add3A_1393 = arith.constant 400 : i32
    %add3A_1394 = vector.broadcast %add3A_1393 : i32 to vector<16xi32>
    %add3A_1395 = arith.addi %iota3A, %add3A_1394 : vector<16xi32>
    %get3A_1396 = arith.constant 0 : i32
    %get3A_1397 = arith.constant 3 : i32
    %get3A_1398 = arith.index_cast %get3A_1396 : i32 to index
    %get3A_1399 = arith.index_cast %get3A_1397 : i32 to index
    %get3A_1400 = arith.constant 16 : index
    %get3A_1401 = tpu.vector_load %arg6[%get3A_1398, %get3A_1399, %get3A_1400] {strides = array<i32>} : memref<50x4x128xi32, #tpu.memory_space<vmem>>, vector<16xi32>,
    %ne3A_1402 = arith.constant 0 : i32
    %ne3A_1403 = vector.broadcast %ne3A_1402 : i32 to vector<16xi32>
    %ne3A_1404 = arith.cmpi ne, %get3A_1401, %ne3A_1403 : vector<16xi32>
    %convert_element_type3A_1405 = arith.extui %ne3A_1404 : vector<16xi1> to vector<16xi32>
    %scan3A_1406 = arith.constant 1 : i32
    %scan3A_1407 = arith.constant 49 : i32
    %scan3A_1408 = arith.addi %scan3A_1406, %scan3A_1407 : i32
    %scan3A_1409 = arith.constant 1 : i32
    %scan3A_1410 = scf.for %scan3A_1735 = %scan3A_1406 to %scan3A_1408 step %scan3A_1409 iter_args(%scan3A_1736 = %convert_element_type3A_1405) -> (vector<16xi32>)  : i32 {
      %broadcast_in_dim3A_1737 = vector.broadcast %scan3A_1735 : i32 to vector<16xi32>
      %gather3A_1738 = tpu.vector_load_idx %arg5[%add3A_1395, %broadcast_in_dim3A_1737] : memref<512x56xi32, #tpu.memory_space<vmem>>[vector<16xi32>, vector<16xi32>], vector<16xi32>,
      %swap3A_1739 = arith.constant 3 : i32
      %swap3A_1740 = arith.index_cast %scan3A_1735 : i32 to index
      %swap3A_1741 = arith.index_cast %swap3A_1739 : i32 to index
      %swap3A_1742 = arith.constant 16 : index
      %swap3A_1743 = tpu.vector_load %arg6[%swap3A_1740, %swap3A_1741, %swap3A_1742] {strides = array<i32>} : memref<50x4x128xi32, #tpu.memory_space<vmem>>, vector<16xi32>,
      tpu.vector_store %arg6[%swap3A_1740, %swap3A_1741, %swap3A_1742], %gather3A_1738 {strides = array<i32>} : memref<50x4x128xi32, #tpu.memory_space<vmem>>, vector<16xi32>,
      %ne3A_1744 = arith.constant 0 : i32
      %ne3A_1745 = vector.broadcast %ne3A_1744 : i32 to vector<16xi32>
      %ne3A_1746 = arith.cmpi ne, %gather3A_1738, %ne3A_1745 : vector<16xi32>
      %convert_element_type3A_1747 = arith.extui %ne3A_1746 : vector<16xi1> to vector<16xi32>
      %add3A_1748 = arith.addi %scan3A_1736, %convert_element_type3A_1747 : vector<16xi32>
      scf.yield %add3A_1748 : vector<16xi32>
    }
    %scan3A_1411 = arith.constant 49 : i32
    %convert_element_type3A_1412 = arith.sitofp %scan3A_1410 : vector<16xi32> to vector<16xf32>
    %eq3A_1413 = arith.constant 0 : i32
    %eq3A_1414 = vector.broadcast %eq3A_1413 : i32 to vector<16xi32>
    %eq3A_1415 = arith.cmpi eq, %scan3A_1410, %eq3A_1414 : vector<16xi32>
    %add3A_1416 = arith.constant 9.99999993E-9 : f32
    %add3A_1417 = vector.broadcast %add3A_1416 : f32 to vector<16xf32>
    %add3A_1418 = arith.addf %convert_element_type3A_1412, %add3A_1417 : vector<16xf32>
    %div3A_1419 = arith.constant 1.000000e+00 : f32
    %div3A_1420 = vector.broadcast %div3A_1419 : f32 to vector<16xf32>
    %div3A_1421 = arith.divf %div3A_1420, %add3A_1418 : vector<16xf32>
    %jit3A_1422 = arith.constant 0.000000e+00 : f32
    %broadcast_in_dim3A_1423 = vector.broadcast %jit3A_1422 : f32 to vector<16xf32>
    %select_n3A_1424 = arith.select %eq3A_1415, %broadcast_in_dim3A_1423, %div3A_1421 : vector<16xi1>, vector<16xf32>
    %swap3A_1425 = arith.constant 400 : index
    %swap3A_1426 = tpu.vector_load %arg8[%swap3A_1425] {strides = array<i32>} : memref<512xf32, #tpu.memory_space<vmem>>, vector<16xf32>,
    tpu.vector_store %arg8[%swap3A_1425], %select_n3A_1424 {strides = array<i32>} : memref<512xf32, #tpu.memory_space<vmem>>, vector<16xf32>,
    %sub3A_1427 = arith.constant 5.000000e+01 : f32
    %sub3A_1428 = vector.broadcast %sub3A_1427 : f32 to vector<16xf32>
    %sub3A_1429 = arith.subf %sub3A_1428, %convert_element_type3A_1412 : vector<16xf32>
    %swap3A_1430 = arith.constant 400 : index
    %swap3A_1431 = tpu.vector_load %arg9[%swap3A_1430] {strides = array<i32>} : memref<512xf32, #tpu.memory_space<vmem>>, vector<16xf32>,
    tpu.vector_store %arg9[%swap3A_1430], %sub3A_1429 {strides = array<i32>} : memref<512xf32, #tpu.memory_space<vmem>>, vector<16xf32>,
    %add3A_1432 = arith.constant 416 : i32
    %add3A_1433 = vector.broadcast %add3A_1432 : i32 to vector<16xi32>
    %add3A_1434 = arith.addi %iota3A, %add3A_1433 : vector<16xi32>
    %get3A_1435 = arith.constant 0 : i32
    %get3A_1436 = arith.constant 3 : i32
    %get3A_1437 = arith.index_cast %get3A_1435 : i32 to index
    %get3A_1438 = arith.index_cast %get3A_1436 : i32 to index
    %get3A_1439 = arith.constant 32 : index
    %get3A_1440 = tpu.vector_load %arg6[%get3A_1437, %get3A_1438, %get3A_1439] {strides = array<i32>} : memref<50x4x128xi32, #tpu.memory_space<vmem>>, vector<16xi32>,
    %ne3A_1441 = arith.constant 0 : i32
    %ne3A_1442 = vector.broadcast %ne3A_1441 : i32 to vector<16xi32>
    %ne3A_1443 = arith.cmpi ne, %get3A_1440, %ne3A_1442 : vector<16xi32>
    %convert_element_type3A_1444 = arith.extui %ne3A_1443 : vector<16xi1> to vector<16xi32>
    %scan3A_1445 = arith.constant 1 : i32
    %scan3A_1446 = arith.constant 49 : i32
    %scan3A_1447 = arith.addi %scan3A_1445, %scan3A_1446 : i32
    %scan3A_1448 = arith.constant 1 : i32
    %scan3A_1449 = scf.for %scan3A_1735 = %scan3A_1445 to %scan3A_1447 step %scan3A_1448 iter_args(%scan3A_1736 = %convert_element_type3A_1444) -> (vector<16xi32>)  : i32 {
      %broadcast_in_dim3A_1737 = vector.broadcast %scan3A_1735 : i32 to vector<16xi32>
      %gather3A_1738 = tpu.vector_load_idx %arg5[%add3A_1434, %broadcast_in_dim3A_1737] : memref<512x56xi32, #tpu.memory_space<vmem>>[vector<16xi32>, vector<16xi32>], vector<16xi32>,
      %swap3A_1739 = arith.constant 3 : i32
      %swap3A_1740 = arith.index_cast %scan3A_1735 : i32 to index
      %swap3A_1741 = arith.index_cast %swap3A_1739 : i32 to index
      %swap3A_1742 = arith.constant 32 : index
      %swap3A_1743 = tpu.vector_load %arg6[%swap3A_1740, %swap3A_1741, %swap3A_1742] {strides = array<i32>} : memref<50x4x128xi32, #tpu.memory_space<vmem>>, vector<16xi32>,
      tpu.vector_store %arg6[%swap3A_1740, %swap3A_1741, %swap3A_1742], %gather3A_1738 {strides = array<i32>} : memref<50x4x128xi32, #tpu.memory_space<vmem>>, vector<16xi32>,
      %ne3A_1744 = arith.constant 0 : i32
      %ne3A_1745 = vector.broadcast %ne3A_1744 : i32 to vector<16xi32>
      %ne3A_1746 = arith.cmpi ne, %gather3A_1738, %ne3A_1745 : vector<16xi32>
      %convert_element_type3A_1747 = arith.extui %ne3A_1746 : vector<16xi1> to vector<16xi32>
      %add3A_1748 = arith.addi %scan3A_1736, %convert_element_type3A_1747 : vector<16xi32>
      scf.yield %add3A_1748 : vector<16xi32>
    }
    %scan3A_1450 = arith.constant 49 : i32
    %convert_element_type3A_1451 = arith.sitofp %scan3A_1449 : vector<16xi32> to vector<16xf32>
    %eq3A_1452 = arith.constant 0 : i32
    %eq3A_1453 = vector.broadcast %eq3A_1452 : i32 to vector<16xi32>
    %eq3A_1454 = arith.cmpi eq, %scan3A_1449, %eq3A_1453 : vector<16xi32>
    %add3A_1455 = arith.constant 9.99999993E-9 : f32
    %add3A_1456 = vector.broadcast %add3A_1455 : f32 to vector<16xf32>
    %add3A_1457 = arith.addf %convert_element_type3A_1451, %add3A_1456 : vector<16xf32>
    %div3A_1458 = arith.constant 1.000000e+00 : f32
    %div3A_1459 = vector.broadcast %div3A_1458 : f32 to vector<16xf32>
    %div3A_1460 = arith.divf %div3A_1459, %add3A_1457 : vector<16xf32>
    %jit3A_1461 = arith.constant 0.000000e+00 : f32
    %broadcast_in_dim3A_1462 = vector.broadcast %jit3A_1461 : f32 to vector<16xf32>
    %select_n3A_1463 = arith.select %eq3A_1454, %broadcast_in_dim3A_1462, %div3A_1460 : vector<16xi1>, vector<16xf32>
    %swap3A_1464 = arith.constant 416 : index
    %swap3A_1465 = tpu.vector_load %arg8[%swap3A_1464] {strides = array<i32>} : memref<512xf32, #tpu.memory_space<vmem>>, vector<16xf32>,
    tpu.vector_store %arg8[%swap3A_1464], %select_n3A_1463 {strides = array<i32>} : memref<512xf32, #tpu.memory_space<vmem>>, vector<16xf32>,
    %sub3A_1466 = arith.constant 5.000000e+01 : f32
    %sub3A_1467 = vector.broadcast %sub3A_1466 : f32 to vector<16xf32>
    %sub3A_1468 = arith.subf %sub3A_1467, %convert_element_type3A_1451 : vector<16xf32>
    %swap3A_1469 = arith.constant 416 : index
    %swap3A_1470 = tpu.vector_load %arg9[%swap3A_1469] {strides = array<i32>} : memref<512xf32, #tpu.memory_space<vmem>>, vector<16xf32>,
    tpu.vector_store %arg9[%swap3A_1469], %sub3A_1468 {strides = array<i32>} : memref<512xf32, #tpu.memory_space<vmem>>, vector<16xf32>,
    %add3A_1471 = arith.constant 432 : i32
    %add3A_1472 = vector.broadcast %add3A_1471 : i32 to vector<16xi32>
    %add3A_1473 = arith.addi %iota3A, %add3A_1472 : vector<16xi32>
    %get3A_1474 = arith.constant 0 : i32
    %get3A_1475 = arith.constant 3 : i32
    %get3A_1476 = arith.index_cast %get3A_1474 : i32 to index
    %get3A_1477 = arith.index_cast %get3A_1475 : i32 to index
    %get3A_1478 = arith.constant 48 : index
    %get3A_1479 = tpu.vector_load %arg6[%get3A_1476, %get3A_1477, %get3A_1478] {strides = array<i32>} : memref<50x4x128xi32, #tpu.memory_space<vmem>>, vector<16xi32>,
    %ne3A_1480 = arith.constant 0 : i32
    %ne3A_1481 = vector.broadcast %ne3A_1480 : i32 to vector<16xi32>
    %ne3A_1482 = arith.cmpi ne, %get3A_1479, %ne3A_1481 : vector<16xi32>
    %convert_element_type3A_1483 = arith.extui %ne3A_1482 : vector<16xi1> to vector<16xi32>
    %scan3A_1484 = arith.constant 1 : i32
    %scan3A_1485 = arith.constant 49 : i32
    %scan3A_1486 = arith.addi %scan3A_1484, %scan3A_1485 : i32
    %scan3A_1487 = arith.constant 1 : i32
    %scan3A_1488 = scf.for %scan3A_1735 = %scan3A_1484 to %scan3A_1486 step %scan3A_1487 iter_args(%scan3A_1736 = %convert_element_type3A_1483) -> (vector<16xi32>)  : i32 {
      %broadcast_in_dim3A_1737 = vector.broadcast %scan3A_1735 : i32 to vector<16xi32>
      %gather3A_1738 = tpu.vector_load_idx %arg5[%add3A_1473, %broadcast_in_dim3A_1737] : memref<512x56xi32, #tpu.memory_space<vmem>>[vector<16xi32>, vector<16xi32>], vector<16xi32>,
      %swap3A_1739 = arith.constant 3 : i32
      %swap3A_1740 = arith.index_cast %scan3A_1735 : i32 to index
      %swap3A_1741 = arith.index_cast %swap3A_1739 : i32 to index
      %swap3A_1742 = arith.constant 48 : index
      %swap3A_1743 = tpu.vector_load %arg6[%swap3A_1740, %swap3A_1741, %swap3A_1742] {strides = array<i32>} : memref<50x4x128xi32, #tpu.memory_space<vmem>>, vector<16xi32>,
      tpu.vector_store %arg6[%swap3A_1740, %swap3A_1741, %swap3A_1742], %gather3A_1738 {strides = array<i32>} : memref<50x4x128xi32, #tpu.memory_space<vmem>>, vector<16xi32>,
      %ne3A_1744 = arith.constant 0 : i32
      %ne3A_1745 = vector.broadcast %ne3A_1744 : i32 to vector<16xi32>
      %ne3A_1746 = arith.cmpi ne, %gather3A_1738, %ne3A_1745 : vector<16xi32>
      %convert_element_type3A_1747 = arith.extui %ne3A_1746 : vector<16xi1> to vector<16xi32>
      %add3A_1748 = arith.addi %scan3A_1736, %convert_element_type3A_1747 : vector<16xi32>
      scf.yield %add3A_1748 : vector<16xi32>
    }
    %scan3A_1489 = arith.constant 49 : i32
    %convert_element_type3A_1490 = arith.sitofp %scan3A_1488 : vector<16xi32> to vector<16xf32>
    %eq3A_1491 = arith.constant 0 : i32
    %eq3A_1492 = vector.broadcast %eq3A_1491 : i32 to vector<16xi32>
    %eq3A_1493 = arith.cmpi eq, %scan3A_1488, %eq3A_1492 : vector<16xi32>
    %add3A_1494 = arith.constant 9.99999993E-9 : f32
    %add3A_1495 = vector.broadcast %add3A_1494 : f32 to vector<16xf32>
    %add3A_1496 = arith.addf %convert_element_type3A_1490, %add3A_1495 : vector<16xf32>
    %div3A_1497 = arith.constant 1.000000e+00 : f32
    %div3A_1498 = vector.broadcast %div3A_1497 : f32 to vector<16xf32>
    %div3A_1499 = arith.divf %div3A_1498, %add3A_1496 : vector<16xf32>
    %jit3A_1500 = arith.constant 0.000000e+00 : f32
    %broadcast_in_dim3A_1501 = vector.broadcast %jit3A_1500 : f32 to vector<16xf32>
    %select_n3A_1502 = arith.select %eq3A_1493, %broadcast_in_dim3A_1501, %div3A_1499 : vector<16xi1>, vector<16xf32>
    %swap3A_1503 = arith.constant 432 : index
    %swap3A_1504 = tpu.vector_load %arg8[%swap3A_1503] {strides = array<i32>} : memref<512xf32, #tpu.memory_space<vmem>>, vector<16xf32>,
    tpu.vector_store %arg8[%swap3A_1503], %select_n3A_1502 {strides = array<i32>} : memref<512xf32, #tpu.memory_space<vmem>>, vector<16xf32>,
    %sub3A_1505 = arith.constant 5.000000e+01 : f32
    %sub3A_1506 = vector.broadcast %sub3A_1505 : f32 to vector<16xf32>
    %sub3A_1507 = arith.subf %sub3A_1506, %convert_element_type3A_1490 : vector<16xf32>
    %swap3A_1508 = arith.constant 432 : index
    %swap3A_1509 = tpu.vector_load %arg9[%swap3A_1508] {strides = array<i32>} : memref<512xf32, #tpu.memory_space<vmem>>, vector<16xf32>,
    tpu.vector_store %arg9[%swap3A_1508], %sub3A_1507 {strides = array<i32>} : memref<512xf32, #tpu.memory_space<vmem>>, vector<16xf32>,
    %add3A_1510 = arith.constant 448 : i32
    %add3A_1511 = vector.broadcast %add3A_1510 : i32 to vector<16xi32>
    %add3A_1512 = arith.addi %iota3A, %add3A_1511 : vector<16xi32>
    %get3A_1513 = arith.constant 0 : i32
    %get3A_1514 = arith.constant 3 : i32
    %get3A_1515 = arith.index_cast %get3A_1513 : i32 to index
    %get3A_1516 = arith.index_cast %get3A_1514 : i32 to index
    %get3A_1517 = arith.constant 64 : index
    %get3A_1518 = tpu.vector_load %arg6[%get3A_1515, %get3A_1516, %get3A_1517] {strides = array<i32>} : memref<50x4x128xi32, #tpu.memory_space<vmem>>, vector<16xi32>,
    %ne3A_1519 = arith.constant 0 : i32
    %ne3A_1520 = vector.broadcast %ne3A_1519 : i32 to vector<16xi32>
    %ne3A_1521 = arith.cmpi ne, %get3A_1518, %ne3A_1520 : vector<16xi32>
    %convert_element_type3A_1522 = arith.extui %ne3A_1521 : vector<16xi1> to vector<16xi32>
    %scan3A_1523 = arith.constant 1 : i32
    %scan3A_1524 = arith.constant 49 : i32
    %scan3A_1525 = arith.addi %scan3A_1523, %scan3A_1524 : i32
    %scan3A_1526 = arith.constant 1 : i32
    %scan3A_1527 = scf.for %scan3A_1735 = %scan3A_1523 to %scan3A_1525 step %scan3A_1526 iter_args(%scan3A_1736 = %convert_element_type3A_1522) -> (vector<16xi32>)  : i32 {
      %broadcast_in_dim3A_1737 = vector.broadcast %scan3A_1735 : i32 to vector<16xi32>
      %gather3A_1738 = tpu.vector_load_idx %arg5[%add3A_1512, %broadcast_in_dim3A_1737] : memref<512x56xi32, #tpu.memory_space<vmem>>[vector<16xi32>, vector<16xi32>], vector<16xi32>,
      %swap3A_1739 = arith.constant 3 : i32
      %swap3A_1740 = arith.index_cast %scan3A_1735 : i32 to index
      %swap3A_1741 = arith.index_cast %swap3A_1739 : i32 to index
      %swap3A_1742 = arith.constant 64 : index
      %swap3A_1743 = tpu.vector_load %arg6[%swap3A_1740, %swap3A_1741, %swap3A_1742] {strides = array<i32>} : memref<50x4x128xi32, #tpu.memory_space<vmem>>, vector<16xi32>,
      tpu.vector_store %arg6[%swap3A_1740, %swap3A_1741, %swap3A_1742], %gather3A_1738 {strides = array<i32>} : memref<50x4x128xi32, #tpu.memory_space<vmem>>, vector<16xi32>,
      %ne3A_1744 = arith.constant 0 : i32
      %ne3A_1745 = vector.broadcast %ne3A_1744 : i32 to vector<16xi32>
      %ne3A_1746 = arith.cmpi ne, %gather3A_1738, %ne3A_1745 : vector<16xi32>
      %convert_element_type3A_1747 = arith.extui %ne3A_1746 : vector<16xi1> to vector<16xi32>
      %add3A_1748 = arith.addi %scan3A_1736, %convert_element_type3A_1747 : vector<16xi32>
      scf.yield %add3A_1748 : vector<16xi32>
    }
    %scan3A_1528 = arith.constant 49 : i32
    %convert_element_type3A_1529 = arith.sitofp %scan3A_1527 : vector<16xi32> to vector<16xf32>
    %eq3A_1530 = arith.constant 0 : i32
    %eq3A_1531 = vector.broadcast %eq3A_1530 : i32 to vector<16xi32>
    %eq3A_1532 = arith.cmpi eq, %scan3A_1527, %eq3A_1531 : vector<16xi32>
    %add3A_1533 = arith.constant 9.99999993E-9 : f32
    %add3A_1534 = vector.broadcast %add3A_1533 : f32 to vector<16xf32>
    %add3A_1535 = arith.addf %convert_element_type3A_1529, %add3A_1534 : vector<16xf32>
    %div3A_1536 = arith.constant 1.000000e+00 : f32
    %div3A_1537 = vector.broadcast %div3A_1536 : f32 to vector<16xf32>
    %div3A_1538 = arith.divf %div3A_1537, %add3A_1535 : vector<16xf32>
    %jit3A_1539 = arith.constant 0.000000e+00 : f32
    %broadcast_in_dim3A_1540 = vector.broadcast %jit3A_1539 : f32 to vector<16xf32>
    %select_n3A_1541 = arith.select %eq3A_1532, %broadcast_in_dim3A_1540, %div3A_1538 : vector<16xi1>, vector<16xf32>
    %swap3A_1542 = arith.constant 448 : index
    %swap3A_1543 = tpu.vector_load %arg8[%swap3A_1542] {strides = array<i32>} : memref<512xf32, #tpu.memory_space<vmem>>, vector<16xf32>,
    tpu.vector_store %arg8[%swap3A_1542], %select_n3A_1541 {strides = array<i32>} : memref<512xf32, #tpu.memory_space<vmem>>, vector<16xf32>,
    %sub3A_1544 = arith.constant 5.000000e+01 : f32
    %sub3A_1545 = vector.broadcast %sub3A_1544 : f32 to vector<16xf32>
    %sub3A_1546 = arith.subf %sub3A_1545, %convert_element_type3A_1529 : vector<16xf32>
    %swap3A_1547 = arith.constant 448 : index
    %swap3A_1548 = tpu.vector_load %arg9[%swap3A_1547] {strides = array<i32>} : memref<512xf32, #tpu.memory_space<vmem>>, vector<16xf32>,
    tpu.vector_store %arg9[%swap3A_1547], %sub3A_1546 {strides = array<i32>} : memref<512xf32, #tpu.memory_space<vmem>>, vector<16xf32>,
    %add3A_1549 = arith.constant 464 : i32
    %add3A_1550 = vector.broadcast %add3A_1549 : i32 to vector<16xi32>
    %add3A_1551 = arith.addi %iota3A, %add3A_1550 : vector<16xi32>
    %get3A_1552 = arith.constant 0 : i32
    %get3A_1553 = arith.constant 3 : i32
    %get3A_1554 = arith.index_cast %get3A_1552 : i32 to index
    %get3A_1555 = arith.index_cast %get3A_1553 : i32 to index
    %get3A_1556 = arith.constant 80 : index
    %get3A_1557 = tpu.vector_load %arg6[%get3A_1554, %get3A_1555, %get3A_1556] {strides = array<i32>} : memref<50x4x128xi32, #tpu.memory_space<vmem>>, vector<16xi32>,
    %ne3A_1558 = arith.constant 0 : i32
    %ne3A_1559 = vector.broadcast %ne3A_1558 : i32 to vector<16xi32>
    %ne3A_1560 = arith.cmpi ne, %get3A_1557, %ne3A_1559 : vector<16xi32>
    %convert_element_type3A_1561 = arith.extui %ne3A_1560 : vector<16xi1> to vector<16xi32>
    %scan3A_1562 = arith.constant 1 : i32
    %scan3A_1563 = arith.constant 49 : i32
    %scan3A_1564 = arith.addi %scan3A_1562, %scan3A_1563 : i32
    %scan3A_1565 = arith.constant 1 : i32
    %scan3A_1566 = scf.for %scan3A_1735 = %scan3A_1562 to %scan3A_1564 step %scan3A_1565 iter_args(%scan3A_1736 = %convert_element_type3A_1561) -> (vector<16xi32>)  : i32 {
      %broadcast_in_dim3A_1737 = vector.broadcast %scan3A_1735 : i32 to vector<16xi32>
      %gather3A_1738 = tpu.vector_load_idx %arg5[%add3A_1551, %broadcast_in_dim3A_1737] : memref<512x56xi32, #tpu.memory_space<vmem>>[vector<16xi32>, vector<16xi32>], vector<16xi32>,
      %swap3A_1739 = arith.constant 3 : i32
      %swap3A_1740 = arith.index_cast %scan3A_1735 : i32 to index
      %swap3A_1741 = arith.index_cast %swap3A_1739 : i32 to index
      %swap3A_1742 = arith.constant 80 : index
      %swap3A_1743 = tpu.vector_load %arg6[%swap3A_1740, %swap3A_1741, %swap3A_1742] {strides = array<i32>} : memref<50x4x128xi32, #tpu.memory_space<vmem>>, vector<16xi32>,
      tpu.vector_store %arg6[%swap3A_1740, %swap3A_1741, %swap3A_1742], %gather3A_1738 {strides = array<i32>} : memref<50x4x128xi32, #tpu.memory_space<vmem>>, vector<16xi32>,
      %ne3A_1744 = arith.constant 0 : i32
      %ne3A_1745 = vector.broadcast %ne3A_1744 : i32 to vector<16xi32>
      %ne3A_1746 = arith.cmpi ne, %gather3A_1738, %ne3A_1745 : vector<16xi32>
      %convert_element_type3A_1747 = arith.extui %ne3A_1746 : vector<16xi1> to vector<16xi32>
      %add3A_1748 = arith.addi %scan3A_1736, %convert_element_type3A_1747 : vector<16xi32>
      scf.yield %add3A_1748 : vector<16xi32>
    }
    %scan3A_1567 = arith.constant 49 : i32
    %convert_element_type3A_1568 = arith.sitofp %scan3A_1566 : vector<16xi32> to vector<16xf32>
    %eq3A_1569 = arith.constant 0 : i32
    %eq3A_1570 = vector.broadcast %eq3A_1569 : i32 to vector<16xi32>
    %eq3A_1571 = arith.cmpi eq, %scan3A_1566, %eq3A_1570 : vector<16xi32>
    %add3A_1572 = arith.constant 9.99999993E-9 : f32
    %add3A_1573 = vector.broadcast %add3A_1572 : f32 to vector<16xf32>
    %add3A_1574 = arith.addf %convert_element_type3A_1568, %add3A_1573 : vector<16xf32>
    %div3A_1575 = arith.constant 1.000000e+00 : f32
    %div3A_1576 = vector.broadcast %div3A_1575 : f32 to vector<16xf32>
    %div3A_1577 = arith.divf %div3A_1576, %add3A_1574 : vector<16xf32>
    %jit3A_1578 = arith.constant 0.000000e+00 : f32
    %broadcast_in_dim3A_1579 = vector.broadcast %jit3A_1578 : f32 to vector<16xf32>
    %select_n3A_1580 = arith.select %eq3A_1571, %broadcast_in_dim3A_1579, %div3A_1577 : vector<16xi1>, vector<16xf32>
    %swap3A_1581 = arith.constant 464 : index
    %swap3A_1582 = tpu.vector_load %arg8[%swap3A_1581] {strides = array<i32>} : memref<512xf32, #tpu.memory_space<vmem>>, vector<16xf32>,
    tpu.vector_store %arg8[%swap3A_1581], %select_n3A_1580 {strides = array<i32>} : memref<512xf32, #tpu.memory_space<vmem>>, vector<16xf32>,
    %sub3A_1583 = arith.constant 5.000000e+01 : f32
    %sub3A_1584 = vector.broadcast %sub3A_1583 : f32 to vector<16xf32>
    %sub3A_1585 = arith.subf %sub3A_1584, %convert_element_type3A_1568 : vector<16xf32>
    %swap3A_1586 = arith.constant 464 : index
    %swap3A_1587 = tpu.vector_load %arg9[%swap3A_1586] {strides = array<i32>} : memref<512xf32, #tpu.memory_space<vmem>>, vector<16xf32>,
    tpu.vector_store %arg9[%swap3A_1586], %sub3A_1585 {strides = array<i32>} : memref<512xf32, #tpu.memory_space<vmem>>, vector<16xf32>,
    %add3A_1588 = arith.constant 480 : i32
    %add3A_1589 = vector.broadcast %add3A_1588 : i32 to vector<16xi32>
    %add3A_1590 = arith.addi %iota3A, %add3A_1589 : vector<16xi32>
    %get3A_1591 = arith.constant 0 : i32
    %get3A_1592 = arith.constant 3 : i32
    %get3A_1593 = arith.index_cast %get3A_1591 : i32 to index
    %get3A_1594 = arith.index_cast %get3A_1592 : i32 to index
    %get3A_1595 = arith.constant 96 : index
    %get3A_1596 = tpu.vector_load %arg6[%get3A_1593, %get3A_1594, %get3A_1595] {strides = array<i32>} : memref<50x4x128xi32, #tpu.memory_space<vmem>>, vector<16xi32>,
    %ne3A_1597 = arith.constant 0 : i32
    %ne3A_1598 = vector.broadcast %ne3A_1597 : i32 to vector<16xi32>
    %ne3A_1599 = arith.cmpi ne, %get3A_1596, %ne3A_1598 : vector<16xi32>
    %convert_element_type3A_1600 = arith.extui %ne3A_1599 : vector<16xi1> to vector<16xi32>
    %scan3A_1601 = arith.constant 1 : i32
    %scan3A_1602 = arith.constant 49 : i32
    %scan3A_1603 = arith.addi %scan3A_1601, %scan3A_1602 : i32
    %scan3A_1604 = arith.constant 1 : i32
    %scan3A_1605 = scf.for %scan3A_1735 = %scan3A_1601 to %scan3A_1603 step %scan3A_1604 iter_args(%scan3A_1736 = %convert_element_type3A_1600) -> (vector<16xi32>)  : i32 {
      %broadcast_in_dim3A_1737 = vector.broadcast %scan3A_1735 : i32 to vector<16xi32>
      %gather3A_1738 = tpu.vector_load_idx %arg5[%add3A_1590, %broadcast_in_dim3A_1737] : memref<512x56xi32, #tpu.memory_space<vmem>>[vector<16xi32>, vector<16xi32>], vector<16xi32>,
      %swap3A_1739 = arith.constant 3 : i32
      %swap3A_1740 = arith.index_cast %scan3A_1735 : i32 to index
      %swap3A_1741 = arith.index_cast %swap3A_1739 : i32 to index
      %swap3A_1742 = arith.constant 96 : index
      %swap3A_1743 = tpu.vector_load %arg6[%swap3A_1740, %swap3A_1741, %swap3A_1742] {strides = array<i32>} : memref<50x4x128xi32, #tpu.memory_space<vmem>>, vector<16xi32>,
      tpu.vector_store %arg6[%swap3A_1740, %swap3A_1741, %swap3A_1742], %gather3A_1738 {strides = array<i32>} : memref<50x4x128xi32, #tpu.memory_space<vmem>>, vector<16xi32>,
      %ne3A_1744 = arith.constant 0 : i32
      %ne3A_1745 = vector.broadcast %ne3A_1744 : i32 to vector<16xi32>
      %ne3A_1746 = arith.cmpi ne, %gather3A_1738, %ne3A_1745 : vector<16xi32>
      %convert_element_type3A_1747 = arith.extui %ne3A_1746 : vector<16xi1> to vector<16xi32>
      %add3A_1748 = arith.addi %scan3A_1736, %convert_element_type3A_1747 : vector<16xi32>
      scf.yield %add3A_1748 : vector<16xi32>
    }
    %scan3A_1606 = arith.constant 49 : i32
    %convert_element_type3A_1607 = arith.sitofp %scan3A_1605 : vector<16xi32> to vector<16xf32>
    %eq3A_1608 = arith.constant 0 : i32
    %eq3A_1609 = vector.broadcast %eq3A_1608 : i32 to vector<16xi32>
    %eq3A_1610 = arith.cmpi eq, %scan3A_1605, %eq3A_1609 : vector<16xi32>
    %add3A_1611 = arith.constant 9.99999993E-9 : f32
    %add3A_1612 = vector.broadcast %add3A_1611 : f32 to vector<16xf32>
    %add3A_1613 = arith.addf %convert_element_type3A_1607, %add3A_1612 : vector<16xf32>
    %div3A_1614 = arith.constant 1.000000e+00 : f32
    %div3A_1615 = vector.broadcast %div3A_1614 : f32 to vector<16xf32>
    %div3A_1616 = arith.divf %div3A_1615, %add3A_1613 : vector<16xf32>
    %jit3A_1617 = arith.constant 0.000000e+00 : f32
    %broadcast_in_dim3A_1618 = vector.broadcast %jit3A_1617 : f32 to vector<16xf32>
    %select_n3A_1619 = arith.select %eq3A_1610, %broadcast_in_dim3A_1618, %div3A_1616 : vector<16xi1>, vector<16xf32>
    %swap3A_1620 = arith.constant 480 : index
    %swap3A_1621 = tpu.vector_load %arg8[%swap3A_1620] {strides = array<i32>} : memref<512xf32, #tpu.memory_space<vmem>>, vector<16xf32>,
    tpu.vector_store %arg8[%swap3A_1620], %select_n3A_1619 {strides = array<i32>} : memref<512xf32, #tpu.memory_space<vmem>>, vector<16xf32>,
    %sub3A_1622 = arith.constant 5.000000e+01 : f32
    %sub3A_1623 = vector.broadcast %sub3A_1622 : f32 to vector<16xf32>
    %sub3A_1624 = arith.subf %sub3A_1623, %convert_element_type3A_1607 : vector<16xf32>
    %swap3A_1625 = arith.constant 480 : index
    %swap3A_1626 = tpu.vector_load %arg9[%swap3A_1625] {strides = array<i32>} : memref<512xf32, #tpu.memory_space<vmem>>, vector<16xf32>,
    tpu.vector_store %arg9[%swap3A_1625], %sub3A_1624 {strides = array<i32>} : memref<512xf32, #tpu.memory_space<vmem>>, vector<16xf32>,
    %add3A_1627 = arith.constant 496 : i32
    %add3A_1628 = vector.broadcast %add3A_1627 : i32 to vector<16xi32>
    %add3A_1629 = arith.addi %iota3A, %add3A_1628 : vector<16xi32>
    %get3A_1630 = arith.constant 0 : i32
    %get3A_1631 = arith.constant 3 : i32
    %get3A_1632 = arith.index_cast %get3A_1630 : i32 to index
    %get3A_1633 = arith.index_cast %get3A_1631 : i32 to index
    %get3A_1634 = arith.constant 112 : index
    %get3A_1635 = tpu.vector_load %arg6[%get3A_1632, %get3A_1633, %get3A_1634] {strides = array<i32>} : memref<50x4x128xi32, #tpu.memory_space<vmem>>, vector<16xi32>,
    %ne3A_1636 = arith.constant 0 : i32
    %ne3A_1637 = vector.broadcast %ne3A_1636 : i32 to vector<16xi32>
    %ne3A_1638 = arith.cmpi ne, %get3A_1635, %ne3A_1637 : vector<16xi32>
    %convert_element_type3A_1639 = arith.extui %ne3A_1638 : vector<16xi1> to vector<16xi32>
    %scan3A_1640 = arith.constant 1 : i32
    %scan3A_1641 = arith.constant 49 : i32
    %scan3A_1642 = arith.addi %scan3A_1640, %scan3A_1641 : i32
    %scan3A_1643 = arith.constant 1 : i32
    %scan3A_1644 = scf.for %scan3A_1735 = %scan3A_1640 to %scan3A_1642 step %scan3A_1643 iter_args(%scan3A_1736 = %convert_element_type3A_1639) -> (vector<16xi32>)  : i32 {
      %broadcast_in_dim3A_1737 = vector.broadcast %scan3A_1735 : i32 to vector<16xi32>
      %gather3A_1738 = tpu.vector_load_idx %arg5[%add3A_1629, %broadcast_in_dim3A_1737] : memref<512x56xi32, #tpu.memory_space<vmem>>[vector<16xi32>, vector<16xi32>], vector<16xi32>,
      %swap3A_1739 = arith.constant 3 : i32
      %swap3A_1740 = arith.index_cast %scan3A_1735 : i32 to index
      %swap3A_1741 = arith.index_cast %swap3A_1739 : i32 to index
      %swap3A_1742 = arith.constant 112 : index
      %swap3A_1743 = tpu.vector_load %arg6[%swap3A_1740, %swap3A_1741, %swap3A_1742] {strides = array<i32>} : memref<50x4x128xi32, #tpu.memory_space<vmem>>, vector<16xi32>,
      tpu.vector_store %arg6[%swap3A_1740, %swap3A_1741, %swap3A_1742], %gather3A_1738 {strides = array<i32>} : memref<50x4x128xi32, #tpu.memory_space<vmem>>, vector<16xi32>,
      %ne3A_1744 = arith.constant 0 : i32
      %ne3A_1745 = vector.broadcast %ne3A_1744 : i32 to vector<16xi32>
      %ne3A_1746 = arith.cmpi ne, %gather3A_1738, %ne3A_1745 : vector<16xi32>
      %convert_element_type3A_1747 = arith.extui %ne3A_1746 : vector<16xi1> to vector<16xi32>
      %add3A_1748 = arith.addi %scan3A_1736, %convert_element_type3A_1747 : vector<16xi32>
      scf.yield %add3A_1748 : vector<16xi32>
    }
    %scan3A_1645 = arith.constant 49 : i32
    %convert_element_type3A_1646 = arith.sitofp %scan3A_1644 : vector<16xi32> to vector<16xf32>
    %eq3A_1647 = arith.constant 0 : i32
    %eq3A_1648 = vector.broadcast %eq3A_1647 : i32 to vector<16xi32>
    %eq3A_1649 = arith.cmpi eq, %scan3A_1644, %eq3A_1648 : vector<16xi32>
    %add3A_1650 = arith.constant 9.99999993E-9 : f32
    %add3A_1651 = vector.broadcast %add3A_1650 : f32 to vector<16xf32>
    %add3A_1652 = arith.addf %convert_element_type3A_1646, %add3A_1651 : vector<16xf32>
    %div3A_1653 = arith.constant 1.000000e+00 : f32
    %div3A_1654 = vector.broadcast %div3A_1653 : f32 to vector<16xf32>
    %div3A_1655 = arith.divf %div3A_1654, %add3A_1652 : vector<16xf32>
    %jit3A_1656 = arith.constant 0.000000e+00 : f32
    %broadcast_in_dim3A_1657 = vector.broadcast %jit3A_1656 : f32 to vector<16xf32>
    %select_n3A_1658 = arith.select %eq3A_1649, %broadcast_in_dim3A_1657, %div3A_1655 : vector<16xi1>, vector<16xf32>
    %swap3A_1659 = arith.constant 496 : index
    %swap3A_1660 = tpu.vector_load %arg8[%swap3A_1659] {strides = array<i32>} : memref<512xf32, #tpu.memory_space<vmem>>, vector<16xf32>,
    tpu.vector_store %arg8[%swap3A_1659], %select_n3A_1658 {strides = array<i32>} : memref<512xf32, #tpu.memory_space<vmem>>, vector<16xf32>,
    %sub3A_1661 = arith.constant 5.000000e+01 : f32
    %sub3A_1662 = vector.broadcast %sub3A_1661 : f32 to vector<16xf32>
    %sub3A_1663 = arith.subf %sub3A_1662, %convert_element_type3A_1646 : vector<16xf32>
    %swap3A_1664 = arith.constant 496 : index
    %swap3A_1665 = tpu.vector_load %arg9[%swap3A_1664] {strides = array<i32>} : memref<512xf32, #tpu.memory_space<vmem>>, vector<16xf32>,
    tpu.vector_store %arg9[%swap3A_1664], %sub3A_1663 {strides = array<i32>} : memref<512xf32, #tpu.memory_space<vmem>>, vector<16xf32>,
    %dma_wait3A = arith.constant 0 : i32
    %dma_wait3A_1666 = arith.constant 0 : i32
    %dma_wait3A_1667 = arith.constant 0 : i32
    %dma_wait3A_1668 = arith.constant 0 : i32
    %dma_wait3A_1669 = tpu.memref_slice %arg7[%dma_wait3A_1667, %dma_wait3A_1668] : memref<512x32xf32, #tpu.memory_space<vmem>> -> memref<128x32xf32, #tpu.memory_space<vmem>>
    %dma_wait3A_1670 = arith.constant 0 : i32
    %dma_wait3A_1671 = tpu.memref_slice %arg6[%dma_wait3A, %dma_wait3A_1666, %dma_wait3A_1670] : memref<50x4x128xi32, #tpu.memory_space<vmem>> -> memref<1x1x128xi32, #tpu.memory_space<vmem>>
    %dma_wait3A_1672 = tpu.memref_squeeze %dma_wait3A_1671 : memref<1x1x128xi32, #tpu.memory_space<vmem>> -> memref<128xi32, #tpu.memory_space<vmem>>
    %dma_wait3A_1673 = arith.constant 0 : i32
    %dma_wait3A_1674 = arith.constant 0 : i32
    %dma_wait3A_1675 = tpu.memref_slice %arg3[%dma_wait3A_1673, %dma_wait3A_1674] : memref<1000000x32xf32, #tpu.memory_space<hbm>> -> memref<1000000x32xf32, #tpu.memory_space<hbm>>
    tpu.wait_indirect_dma semaphore(%arg11 : memref<!tpu.dma_semaphore, #tpu.memory_space<semaphore_mem>>) src(%dma_wait3A_1675 : memref<1000000x32xf32, #tpu.memory_space<hbm>>) dst(%dma_wait3A_1669 : memref<128x32xf32, #tpu.memory_space<vmem>>)
    %dma_wait3A_1676 = arith.constant 0 : i32
    %dma_wait3A_1677 = arith.constant 1 : i32
    %dma_wait3A_1678 = arith.constant 128 : i32
    %dma_wait3A_1679 = arith.constant 0 : i32
    %dma_wait3A_1680 = tpu.memref_slice %arg7[%dma_wait3A_1678, %dma_wait3A_1679] : memref<512x32xf32, #tpu.memory_space<vmem>> -> memref<128x32xf32, #tpu.memory_space<vmem>>
    %dma_wait3A_1681 = arith.constant 0 : i32
    %dma_wait3A_1682 = tpu.memref_slice %arg6[%dma_wait3A_1676, %dma_wait3A_1677, %dma_wait3A_1681] : memref<50x4x128xi32, #tpu.memory_space<vmem>> -> memref<1x1x128xi32, #tpu.memory_space<vmem>>
    %dma_wait3A_1683 = tpu.memref_squeeze %dma_wait3A_1682 : memref<1x1x128xi32, #tpu.memory_space<vmem>> -> memref<128xi32, #tpu.memory_space<vmem>>
    %dma_wait3A_1684 = arith.constant 0 : i32
    %dma_wait3A_1685 = arith.constant 0 : i32
    %dma_wait3A_1686 = tpu.memref_slice %arg3[%dma_wait3A_1684, %dma_wait3A_1685] : memref<1000000x32xf32, #tpu.memory_space<hbm>> -> memref<1000000x32xf32, #tpu.memory_space<hbm>>
    tpu.wait_indirect_dma semaphore(%arg11 : memref<!tpu.dma_semaphore, #tpu.memory_space<semaphore_mem>>) src(%dma_wait3A_1686 : memref<1000000x32xf32, #tpu.memory_space<hbm>>) dst(%dma_wait3A_1680 : memref<128x32xf32, #tpu.memory_space<vmem>>)
    %dma_wait3A_1687 = arith.constant 0 : i32
    %dma_wait3A_1688 = arith.constant 2 : i32
    %dma_wait3A_1689 = arith.constant 256 : i32
    %dma_wait3A_1690 = arith.constant 0 : i32
    %dma_wait3A_1691 = tpu.memref_slice %arg7[%dma_wait3A_1689, %dma_wait3A_1690] : memref<512x32xf32, #tpu.memory_space<vmem>> -> memref<128x32xf32, #tpu.memory_space<vmem>>
    %dma_wait3A_1692 = arith.constant 0 : i32
    %dma_wait3A_1693 = tpu.memref_slice %arg6[%dma_wait3A_1687, %dma_wait3A_1688, %dma_wait3A_1692] : memref<50x4x128xi32, #tpu.memory_space<vmem>> -> memref<1x1x128xi32, #tpu.memory_space<vmem>>
    %dma_wait3A_1694 = tpu.memref_squeeze %dma_wait3A_1693 : memref<1x1x128xi32, #tpu.memory_space<vmem>> -> memref<128xi32, #tpu.memory_space<vmem>>
    %dma_wait3A_1695 = arith.constant 0 : i32
    %dma_wait3A_1696 = arith.constant 0 : i32
    %dma_wait3A_1697 = tpu.memref_slice %arg3[%dma_wait3A_1695, %dma_wait3A_1696] : memref<1000000x32xf32, #tpu.memory_space<hbm>> -> memref<1000000x32xf32, #tpu.memory_space<hbm>>
    tpu.wait_indirect_dma semaphore(%arg11 : memref<!tpu.dma_semaphore, #tpu.memory_space<semaphore_mem>>) src(%dma_wait3A_1697 : memref<1000000x32xf32, #tpu.memory_space<hbm>>) dst(%dma_wait3A_1691 : memref<128x32xf32, #tpu.memory_space<vmem>>)
    %dma_wait3A_1698 = arith.constant 0 : i32
    %dma_wait3A_1699 = arith.constant 3 : i32
    %dma_wait3A_1700 = arith.constant 384 : i32
    %dma_wait3A_1701 = arith.constant 0 : i32
    %dma_wait3A_1702 = tpu.memref_slice %arg7[%dma_wait3A_1700, %dma_wait3A_1701] : memref<512x32xf32, #tpu.memory_space<vmem>> -> memref<128x32xf32, #tpu.memory_space<vmem>>
    %dma_wait3A_1703 = arith.constant 0 : i32
    %dma_wait3A_1704 = tpu.memref_slice %arg6[%dma_wait3A_1698, %dma_wait3A_1699, %dma_wait3A_1703] : memref<50x4x128xi32, #tpu.memory_space<vmem>> -> memref<1x1x128xi32, #tpu.memory_space<vmem>>
    %dma_wait3A_1705 = tpu.memref_squeeze %dma_wait3A_1704 : memref<1x1x128xi32, #tpu.memory_space<vmem>> -> memref<128xi32, #tpu.memory_space<vmem>>
    %dma_wait3A_1706 = arith.constant 0 : i32
    %dma_wait3A_1707 = arith.constant 0 : i32
    %dma_wait3A_1708 = tpu.memref_slice %arg3[%dma_wait3A_1706, %dma_wait3A_1707] : memref<1000000x32xf32, #tpu.memory_space<hbm>> -> memref<1000000x32xf32, #tpu.memory_space<hbm>>
    tpu.wait_indirect_dma semaphore(%arg11 : memref<!tpu.dma_semaphore, #tpu.memory_space<semaphore_mem>>) src(%dma_wait3A_1708 : memref<1000000x32xf32, #tpu.memory_space<hbm>>) dst(%dma_wait3A_1702 : memref<128x32xf32, #tpu.memory_space<vmem>>)
    %scan3A_1709 = arith.constant 0 : i32
    %scan3A_1710 = arith.constant 1 : i32
    %scan3A_1711 = arith.constant 49 : i32
    %scan3A_1712 = arith.addi %scan3A_1710, %scan3A_1711 : i32
    %scan3A_1713 = arith.constant 1 : i32
    scf.for %scan3A_1735 = %scan3A_1710 to %scan3A_1712 step %scan3A_1713  : i32 {
      %dma_start3A_1736 = arith.constant 0 : i32
      %dma_start3A_1737 = arith.constant 0 : i32
      %dma_start3A_1738 = arith.constant 0 : i32
      %dma_start3A_1739 = tpu.memref_slice %arg7[%dma_start3A_1737, %dma_start3A_1738] : memref<512x32xf32, #tpu.memory_space<vmem>> -> memref<128x32xf32, #tpu.memory_space<vmem>>
      %dma_start3A_1740 = arith.constant 0 : i32
      %dma_start3A_1741 = tpu.memref_slice %arg6[%scan3A_1735, %dma_start3A_1736, %dma_start3A_1740] : memref<50x4x128xi32, #tpu.memory_space<vmem>> -> memref<1x1x128xi32, #tpu.memory_space<vmem>>
      %dma_start3A_1742 = tpu.memref_squeeze %dma_start3A_1741 : memref<1x1x128xi32, #tpu.memory_space<vmem>> -> memref<128xi32, #tpu.memory_space<vmem>>
      %dma_start3A_1743 = arith.constant 0 : i32
      %dma_start3A_1744 = arith.constant 0 : i32
      %dma_start3A_1745 = tpu.memref_slice %arg3[%dma_start3A_1743, %dma_start3A_1744] : memref<1000000x32xf32, #tpu.memory_space<hbm>> -> memref<1000000x32xf32, #tpu.memory_space<hbm>>
      tpu.enqueue_indirect_dma source(%dma_start3A_1745 : memref<1000000x32xf32, #tpu.memory_space<hbm>>) target(%dma_start3A_1739 : memref<128x32xf32, #tpu.memory_space<vmem>>) offsets(%dma_start3A_1742 : memref<128xi32, #tpu.memory_space<vmem>>) semaphore(%arg11 : memref<!tpu.dma_semaphore, #tpu.memory_space<semaphore_mem>>) {add = true}
      %dma_start3A_1746 = arith.constant 1 : i32
      %dma_start3A_1747 = arith.constant 128 : i32
      %dma_start3A_1748 = arith.constant 0 : i32
      %dma_start3A_1749 = tpu.memref_slice %arg7[%dma_start3A_1747, %dma_start3A_1748] : memref<512x32xf32, #tpu.memory_space<vmem>> -> memref<128x32xf32, #tpu.memory_space<vmem>>
      %dma_start3A_1750 = arith.constant 0 : i32
      %dma_start3A_1751 = tpu.memref_slice %arg6[%scan3A_1735, %dma_start3A_1746, %dma_start3A_1750] : memref<50x4x128xi32, #tpu.memory_space<vmem>> -> memref<1x1x128xi32, #tpu.memory_space<vmem>>
      %dma_start3A_1752 = tpu.memref_squeeze %dma_start3A_1751 : memref<1x1x128xi32, #tpu.memory_space<vmem>> -> memref<128xi32, #tpu.memory_space<vmem>>
      %dma_start3A_1753 = arith.constant 0 : i32
      %dma_start3A_1754 = arith.constant 0 : i32
      %dma_start3A_1755 = tpu.memref_slice %arg3[%dma_start3A_1753, %dma_start3A_1754] : memref<1000000x32xf32, #tpu.memory_space<hbm>> -> memref<1000000x32xf32, #tpu.memory_space<hbm>>
      tpu.enqueue_indirect_dma source(%dma_start3A_1755 : memref<1000000x32xf32, #tpu.memory_space<hbm>>) target(%dma_start3A_1749 : memref<128x32xf32, #tpu.memory_space<vmem>>) offsets(%dma_start3A_1752 : memref<128xi32, #tpu.memory_space<vmem>>) semaphore(%arg11 : memref<!tpu.dma_semaphore, #tpu.memory_space<semaphore_mem>>) {add = true}
      %dma_start3A_1756 = arith.constant 2 : i32
      %dma_start3A_1757 = arith.constant 256 : i32
      %dma_start3A_1758 = arith.constant 0 : i32
      %dma_start3A_1759 = tpu.memref_slice %arg7[%dma_start3A_1757, %dma_start3A_1758] : memref<512x32xf32, #tpu.memory_space<vmem>> -> memref<128x32xf32, #tpu.memory_space<vmem>>
      %dma_start3A_1760 = arith.constant 0 : i32
      %dma_start3A_1761 = tpu.memref_slice %arg6[%scan3A_1735, %dma_start3A_1756, %dma_start3A_1760] : memref<50x4x128xi32, #tpu.memory_space<vmem>> -> memref<1x1x128xi32, #tpu.memory_space<vmem>>
      %dma_start3A_1762 = tpu.memref_squeeze %dma_start3A_1761 : memref<1x1x128xi32, #tpu.memory_space<vmem>> -> memref<128xi32, #tpu.memory_space<vmem>>
      %dma_start3A_1763 = arith.constant 0 : i32
      %dma_start3A_1764 = arith.constant 0 : i32
      %dma_start3A_1765 = tpu.memref_slice %arg3[%dma_start3A_1763, %dma_start3A_1764] : memref<1000000x32xf32, #tpu.memory_space<hbm>> -> memref<1000000x32xf32, #tpu.memory_space<hbm>>
      tpu.enqueue_indirect_dma source(%dma_start3A_1765 : memref<1000000x32xf32, #tpu.memory_space<hbm>>) target(%dma_start3A_1759 : memref<128x32xf32, #tpu.memory_space<vmem>>) offsets(%dma_start3A_1762 : memref<128xi32, #tpu.memory_space<vmem>>) semaphore(%arg11 : memref<!tpu.dma_semaphore, #tpu.memory_space<semaphore_mem>>) {add = true}
      %dma_start3A_1766 = arith.constant 3 : i32
      %dma_start3A_1767 = arith.constant 384 : i32
      %dma_start3A_1768 = arith.constant 0 : i32
      %dma_start3A_1769 = tpu.memref_slice %arg7[%dma_start3A_1767, %dma_start3A_1768] : memref<512x32xf32, #tpu.memory_space<vmem>> -> memref<128x32xf32, #tpu.memory_space<vmem>>
      %dma_start3A_1770 = arith.constant 0 : i32
      %dma_start3A_1771 = tpu.memref_slice %arg6[%scan3A_1735, %dma_start3A_1766, %dma_start3A_1770] : memref<50x4x128xi32, #tpu.memory_space<vmem>> -> memref<1x1x128xi32, #tpu.memory_space<vmem>>
      %dma_start3A_1772 = tpu.memref_squeeze %dma_start3A_1771 : memref<1x1x128xi32, #tpu.memory_space<vmem>> -> memref<128xi32, #tpu.memory_space<vmem>>
      %dma_start3A_1773 = arith.constant 0 : i32
      %dma_start3A_1774 = arith.constant 0 : i32
      %dma_start3A_1775 = tpu.memref_slice %arg3[%dma_start3A_1773, %dma_start3A_1774] : memref<1000000x32xf32, #tpu.memory_space<hbm>> -> memref<1000000x32xf32, #tpu.memory_space<hbm>>
      tpu.enqueue_indirect_dma source(%dma_start3A_1775 : memref<1000000x32xf32, #tpu.memory_space<hbm>>) target(%dma_start3A_1769 : memref<128x32xf32, #tpu.memory_space<vmem>>) offsets(%dma_start3A_1772 : memref<128xi32, #tpu.memory_space<vmem>>) semaphore(%arg11 : memref<!tpu.dma_semaphore, #tpu.memory_space<semaphore_mem>>) {add = true}
    }
    %scan3A_1714 = arith.constant 49 : i32
    %scan3A_1715 = arith.constant 0 : i32
    %scan3A_1716 = arith.constant 0 : i32
    %scan3A_1717 = arith.constant 196 : i32
    %scan3A_1718 = arith.addi %scan3A_1716, %scan3A_1717 : i32
    %scan3A_1719 = arith.constant 1 : i32
    scf.for %scan3A_1735 = %scan3A_1716 to %scan3A_1718 step %scan3A_1719  : i32 {
      %dma_wait3A_1736 = arith.constant 0 : i32
      %dma_wait3A_1737 = arith.constant 0 : i32
      %dma_wait3A_1738 = arith.constant 0 : i32
      %dma_wait3A_1739 = arith.constant 0 : i32
      %dma_wait3A_1740 = tpu.memref_slice %arg7[%dma_wait3A_1738, %dma_wait3A_1739] : memref<512x32xf32, #tpu.memory_space<vmem>> -> memref<128x32xf32, #tpu.memory_space<vmem>>
      %dma_wait3A_1741 = arith.constant 0 : i32
      %dma_wait3A_1742 = tpu.memref_slice %arg6[%dma_wait3A_1736, %dma_wait3A_1737, %dma_wait3A_1741] : memref<50x4x128xi32, #tpu.memory_space<vmem>> -> memref<1x1x128xi32, #tpu.memory_space<vmem>>
      %dma_wait3A_1743 = tpu.memref_squeeze %dma_wait3A_1742 : memref<1x1x128xi32, #tpu.memory_space<vmem>> -> memref<128xi32, #tpu.memory_space<vmem>>
      %dma_wait3A_1744 = arith.constant 0 : i32
      %dma_wait3A_1745 = arith.constant 0 : i32
      %dma_wait3A_1746 = tpu.memref_slice %arg3[%dma_wait3A_1744, %dma_wait3A_1745] : memref<1000000x32xf32, #tpu.memory_space<hbm>> -> memref<1000000x32xf32, #tpu.memory_space<hbm>>
      tpu.wait_indirect_dma semaphore(%arg11 : memref<!tpu.dma_semaphore, #tpu.memory_space<semaphore_mem>>) src(%dma_wait3A_1746 : memref<1000000x32xf32, #tpu.memory_space<hbm>>) dst(%dma_wait3A_1740 : memref<128x32xf32, #tpu.memory_space<vmem>>)
    }
    %scan3A_1720 = arith.constant 196 : i32
    %get3A_1721 = arith.constant 0 : i32
    %get3A_1722 = arith.index_cast %get3A_1721 : i32 to index
    %get3A_1723 = arith.constant 0 : index
    %get3A_1724 = tpu.vector_load %arg10[%get3A_1722, %get3A_1723] {strides = array<i32>} : memref<1x32xf32, #tpu.memory_space<vmem>>, vector<16xf32>,
    %get3A_1725 = arith.constant 0 : i32
    %get3A_1726 = arith.index_cast %get3A_1725 : i32 to index
    %get3A_1727 = arith.constant 16 : index
    %get3A_1728 = tpu.vector_load %arg10[%get3A_1726, %get3A_1727] {strides = array<i32>} : memref<1x32xf32, #tpu.memory_space<vmem>>, vector<16xf32>,
    %scan3A_1729 = arith.constant 0 : i32
    %scan3A_1730 = arith.constant 0 : i32
    %scan3A_1731 = arith.constant 512 : i32
    %scan3A_1732 = arith.addi %scan3A_1730, %scan3A_1731 : i32
    %scan3A_1733 = arith.constant 1 : i32
    scf.for %scan3A_1735 = %scan3A_1730 to %scan3A_1732 step %scan3A_1733  : i32 {
      %broadcast_in_dim3A_1736 = vector.broadcast %scan3A_1735 : i32 to vector<16xi32>
      %gather3A_1737 = tpu.vector_load_idx %arg9[%broadcast_in_dim3A_1736] : memref<512xf32, #tpu.memory_space<vmem>>[vector<16xi32>], vector<16xf32>,
      %gather3A_1738 = tpu.vector_load_idx %arg8[%broadcast_in_dim3A_1736] : memref<512xf32, #tpu.memory_space<vmem>>[vector<16xi32>], vector<16xf32>,
      %get3A_1739 = arith.index_cast %scan3A_1735 : i32 to index
      %get3A_1740 = arith.constant 0 : index
      %get3A_1741 = tpu.vector_load %arg7[%get3A_1739, %get3A_1740] {strides = array<i32>} : memref<512x32xf32, #tpu.memory_space<vmem>>, vector<16xf32>,
      %mul3A_1742 = arith.mulf %gather3A_1737, %get3A_1724 : vector<16xf32>
      %sub3A_1743 = arith.subf %get3A_1741, %mul3A_1742 : vector<16xf32>
      %mul3A_1744 = arith.mulf %sub3A_1743, %gather3A_1738 : vector<16xf32>
      %swap3A_1745 = arith.index_cast %scan3A_1735 : i32 to index
      %swap3A_1746 = arith.constant 0 : index
      %swap3A_1747 = tpu.vector_load %arg7[%swap3A_1745, %swap3A_1746] {strides = array<i32>} : memref<512x32xf32, #tpu.memory_space<vmem>>, vector<16xf32>,
      tpu.vector_store %arg7[%swap3A_1745, %swap3A_1746], %mul3A_1744 {strides = array<i32>} : memref<512x32xf32, #tpu.memory_space<vmem>>, vector<16xf32>,
      %get3A_1748 = arith.index_cast %scan3A_1735 : i32 to index
      %get3A_1749 = arith.constant 16 : index
      %get3A_1750 = tpu.vector_load %arg7[%get3A_1748, %get3A_1749] {strides = array<i32>} : memref<512x32xf32, #tpu.memory_space<vmem>>, vector<16xf32>,
      %mul3A_1751 = arith.mulf %gather3A_1737, %get3A_1728 : vector<16xf32>
      %sub3A_1752 = arith.subf %get3A_1750, %mul3A_1751 : vector<16xf32>
      %mul3A_1753 = arith.mulf %sub3A_1752, %gather3A_1738 : vector<16xf32>
      %swap3A_1754 = arith.index_cast %scan3A_1735 : i32 to index
      %swap3A_1755 = arith.constant 16 : index
      %swap3A_1756 = tpu.vector_load %arg7[%swap3A_1754, %swap3A_1755] {strides = array<i32>} : memref<512x32xf32, #tpu.memory_space<vmem>>, vector<16xf32>,
      tpu.vector_store %arg7[%swap3A_1754, %swap3A_1755], %mul3A_1753 {strides = array<i32>} : memref<512x32xf32, #tpu.memory_space<vmem>>, vector<16xf32>,
    }
    %scan3A_1734 = arith.constant 512 : i32
    "tpu.region"() ({
      %run_scoped3A = tpu.sem_alloc : memref<!tpu.dma_semaphore, #tpu.memory_space<semaphore_mem>>
      %dma_start3A_1735 = arith.constant 0 : i32
      %dma_start3A_1736 = tpu.memref_slice %arg4[%multiple_of3A, %dma_start3A_1735] : memref<16384x128xf32, #tpu.memory_space<hbm>> -> memref<512x32xf32, #tpu.memory_space<hbm>>
      %dma_start3A_1737 = arith.constant 0 : i32
      %dma_start3A_1738 = tpu.memref_slice %arg4[%multiple_of3A, %dma_start3A_1737] : memref<16384x128xf32, #tpu.memory_space<hbm>> -> memref<512x32xf32, #tpu.memory_space<hbm>>
      tpu.enqueue_dma source(%arg7 : memref<512x32xf32, #tpu.memory_space<vmem>>) target(%dma_start3A_1738 : memref<512x32xf32, #tpu.memory_space<hbm>>) target_semaphore(%run_scoped3A : memref<!tpu.dma_semaphore, #tpu.memory_space<semaphore_mem>>)
      %dma_wait3A_1739 = arith.constant 0 : i32
      %dma_wait3A_1740 = tpu.memref_slice %arg4[%multiple_of3A, %dma_wait3A_1739] : memref<16384x128xf32, #tpu.memory_space<hbm>> -> memref<512x32xf32, #tpu.memory_space<hbm>>
      %dma_wait3A_1741 = arith.constant 0 : i32
      %dma_wait3A_1742 = tpu.memref_slice %arg4[%multiple_of3A, %dma_wait3A_1741] : memref<16384x128xf32, #tpu.memory_space<hbm>> -> memref<512x32xf32, #tpu.memory_space<hbm>>
      tpu.wait_dma2 semaphore(%run_scoped3A : memref<!tpu.dma_semaphore, #tpu.memory_space<semaphore_mem>>) src(%arg7 : memref<512x32xf32, #tpu.memory_space<vmem>>) dst(%dma_wait3A_1742 : memref<512x32xf32, #tpu.memory_space<hbm>>)
      tpu.yield
    }) : () -> ()
    return
  }
}

</mosaic_0001>

<sc_bundles>
// kernel: kernel.3.cloned.1.call-start
scs
__scs_entry_jumppad:
0x0: {  	(pc) =	sbr.rel $0x88, $3  }
0x1: {  	(tag) =	ssettag $0x0;
	lr =	simm.s32 $0x1  }
0x2: {  	[smem:$0x3F9F] =	sst lr;
	_ =	strace $0xD0000000  }
0x3: {  	_ = 	snop  }
0x4: {  	_ = 	snop  }
0x5: {  	_ = 	snop  }
0x6: {  	_ = 	snop  }
0x7: {  	_ = 	snop  }
__scs_overlays_trampoline_lowered:
0x8: {  	[smem:$0x3FAE] =	sst s0  }
0x9: {  	[smem:$0x3FAF] =	sst s1  }
0xa: {  	[smem:$0x3FB0] =	sst s2  }
0xb: {  	[smem:$0x3FB1] =	sst s3  }
0xc: {  	[smem:$0x3FB2] =	sst s4  }
0xd: {  	[smem:$0x3FB3] =	sst s5  }
0xe: {  	[smem:$0x3FB4] =	sst s6  }
0xf: {  	[smem:$0x3FB5] =	sst s7  }
0x10: {  	[smem:$0x3FB6] =	sst s8  }
0x11: {  	[smem:$0x3FB7] =	sst s9;
	s0 =	simm.s32 @!p0 $0x0  }
0x12: {  	s1 =	sld [smem:$0x3F9D];
	s0 =	simm.s32 @p0 $0x1  }
0x13: {  	[smem:$0x3FB8] =	sst s0;
	s0 =	simm.s32 @!p1 $0x0  }
0x14: {  	s2 =	sld [smem:$0x3F9C];
	s0 =	simm.s32 @p1 $0x1  }
0x15: {  	[smem:$0x3FB9] =	sst s0;
	s0 =	simm.s32 @!p2 $0x0  }
0x16: {  	s3 =	sld [smem:$0x3FDB];
	s0 =	simm.s32 @p2 $0x1  }
0x17: {  	s4 =	simm.s32 $0x1BF5;
	[smem:$0x3FBB] =	sst s0  }
0x18: {  	s0 =	sld [smem:$0x3F9E];
	_ =	swait.ge [sflag:s4], $0x0  }
0x19: {  	s7 =	sld [smem:$0x3F9F]  }
0x1a: {  	s8 =	sadd.s32 $0xFFFFE003, lr  }
0x1b: {  	s9 =	sadd.s32 $0xFFFFFEF7, lr;
	s5 =	simm.s32 $0xFFFFFFFF;
	p2 =	slt.u32 s8, $0xFFFFF086  }
0x1c: {  	p1 =	slt.u32 s9, $0xF7A;
	s5 =	simm.s32 @!p2 $0x0  }
0x1d: {  	s5 =	simm.s32 @p1 $0x1;
	p0 =	seq.s32 s7, s2  }
0x1e: {  	s7 =	smul.u32 @!p0 $0xF7A, s2;
	p2 =	seq.s32 @!p0 s5, $0x0  }
0x1f: {  	s9 =	smul.u32 $0xF7A, s1;
	s8 =	simm.s32 @!p0 $0x1BF5;
	p2 =	por !p2, p0  }
0x20: {  	[sflag:s8] =	ssyncset.s32 @!p0 $0xFFFFF086;
	s6 =	sadd.s32 @!p0 s3, s7;
	s7 =	simm.s32 @!p0 $0x108  }
0x21: {  	s3 =	sadd.s32 s3, s9;
	s6 =	sadd.s32 @!p0 $0x88, s6;
	s7 =	simm.s32 @p2 $0x1082  }
0x22: {  	[simem:s7], [sflag:s8] =	dma.local @!p0 [hbm:s6], $0xF7A  }
0x23: {  	s9 =	sor.u32 $0xD0000000, s2;
	s6 =	simm.s32 $0x108;
	_ =	swait.ge @!p0 [sflag:s8], $0x0  }
0x24: {  	s3 =	sadd.s32 $0x88, s3;
	s6 =	simm.s32 @!p1 $0x1082;
	[sflag:s4] =	ssyncset.s32 $0xFFFFF086  }
0x25: {  	[simem:s6], [sflag:s4] =	dma.local [hbm:s3], $0xF7A  }
0x26: {  	[smem:$0x3F9F] =	sst s1;
	(tag) =	ssettag s2;
	_ =	strace s9  }
0x27: {  	s1 =	sld [smem:$0x3FAF]  }
0x28: {  	s2 =	sld [smem:$0x3FB0]  }
0x29: {  	s4 =	sld [smem:$0x3FB2]  }
0x2a: {  	p0 =	seq.s32 s5, $0x0;
	s5 =	sld [smem:$0x3FB3]  }
0x2b: {  	s6 =	sld [smem:$0x3FB4]  }
0x2c: {  	s7 =	sld [smem:$0x3FB5]  }
0x2d: {  	s3 =	simm.s32 $0x108;
	s8 =	sld [smem:$0x3FB6]  }
0x2e: {  	s3 =	simm.s32 @!p0 $0x1082;
	s9 =	sld [smem:$0x3FB7]  }
0x2f: {  	lr =	sadd.s32 s0, s3;
	s0 =	sld [smem:$0x3FAE]  }
0x30: {  	s3 =	sld [smem:$0x3FB1]  }
0x31: {  	[smem:$0x3FBA] =	sst s10  }
0x32: {  	s10 =	sld [smem:$0x3FB8];
	_ =	sdelay $0x3  }
0x33: {  	p0 =	seq.s32 s10, $0x1;
	s10 =	sld [smem:$0x3FBA];
	_ =	sdelay $0x3  }
0x34: {  	[smem:$0x3FBA] =	sst s10  }
0x35: {  	s10 =	sld [smem:$0x3FB9];
	_ =	sdelay $0x3  }
0x36: {  	p1 =	seq.s32 s10, $0x1;
	s10 =	sld [smem:$0x3FBA];
	_ =	sdelay $0x3  }
0x37: {  	[smem:$0x3FBA] =	sst s10  }
0x38: {  	s10 =	sld [smem:$0x3FBB]  }
0x39: {  	_ = 	snop;
	(pc) =	sbr.ind lr, $3  }
0x3a: {  	_ = 	snop  }
0x3b: {  	_ = 	snop  }
0x3c: {  	p2 =	seq.s32 s10, $0x1;
	s10 =	sld [smem:$0x3FBA]  }
0x3d: {  	_ =	shalt  }
0x3e: {  	_ =	shalt  }
0x3f: {  	_ =	shalt  }
0x40: {  	_ =	shalt  }
0x41: {  	_ =	shalt  }
0x42: {  	_ =	shalt  }
0x43: {  	_ =	shalt  }
0x44: {  	_ =	shalt  }
0x45: {  	_ =	shalt  }
0x46: {  	_ =	shalt  }
0x47: {  	_ =	shalt  }
0x48: {  	_ =	shalt  }
0x49: {  	_ =	shalt  }
0x4a: {  	_ =	shalt  }
0x4b: {  	_ =	shalt  }
0x4c: {  	_ =	shalt  }
0x4d: {  	_ =	shalt  }
0x4e: {  	_ =	shalt  }
0x4f: {  	_ =	shalt  }
0x50: {  	_ =	shalt  }
0x51: {  	_ =	shalt  }
0x52: {  	_ =	shalt  }
0x53: {  	_ =	shalt  }
0x54: {  	_ =	shalt  }
0x55: {  	_ =	shalt  }
0x56: {  	_ =	shalt  }
0x57: {  	_ =	shalt  }
0x58: {  	_ =	shalt  }
0x59: {  	_ =	shalt  }
0x5a: {  	_ =	shalt  }
0x5b: {  	_ =	shalt  }
0x5c: {  	_ =	shalt  }
0x5d: {  	_ =	shalt  }
0x5e: {  	_ =	shalt  }
0x5f: {  	_ =	shalt  }
0x60: {  	_ =	shalt  }
0x61: {  	_ =	shalt  }
0x62: {  	_ =	shalt  }
0x63: {  	_ =	shalt  }
0x64: {  	_ =	shalt  }
0x65: {  	_ =	shalt  }
0x66: {  	_ =	shalt  }
0x67: {  	_ =	shalt  }
0x68: {  	_ =	shalt  }
0x69: {  	_ =	shalt  }
0x6a: {  	_ =	shalt  }
0x6b: {  	_ =	shalt  }
0x6c: {  	_ =	shalt  }
0x6d: {  	_ =	shalt  }
0x6e: {  	_ =	shalt  }
0x6f: {  	_ =	shalt  }
0x70: {  	_ =	shalt  }
0x71: {  	_ =	shalt  }
0x72: {  	_ =	shalt  }
0x73: {  	_ =	shalt  }
0x74: {  	_ =	shalt  }
0x75: {  	_ =	shalt  }
0x76: {  	_ =	shalt  }
0x77: {  	_ =	shalt  }
0x78: {  	_ =	shalt  }
0x79: {  	_ =	shalt  }
0x7a: {  	_ =	shalt  }
0x7b: {  	_ =	shalt  }
0x7c: {  	_ =	shalt  }
0x7d: {  	_ =	shalt  }
0x7e: {  	_ =	shalt  }
0x7f: {  	_ =	shalt  }
0x80: {  	_ =	shalt  }
0x81: {  	_ =	shalt  }
0x82: {  	_ =	shalt  }
0x83: {  	_ =	shalt  }
0x84: {  	_ =	shalt  }
0x85: {  	_ =	shalt  }
0x86: {  	_ =	shalt  }
0x87: {  	_ =	shalt  }
.Lfunc_end0:
.L_simem_size_0:
called_computation_lowered:
.L_overlay_start_0:
0x88: {  	s2 =	sld [smem:$0x3FD9]  }
0x89: {  	s3 =	sld [smem:$0x3FFE];
	_ =	sdelay $0x1  }
0x8a: {  	s1 =	srdreg.scid  }
0x8b: {  	s0 =	sand.u32 $0x1, s1  }
0x8c: {  	s16 =	sshll.u32 s0, $0xA;
	s2 =	sadd.s32 s3, s2  }
0x8d: {  	s2 =	sadd.s32 s2, s16  }
0x8e: {  	[smem:$0x3FC6] =	sst s2  }
0x8f: {  	_ = 	snop  }
0x90: {  	(tm) =	ssettm $0x1  }
0x91: {  	s17 =	sld [smem:$0x3FFB];
	_ =	sdelay $0x3  }
0x92: {  	_ =	strace s17  }
0x93: {  	s2 =	sld [smem:$0x3FFC];
	_ =	sdelay $0x3  }
0x94: {  	_ =	strace s2  }
0x95: {  	s2 =	sld [smem:$0x3FFD];
	_ =	sdelay $0x3  }
0x96: {  	_ =	strace s2  }
0x97: {  	_ =	strace $0x8FFFFFFF  }
0x98: {  	s18 =	sld [smem:$0x3FDB];
	_ =	sdelay $0x1  }
0x99: {  	s19 =	simm.s32 $_scs_section_size  }
0x9a: {  	s4 =	simm.s32 $_size__tile_overlayer_lowered;
	s5 =	simm.s32 $_tile_overlayer_lowered  }
0x9b: {  	s22 =	simm.s32 $0x1BFF;
	s21 =	sshll.u32 s5, $0x1;
	s2 =	sadd.s32 s19, s18  }
0x9c: {  	s6 =	simm.s32 $0x0;
	s20 =	sshll.u32 s4, $0x1;
	s4 =	sadd.s32 s21, s2  }
0x9d: {  	[timem:s6], [sflag:s22] =	dma.local [hbm:s4], s20  }
0x9e: {  	_ =	swait.ge [sflag:s22], s20  }
0x9f: {  	s3 =	ssub.s32 $0x0, s20;
	[sflag:s22] =	ssyncset.done $0x0  }
0xa0: {  	[sflag:s22] =	ssyncadd.s32 s3;
	_ =	sdelay $0x1  }
0xa1: {  	s23 =	simm.s32 $0x1B8B  }
0xa2: {  	_ =	swait.ge [sflag:s23], $0x1  }
0xa3: {  	[sflag:s23] =	ssyncset.done $0x0  }
0xa4: {  	s25 =	simm.s32 $0x1B8E;
	s24 =	sld [smem:$0x3FFE];
	[sflag:s23] =	ssyncadd.s32 $0xFFFFFFFF  }
0xa5: {  	s26 =	simm.s32 $execute0_lowered;
	[smem:$0x3FD2] =	sst s25  }
0xa6: {  	s4 =	sshll.u32 s26, $0x1;
	_ =	strace $0x80000046;
	[dreg:$0x1] =	wrdreg $0xFFFFFFFF  }
0xa7: {  	s28 =	simm.s32 $_size_execute0_lowered;
	s2 =	sadd.s32 s2, s4;
	[dreg:$0x0] =	wrdreg $0x0  }
0xa8: {  	s4 =	sshll.u32 s28, $0x1;
	[dreg:$0x2] =	wrdreg s2  }
0xa9: {  	[dreg:$0x3] =	wrdreg s4  }
0xaa: {  	[dreg:$0x4] =	wrdreg $0xC0  }
0xab: {  	_ =	task [dreg:s6], $0x5FFFF  }
0xac: {  	[dreg:$0x1] =	wrdreg $0xFFFFFFFF  }
0xad: {  	[dreg:$0x0] =	wrdreg $0x60  }
0xae: {  	[dreg:$0x2] =	wrdreg s24  }
0xaf: {  	[dreg:$0x3] =	wrdreg $0x9  }
0xb0: {  	_ =	task.clear_ibuf [dreg:s6], $0x4FFFF;
	_ =	strace $0x90000046  }
0xb1: {  	s29 =	simm.s32 $0x9;
	_ =	strace $0x80000048  }
0xb2: {  	_ =	swait.ge [sflag:s29], $0x1  }
0xb3: {  	[sflag:s29] =	ssyncadd.s32 $0xFFFFFFFF  }
0xb4: {  	_ =	strace $0x90000048  }
0xb5: {  	_ =	sfence  }
0xb6: {  	s30 =	sld [smem:$0x0];
	_ =	sdelay $0x2  }
0xb7: {  	s31 =	sshll.u32 s1, $0xD;
	s1 =	sshrl.u32 s1, $0x2  }
0xb8: {  	s3 =	sand.u32 $0x4000, s31;
	s1 =	sadd.s32 s1, s30  }
0xb9: {  	s0 =	sor.u32 s3, s0;
	s1 =	sshll.u32 s1, $0x11  }
0xba: {  	s0 =	sor.u32 s1, s0  }
0xbb: {  	s0 =	sadd.s32 $0x8F2B, s0  }
0xbc: {  	[sflag:s0] =	ssyncadd.remote.s32 $0x1  }
0xbd: {  	_ =	sfence.sel $0xFFFF  }
0xbe: {  	[dreg:$0x0] =	wrdreg $0xFFFFFFFF;
	(pc) =	sbr.abs _section_cstart, $3  }
0xbf: {  	[dreg:$0x1] =	wrdreg $0xFFFFFFFF  }
0xc0: {  	_ =	task.clear_ibuf [dreg:s6], $0x2FFFF;
	_ =	strace $0x9FFFFFFF  }
0xc1: {  	(tm) =	ssettm $0x7FFFFFFF  }
tec
execute0_lowered:
.L_overlay_start_1:
0x0: {  	(tag) =	ssettag $0x1  }
0x1: {  	v0 =	vlaneseq.u32  }
0x2: {  	s4 =	rddreg [dreg:$0x0];
	v0 =	vmul.u32 $0x38, v0  }
0x3: {  	s0 =	rddreg [dreg:$0x1];
	s3 =	srdreg.scid  }
0x4: {  	s2 =	simm.s32 $0x0;
	s1 =	stileid.u32;
	s7 =	simm.s32 $0x11800;
	v32 =	vimm.s32 $0x0;
	v1 =	vadd.s32 $0x380, v0  }
0x5: {  	s8 =	simm.s32 $0x2;
	s9 =	simm.s32 $0x38;
	s10 =	simm.s32 $0x80;
	v2 =	vadd.s32 $0x700, v0;
	v3 =	vadd.s32 $0xA80, v0;
	v4 =	vadd.s32 $0xE00, v0  }
0x6: {  	s11 =	simm.s32 $0x7000;
	s12 =	simm.s32 $0xD400;
	s13 =	simm.s32 $0x7080;
	v5 =	vadd.s32 $0x1180, v0;
	v6 =	vadd.s32 $0x1500, v0;
	v7 =	vadd.s32 $0x1880, v0  }
0x7: {  	s14 =	simm.s32 $0xE400;
	s15 =	simm.s32 $0x7100;
	s16 =	simm.s32 $0xF400;
	v8 =	vor.u32 $0x1C00, v0;
	v9 =	vadd.s32 $0x1F80, v0;
	v10 =	vadd.s32 $0x2300, v0  }
0x8: {  	s17 =	simm.s32 $0x7180;
	s18 =	simm.s32 $0x10400;
	s19 =	simm.s32 $0x1;
	v11 =	vadd.s32 $0x2680, v0;
	v12 =	vadd.s32 $0x2A00, v0;
	v13 =	vadd.s32 $0x2D80, v0  }
0x9: {  	s20 =	simm.s32 $0x11600;
	s21 =	simm.s32 $0x11400;
	s22 =	simm.s32 $0x20;
	v14 =	vadd.s32 $0x3100, v0;
	v15 =	vadd.s32 $0x3480, v0;
	v16 =	vor.u32 $0x3800, v0  }
0xa: {  	s23 =	simm.s32 $0x0;
	s3 =	sand.u32 $0x1, s3;
	[smem:$0x7FF] =	sst s2;
	v17 =	vadd.s32 $0x3B80, v0;
	v18 =	vadd.s32 $0x3F00, v0;
	v19 =	vadd.s32 $0x4280, v0  }
0xb: {  	s5 =	sshll.u32 s1, $0xE;
	s6 =	sshll.u32 s3, $0xD;
	s30 =	ssub.s32 $0x2, s3;
	v20 =	vadd.s32 $0x4600, v0;
	v21 =	vadd.s32 $0x4980, v0;
	v22 =	vadd.s32 $0x4D00, v0  }
0xc: {  	_ =	strace $0x80000047;
	s5 =	sor.u32 s6, s5;
	s31 =	sshrl.u32 s30, $0x1;
	v23 =	vadd.s32 $0x5080, v0;
	v24 =	vor.u32 $0x5400, v0;
	v25 =	vadd.s32 $0x5780, v0  }
0xd: {  	s3 =	sadd.s32 $0xF42A00, s4;
	v26 =	vadd.s32 $0x5B00, v0;
	v27 =	vadd.s32 $0x5E80, v0;
	v28 =	vadd.s32 $0x6200, v0;
	s5 =	sadd.s32 s5, s4;
	s6 =	ssub.s32 s30, s31  }
0xe: {  	v29 =	vadd.s32 $0x6580, v0;
	v30 =	vadd.s32 $0x6900, v0;
	v31 =	vadd.s32 $0x6C80, v0;
	s4 =	sadd.s32 $0x600, s5;
	s5 =	sadd.s32 $0x40600, s5;
	s6 =	smax.u32 s6, $0x1  }
.LBB2_1:
0xf: {  	[tilespmem:s7], [sflag:$0x2] =	stream.linear.gather [hbm4b:s3+s2], $0x20, $0x38;
	[tilespmem:$0x11820] =	vst v63  }
0x10: {  	_ =	swait.ge [sflag:s8], $0x20  }
0x11: {  	[sflag:s8] =	ssyncset.done $0x0  }
0x12: {  	[sflag:s8] =	ssyncadd.s32 $0xFFFFFFE0  }
0x13: {  	[tilespmem:s2], [sflag:$0x2] =	stream.strided.gather [hbm4b:s4+s9], $0x7000, s10, s9, $0x38;
	[tilespmem:$0x11820] =	vst v63  }
0x14: {  	_ =	swait.ge [sflag:s8], $0x7000  }
0x15: {  	[sflag:s8] =	ssyncset.done $0x0  }
0x16: {  	[sflag:s8] =	ssyncadd.s32 $0xFFFF9000  }
0x17: {  	v33 =	vld.idx.msk [tilespmem:v0+s2+$0x0], $0xffff;
	_ =	sdelay $0x4  }
0x18: {  	[tilespmem:$0x7000] =	vst v33  }
0x19: {  	v33 =	vld.idx.msk [tilespmem:v1+s2+$0x0], $0xffff;
	_ =	sdelay $0x4  }
0x1a: {  	[tilespmem:$0x7010] =	vst v33  }
0x1b: {  	v33 =	vld.idx.msk [tilespmem:v2+s2+$0x0], $0xffff;
	_ =	sdelay $0x4  }
0x1c: {  	[tilespmem:$0x7020] =	vst v33  }
0x1d: {  	v33 =	vld.idx.msk [tilespmem:v3+s2+$0x0], $0xffff;
	_ =	sdelay $0x4  }
0x1e: {  	[tilespmem:$0x7030] =	vst v33  }
0x1f: {  	v33 =	vld.idx.msk [tilespmem:v4+s2+$0x0], $0xffff;
	_ =	sdelay $0x4  }
0x20: {  	[tilespmem:$0x7040] =	vst v33  }
0x21: {  	v33 =	vld.idx.msk [tilespmem:v5+s2+$0x0], $0xffff;
	_ =	sdelay $0x4  }
0x22: {  	[tilespmem:$0x7050] =	vst v33  }
0x23: {  	v33 =	vld.idx.msk [tilespmem:v6+s2+$0x0], $0xffff;
	_ =	sdelay $0x4  }
0x24: {  	[tilespmem:$0x7060] =	vst v33  }
0x25: {  	v33 =	vld.idx.msk [tilespmem:v7+s2+$0x0], $0xffff;
	_ =	sdelay $0x4  }
0x26: {  	[tilespmem:$0x7070] =	vst v33  }
0x27: {  	v33 =	vld.idx.msk [tilespmem:v8+s2+$0x0], $0xffff;
	_ =	sdelay $0x4  }
0x28: {  	[tilespmem:$0x7080] =	vst v33  }
0x29: {  	v33 =	vld.idx.msk [tilespmem:v9+s2+$0x0], $0xffff;
	_ =	sdelay $0x4  }
0x2a: {  	[tilespmem:$0x7090] =	vst v33  }
0x2b: {  	v33 =	vld.idx.msk [tilespmem:v10+s2+$0x0], $0xffff;
	_ =	sdelay $0x4  }
0x2c: {  	[tilespmem:$0x70A0] =	vst v33  }
0x2d: {  	v33 =	vld.idx.msk [tilespmem:v11+s2+$0x0], $0xffff;
	_ =	sdelay $0x4  }
0x2e: {  	[tilespmem:$0x70B0] =	vst v33  }
0x2f: {  	v33 =	vld.idx.msk [tilespmem:v12+s2+$0x0], $0xffff;
	_ =	sdelay $0x4  }
0x30: {  	[tilespmem:$0x70C0] =	vst v33  }
0x31: {  	v33 =	vld.idx.msk [tilespmem:v13+s2+$0x0], $0xffff;
	_ =	sdelay $0x4  }
0x32: {  	[tilespmem:$0x70D0] =	vst v33  }
0x33: {  	v33 =	vld.idx.msk [tilespmem:v14+s2+$0x0], $0xffff;
	_ =	sdelay $0x4  }
0x34: {  	[tilespmem:$0x70E0] =	vst v33  }
0x35: {  	v33 =	vld.idx.msk [tilespmem:v15+s2+$0x0], $0xffff;
	_ =	sdelay $0x4  }
0x36: {  	[tilespmem:$0x70F0] =	vst v33  }
0x37: {  	v33 =	vld.idx.msk [tilespmem:v16+s2+$0x0], $0xffff;
	_ =	sdelay $0x4  }
0x38: {  	[tilespmem:$0x7100] =	vst v33  }
0x39: {  	v33 =	vld.idx.msk [tilespmem:v17+s2+$0x0], $0xffff;
	_ =	sdelay $0x4  }
0x3a: {  	[tilespmem:$0x7110] =	vst v33  }
0x3b: {  	v33 =	vld.idx.msk [tilespmem:v18+s2+$0x0], $0xffff;
	_ =	sdelay $0x4  }
0x3c: {  	[tilespmem:$0x7120] =	vst v33  }
0x3d: {  	v33 =	vld.idx.msk [tilespmem:v19+s2+$0x0], $0xffff;
	_ =	sdelay $0x4  }
0x3e: {  	[tilespmem:$0x7130] =	vst v33  }
0x3f: {  	v33 =	vld.idx.msk [tilespmem:v20+s2+$0x0], $0xffff;
	_ =	sdelay $0x4  }
0x40: {  	[tilespmem:$0x7140] =	vst v33  }
0x41: {  	v33 =	vld.idx.msk [tilespmem:v21+s2+$0x0], $0xffff;
	_ =	sdelay $0x4  }
0x42: {  	[tilespmem:$0x7150] =	vst v33  }
0x43: {  	v33 =	vld.idx.msk [tilespmem:v22+s2+$0x0], $0xffff;
	_ =	sdelay $0x4  }
0x44: {  	[tilespmem:$0x7160] =	vst v33  }
0x45: {  	v33 =	vld.idx.msk [tilespmem:v23+s2+$0x0], $0xffff;
	_ =	sdelay $0x4  }
0x46: {  	[tilespmem:$0x7170] =	vst v33  }
0x47: {  	v33 =	vld.idx.msk [tilespmem:v24+s2+$0x0], $0xffff;
	_ =	sdelay $0x4  }
0x48: {  	[tilespmem:$0x7180] =	vst v33  }
0x49: {  	v33 =	vld.idx.msk [tilespmem:v25+s2+$0x0], $0xffff;
	_ =	sdelay $0x4  }
0x4a: {  	[tilespmem:$0x7190] =	vst v33  }
0x4b: {  	v33 =	vld.idx.msk [tilespmem:v26+s2+$0x0], $0xffff;
	_ =	sdelay $0x4  }
0x4c: {  	[tilespmem:$0x71A0] =	vst v33  }
0x4d: {  	v33 =	vld.idx.msk [tilespmem:v27+s2+$0x0], $0xffff;
	_ =	sdelay $0x4  }
0x4e: {  	[tilespmem:$0x71B0] =	vst v33  }
0x4f: {  	v33 =	vld.idx.msk [tilespmem:v28+s2+$0x0], $0xffff;
	_ =	sdelay $0x4  }
0x50: {  	[tilespmem:$0x71C0] =	vst v33  }
0x51: {  	v33 =	vld.idx.msk [tilespmem:v29+s2+$0x0], $0xffff;
	_ =	sdelay $0x4  }
0x52: {  	[tilespmem:$0x71D0] =	vst v33  }
0x53: {  	v33 =	vld.idx.msk [tilespmem:v30+s2+$0x0], $0xffff;
	_ =	sdelay $0x4  }
0x54: {  	[tilespmem:$0x71E0] =	vst v33  }
0x55: {  	v33 =	vld.idx.msk [tilespmem:v31+s2+$0x0], $0xffff;
	_ =	sdelay $0x4  }
0x56: {  	[tilespmem:$0x71F0] =	vst v33  }
0x57: {  	[tilespmem:s12], [sflag:$0x1] =	stream.indirect.gather [hbm4b:s3+s10], $0x20, s11, s10, $0xb8;
	[tilespmem:$0x11820] =	vst v63  }
0x58: {  	_ = 	snop  }
0x59: {  	[tilespmem:s14], [sflag:$0x1] =	stream.indirect.gather [hbm4b:s3+s10], $0x20, s13, s10, $0xb8;
	[tilespmem:$0x11820] =	vst v63  }
0x5a: {  	_ = 	snop  }
0x5b: {  	[tilespmem:s16], [sflag:$0x1] =	stream.indirect.gather [hbm4b:s3+s10], $0x20, s15, s10, $0xb8;
	[tilespmem:$0x11820] =	vst v63  }
0x5c: {  	v62 =	vmov s19  }
0x5d: {  	v33 =	vand.u32 $0x3F, v62;
	[tilespmem:s18], [sflag:$0x1] =	stream.indirect.gather [hbm4b:s3+s10], $0x20, s17, s10, $0xb8;
	[tilespmem:$0x11820] =	vst v63  }
0x5e: {  	v35 =	vadd.s32 v0, v33;
	v34 =	vld [tilespmem:$0x7000];
	_ =	sdelay $0x2  }
0x5f: {  	s24 =	simm.s32 $0x2  }
0x60: {  	v63 =	vmov s24  }
0x61: {  	v36 =	vand.u32 $0x3F, v63;
	vm0 =	vne.s32 v34, $0x0;
	v34 =	vld.idx.msk [tilespmem:v35+s2+$0x0], $0xffff  }
0x62: {  	v35 =	vadd.s32 v0, v36;
	_ =	sdelay $0x2  }
0x63: {  	s25 =	simm.s32 $0x3;
	s26 =	simm.s32 $0x4;
	s24 =	simm.s32 $0x7200;
	v33 =	vsel vm0, $0x1, v32  }
.LBB2_2:
0x64: {  	p0 =	sne.s32 s26, $0x31;
	[tilespmem:s24+$0x0] =	vst v34;
	vm0 =	vne.s32 v34, $0x0  }
0x65: {  	v36 =	vmov s25;
	s25 =	smov.u32 s26;
	v34 =	vld.idx.msk [tilespmem:v35+s2+$0x0], $0xffff;
	v35 =	vsel vm0, $0x1, v32  }
.Ltmp0:
0x66: {  	v36 =	vand.u32 $0x3F, v36;
	v33 =	vadd.s32 v35, v33;
	(pc) =	sbr.rel @p0 .LBB2_2-.Ltmp0, $2  }
0x67: {  	v35 =	vadd.s32 v0, v36;
	_ =	sdelay $0x2  }
0x68: {  	s26 =	sadd.s32 $0x1, s26;
	s24 =	sadd.s32 $0x200, s24  }
0x69: {  	_ =	sdelay $0x2  }
0x6a: {  	[tilespmem:s24+$0x0] =	vst v34;
	v36 =	vmov s25  }
0x6b: {  	v35 =	vld.idx.msk [tilespmem:v35+s2+$0x0], $0xffff;
	v36 =	vand.u32 $0x3F, v36  }
0x6c: {  	v36 =	vadd.s32 v0, v36;
	_ =	sdelay $0x2  }
0x6d: {  	s29 =	sadd.s32 $0x200, s24  }
0x6e: {  	[tilespmem:s29+$0x0] =	vst v35  }
0x6f: {  	v36 =	vld.idx.msk [tilespmem:v36+s2+$0x0], $0xffff;
	_ =	sdelay $0x2  }
0x70: {  	vm0 =	vne.s32 v34, $0x0  }
0x71: {  	v34 =	vsel vm0, $0x1, v32;
	vm12 =	vne.s32 v35, $0x0  }
0x72: {  	v33 =	vadd.s32 v34, v33;
	v57 =	vsel vm12, $0x1, v32;
	vm13 =	vne.s32 v36, $0x0  }
0x73: {  	v33 =	vadd.s32 v57, v33;
	v58 =	vsel vm13, $0x1, v32  }
0x74: {  	v33 =	vadd.s32 v58, v33  }
0x75: {  	v34 =	vcvt.s32.f32 v33;
	_ =	sdelay $0x1  }
0x76: {  	v59 =	vadd.f32 $9.999999930e-09, v34;
	_ =	sdelay $0x1  }
0x77: {  	(erf) = vrcp.f32 v59;
	_ =	sdelay $0x3  }
0x78: {  	s30 =	simm.s32 $0x1  }
0x79: {  	v60 =	vmov s30  }
0x7a: {  	v35 =	vand.u32 $0x3F, v60  }
0x7b: {  	v35 =	vadd.s32 v1, v35  }
0x7c: {  	s24 =	sadd.s32 $0x200, s29;
	v34 =	vsub.f32 $5.000000000e+01, v34  }
0x7d: {  	[tilespmem:s24+$0x0] =	vst v36;
	vm14 =	veq.s32 v33, $0x0;
	v61 =	vpop (erf)  }
0x7e: {  	s31 =	simm.s32 $0x2;
	v36 =	vld [tilespmem:$0x7010];
	[tilespmem:$0x11600] =	vst v34;
	v33 =	vsel vm14, $0x0, v61  }
0x7f: {  	v62 =	vmov s31;
	[tilespmem:$0x11400] =	vst v33  }
0x80: {  	v63 =	vand.u32 $0x3F, v62;
	v34 =	vld.idx.msk [tilespmem:v35+s2+$0x0], $0xffff  }
0x81: {  	v35 =	vadd.s32 v1, v63;
	_ =	sdelay $0x1  }
0x82: {  	vm15 =	vne.s32 v36, $0x0  }
0x83: {  	s25 =	simm.s32 $0x3;
	s26 =	simm.s32 $0x4;
	s24 =	simm.s32 $0x7210;
	v33 =	vsel vm15, $0x1, v32  }
.LBB2_4:
0x84: {  	p0 =	sne.s32 s26, $0x31;
	[tilespmem:s24+$0x0] =	vst v34;
	vm0 =	vne.s32 v34, $0x0  }
0x85: {  	v36 =	vmov s25;
	s25 =	smov.u32 s26;
	v34 =	vld.idx.msk [tilespmem:v35+s2+$0x0], $0xffff;
	v35 =	vsel vm0, $0x1, v32  }
.Ltmp1:
0x86: {  	v36 =	vand.u32 $0x3F, v36;
	v33 =	vadd.s32 v35, v33;
	(pc) =	sbr.rel @p0 .LBB2_4-.Ltmp1, $2  }
0x87: {  	v35 =	vadd.s32 v1, v36;
	_ =	sdelay $0x2  }
0x88: {  	s26 =	sadd.s32 $0x1, s26;
	s24 =	sadd.s32 $0x200, s24  }
0x89: {  	_ =	sdelay $0x2  }
0x8a: {  	[tilespmem:s24+$0x0] =	vst v34;
	v36 =	vmov s25  }
0x8b: {  	v35 =	vld.idx.msk [tilespmem:v35+s2+$0x0], $0xffff;
	v36 =	vand.u32 $0x3F, v36  }
0x8c: {  	v36 =	vadd.s32 v1, v36;
	_ =	sdelay $0x2  }
0x8d: {  	s29 =	sadd.s32 $0x200, s24  }
0x8e: {  	[tilespmem:s29+$0x0] =	vst v35  }
0x8f: {  	v36 =	vld.idx.msk [tilespmem:v36+s2+$0x0], $0xffff;
	_ =	sdelay $0x2  }
0x90: {  	vm0 =	vne.s32 v34, $0x0  }
0x91: {  	v34 =	vsel vm0, $0x1, v32;
	vm12 =	vne.s32 v35, $0x0  }
0x92: {  	v33 =	vadd.s32 v34, v33;
	v57 =	vsel vm12, $0x1, v32;
	vm13 =	vne.s32 v36, $0x0  }
0x93: {  	v33 =	vadd.s32 v57, v33;
	v58 =	vsel vm13, $0x1, v32  }
0x94: {  	v33 =	vadd.s32 v58, v33  }
0x95: {  	v34 =	vcvt.s32.f32 v33;
	_ =	sdelay $0x1  }
0x96: {  	v59 =	vadd.f32 $9.999999930e-09, v34;
	_ =	sdelay $0x1  }
0x97: {  	(erf) = vrcp.f32 v59;
	_ =	sdelay $0x3  }
0x98: {  	s30 =	simm.s32 $0x1  }
0x99: {  	v60 =	vmov s30  }
0x9a: {  	v35 =	vand.u32 $0x3F, v60  }
0x9b: {  	v35 =	vadd.s32 v2, v35  }
0x9c: {  	s24 =	sadd.s32 $0x200, s29;
	v34 =	vsub.f32 $5.000000000e+01, v34  }
0x9d: {  	[tilespmem:s24+$0x0] =	vst v36;
	vm14 =	veq.s32 v33, $0x0;
	v61 =	vpop (erf)  }
0x9e: {  	s31 =	simm.s32 $0x2;
	v36 =	vld [tilespmem:$0x7020];
	[tilespmem:$0x11610] =	vst v34;
	v33 =	vsel vm14, $0x0, v61  }
0x9f: {  	v62 =	vmov s31;
	[tilespmem:$0x11410] =	vst v33  }
0xa0: {  	v63 =	vand.u32 $0x3F, v62;
	v34 =	vld.idx.msk [tilespmem:v35+s2+$0x0], $0xffff  }
0xa1: {  	v35 =	vadd.s32 v2, v63;
	_ =	sdelay $0x1  }
0xa2: {  	vm15 =	vne.s32 v36, $0x0  }
0xa3: {  	s25 =	simm.s32 $0x3;
	s26 =	simm.s32 $0x4;
	s24 =	simm.s32 $0x7220;
	v33 =	vsel vm15, $0x1, v32  }
.LBB2_6:
0xa4: {  	p0 =	sne.s32 s26, $0x31;
	[tilespmem:s24+$0x0] =	vst v34;
	vm0 =	vne.s32 v34, $0x0  }
0xa5: {  	v36 =	vmov s25;
	s25 =	smov.u32 s26;
	v34 =	vld.idx.msk [tilespmem:v35+s2+$0x0], $0xffff;
	v35 =	vsel vm0, $0x1, v32  }
.Ltmp2:
0xa6: {  	v36 =	vand.u32 $0x3F, v36;
	v33 =	vadd.s32 v35, v33;
	(pc) =	sbr.rel @p0 .LBB2_6-.Ltmp2, $2  }
0xa7: {  	v35 =	vadd.s32 v2, v36;
	_ =	sdelay $0x2  }
0xa8: {  	s26 =	sadd.s32 $0x1, s26;
	s24 =	sadd.s32 $0x200, s24  }
0xa9: {  	_ =	sdelay $0x2  }
0xaa: {  	[tilespmem:s24+$0x0] =	vst v34;
	v36 =	vmov s25  }
0xab: {  	v35 =	vld.idx.msk [tilespmem:v35+s2+$0x0], $0xffff;
	v36 =	vand.u32 $0x3F, v36  }
0xac: {  	v36 =	vadd.s32 v2, v36;
	_ =	sdelay $0x2  }
0xad: {  	s29 =	sadd.s32 $0x200, s24  }
0xae: {  	[tilespmem:s29+$0x0] =	vst v35  }
0xaf: {  	v36 =	vld.idx.msk [tilespmem:v36+s2+$0x0], $0xffff;
	_ =	sdelay $0x2  }
0xb0: {  	vm0 =	vne.s32 v34, $0x0  }
0xb1: {  	v34 =	vsel vm0, $0x1, v32;
	vm12 =	vne.s32 v35, $0x0  }
0xb2: {  	v33 =	vadd.s32 v34, v33;
	v57 =	vsel vm12, $0x1, v32;
	vm13 =	vne.s32 v36, $0x0  }
0xb3: {  	v33 =	vadd.s32 v57, v33;
	v58 =	vsel vm13, $0x1, v32  }
0xb4: {  	v33 =	vadd.s32 v58, v33  }
0xb5: {  	v34 =	vcvt.s32.f32 v33;
	_ =	sdelay $0x1  }
0xb6: {  	v59 =	vadd.f32 $9.999999930e-09, v34;
	_ =	sdelay $0x1  }
0xb7: {  	(erf) = vrcp.f32 v59;
	_ =	sdelay $0x3  }
0xb8: {  	s30 =	simm.s32 $0x1  }
0xb9: {  	v60 =	vmov s30  }
0xba: {  	v35 =	vand.u32 $0x3F, v60  }
0xbb: {  	v35 =	vadd.s32 v3, v35  }
0xbc: {  	s24 =	sadd.s32 $0x200, s29;
	v34 =	vsub.f32 $5.000000000e+01, v34  }
0xbd: {  	[tilespmem:s24+$0x0] =	vst v36;
	vm14 =	veq.s32 v33, $0x0;
	v61 =	vpop (erf)  }
0xbe: {  	s31 =	simm.s32 $0x2;
	v36 =	vld [tilespmem:$0x7030];
	[tilespmem:$0x11620] =	vst v34;
	v33 =	vsel vm14, $0x0, v61  }
0xbf: {  	v62 =	vmov s31;
	[tilespmem:$0x11420] =	vst v33  }
0xc0: {  	v63 =	vand.u32 $0x3F, v62;
	v34 =	vld.idx.msk [tilespmem:v35+s2+$0x0], $0xffff  }
0xc1: {  	v35 =	vadd.s32 v3, v63;
	_ =	sdelay $0x1  }
0xc2: {  	vm15 =	vne.s32 v36, $0x0  }
0xc3: {  	s25 =	simm.s32 $0x3;
	s26 =	simm.s32 $0x4;
	s24 =	simm.s32 $0x7230;
	v33 =	vsel vm15, $0x1, v32  }
.LBB2_8:
0xc4: {  	p0 =	sne.s32 s26, $0x31;
	[tilespmem:s24+$0x0] =	vst v34;
	vm0 =	vne.s32 v34, $0x0  }
0xc5: {  	v36 =	vmov s25;
	s25 =	smov.u32 s26;
	v34 =	vld.idx.msk [tilespmem:v35+s2+$0x0], $0xffff;
	v35 =	vsel vm0, $0x1, v32  }
.Ltmp3:
0xc6: {  	v36 =	vand.u32 $0x3F, v36;
	v33 =	vadd.s32 v35, v33;
	(pc) =	sbr.rel @p0 .LBB2_8-.Ltmp3, $2  }
0xc7: {  	v35 =	vadd.s32 v3, v36;
	_ =	sdelay $0x2  }
0xc8: {  	s26 =	sadd.s32 $0x1, s26;
	s24 =	sadd.s32 $0x200, s24  }
0xc9: {  	_ =	sdelay $0x2  }
0xca: {  	[tilespmem:s24+$0x0] =	vst v34;
	v36 =	vmov s25  }
0xcb: {  	v35 =	vld.idx.msk [tilespmem:v35+s2+$0x0], $0xffff;
	v36 =	vand.u32 $0x3F, v36  }
0xcc: {  	v36 =	vadd.s32 v3, v36;
	_ =	sdelay $0x2  }
0xcd: {  	s29 =	sadd.s32 $0x200, s24  }
0xce: {  	[tilespmem:s29+$0x0] =	vst v35  }
0xcf: {  	v36 =	vld.idx.msk [tilespmem:v36+s2+$0x0], $0xffff;
	_ =	sdelay $0x2  }
0xd0: {  	vm0 =	vne.s32 v34, $0x0  }
0xd1: {  	v34 =	vsel vm0, $0x1, v32;
	vm12 =	vne.s32 v35, $0x0  }
0xd2: {  	v33 =	vadd.s32 v34, v33;
	v57 =	vsel vm12, $0x1, v32;
	vm13 =	vne.s32 v36, $0x0  }
0xd3: {  	v33 =	vadd.s32 v57, v33;
	v58 =	vsel vm13, $0x1, v32  }
0xd4: {  	v33 =	vadd.s32 v58, v33  }
0xd5: {  	v34 =	vcvt.s32.f32 v33;
	_ =	sdelay $0x1  }
0xd6: {  	v59 =	vadd.f32 $9.999999930e-09, v34;
	_ =	sdelay $0x1  }
0xd7: {  	(erf) = vrcp.f32 v59;
	_ =	sdelay $0x3  }
0xd8: {  	s30 =	simm.s32 $0x1  }
0xd9: {  	v60 =	vmov s30  }
0xda: {  	v35 =	vand.u32 $0x3F, v60  }
0xdb: {  	v35 =	vadd.s32 v4, v35  }
0xdc: {  	s24 =	sadd.s32 $0x200, s29;
	v34 =	vsub.f32 $5.000000000e+01, v34  }
0xdd: {  	[tilespmem:s24+$0x0] =	vst v36;
	vm14 =	veq.s32 v33, $0x0;
	v61 =	vpop (erf)  }
0xde: {  	s31 =	simm.s32 $0x2;
	v36 =	vld [tilespmem:$0x7040];
	[tilespmem:$0x11630] =	vst v34;
	v33 =	vsel vm14, $0x0, v61  }
0xdf: {  	v62 =	vmov s31;
	[tilespmem:$0x11430] =	vst v33  }
0xe0: {  	v63 =	vand.u32 $0x3F, v62;
	v34 =	vld.idx.msk [tilespmem:v35+s2+$0x0], $0xffff  }
0xe1: {  	v35 =	vadd.s32 v4, v63;
	_ =	sdelay $0x1  }
0xe2: {  	vm15 =	vne.s32 v36, $0x0  }
0xe3: {  	s25 =	simm.s32 $0x3;
	s26 =	simm.s32 $0x4;
	s24 =	simm.s32 $0x7240;
	v33 =	vsel vm15, $0x1, v32  }
.LBB2_10:
0xe4: {  	p0 =	sne.s32 s26, $0x31;
	[tilespmem:s24+$0x0] =	vst v34;
	vm0 =	vne.s32 v34, $0x0  }
0xe5: {  	v36 =	vmov s25;
	s25 =	smov.u32 s26;
	v34 =	vld.idx.msk [tilespmem:v35+s2+$0x0], $0xffff;
	v35 =	vsel vm0, $0x1, v32  }
.Ltmp4:
0xe6: {  	v36 =	vand.u32 $0x3F, v36;
	v33 =	vadd.s32 v35, v33;
	(pc) =	sbr.rel @p0 .LBB2_10-.Ltmp4, $2  }
0xe7: {  	v35 =	vadd.s32 v4, v36;
	_ =	sdelay $0x2  }
0xe8: {  	s26 =	sadd.s32 $0x1, s26;
	s24 =	sadd.s32 $0x200, s24  }
0xe9: {  	_ =	sdelay $0x2  }
0xea: {  	[tilespmem:s24+$0x0] =	vst v34;
	v36 =	vmov s25  }
0xeb: {  	v35 =	vld.idx.msk [tilespmem:v35+s2+$0x0], $0xffff;
	v36 =	vand.u32 $0x3F, v36  }
0xec: {  	v36 =	vadd.s32 v4, v36;
	_ =	sdelay $0x2  }
0xed: {  	s29 =	sadd.s32 $0x200, s24  }
0xee: {  	[tilespmem:s29+$0x0] =	vst v35  }
0xef: {  	v36 =	vld.idx.msk [tilespmem:v36+s2+$0x0], $0xffff;
	_ =	sdelay $0x2  }
0xf0: {  	vm0 =	vne.s32 v34, $0x0  }
0xf1: {  	v34 =	vsel vm0, $0x1, v32;
	vm12 =	vne.s32 v35, $0x0  }
0xf2: {  	v33 =	vadd.s32 v34, v33;
	v57 =	vsel vm12, $0x1, v32;
	vm13 =	vne.s32 v36, $0x0  }
0xf3: {  	v33 =	vadd.s32 v57, v33;
	v58 =	vsel vm13, $0x1, v32  }
0xf4: {  	v33 =	vadd.s32 v58, v33  }
0xf5: {  	v34 =	vcvt.s32.f32 v33;
	_ =	sdelay $0x1  }
0xf6: {  	v59 =	vadd.f32 $9.999999930e-09, v34;
	_ =	sdelay $0x1  }
0xf7: {  	(erf) = vrcp.f32 v59;
	_ =	sdelay $0x3  }
0xf8: {  	s30 =	simm.s32 $0x1  }
0xf9: {  	v60 =	vmov s30  }
0xfa: {  	v35 =	vand.u32 $0x3F, v60  }
0xfb: {  	v35 =	vadd.s32 v5, v35  }
0xfc: {  	s24 =	sadd.s32 $0x200, s29;
	v34 =	vsub.f32 $5.000000000e+01, v34  }
0xfd: {  	[tilespmem:s24+$0x0] =	vst v36;
	vm14 =	veq.s32 v33, $0x0;
	v61 =	vpop (erf)  }
0xfe: {  	s31 =	simm.s32 $0x2;
	v36 =	vld [tilespmem:$0x7050];
	[tilespmem:$0x11640] =	vst v34;
	v33 =	vsel vm14, $0x0, v61  }
0xff: {  	v62 =	vmov s31;
	[tilespmem:$0x11440] =	vst v33  }
0x100: {  	v63 =	vand.u32 $0x3F, v62;
	v34 =	vld.idx.msk [tilespmem:v35+s2+$0x0], $0xffff  }
0x101: {  	v35 =	vadd.s32 v5, v63;
	_ =	sdelay $0x1  }
0x102: {  	vm15 =	vne.s32 v36, $0x0  }
0x103: {  	s25 =	simm.s32 $0x3;
	s26 =	simm.s32 $0x4;
	s24 =	simm.s32 $0x7250;
	v33 =	vsel vm15, $0x1, v32  }
.LBB2_12:
0x104: {  	p0 =	sne.s32 s26, $0x31;
	[tilespmem:s24+$0x0] =	vst v34;
	vm0 =	vne.s32 v34, $0x0  }
0x105: {  	v36 =	vmov s25;
	s25 =	smov.u32 s26;
	v34 =	vld.idx.msk [tilespmem:v35+s2+$0x0], $0xffff;
	v35 =	vsel vm0, $0x1, v32  }
.Ltmp5:
0x106: {  	v36 =	vand.u32 $0x3F, v36;
	v33 =	vadd.s32 v35, v33;
	(pc) =	sbr.rel @p0 .LBB2_12-.Ltmp5, $2  }
0x107: {  	v35 =	vadd.s32 v5, v36;
	_ =	sdelay $0x2  }
0x108: {  	s26 =	sadd.s32 $0x1, s26;
	s24 =	sadd.s32 $0x200, s24  }
0x109: {  	_ =	sdelay $0x2  }
0x10a: {  	[tilespmem:s24+$0x0] =	vst v34;
	v36 =	vmov s25  }
0x10b: {  	v35 =	vld.idx.msk [tilespmem:v35+s2+$0x0], $0xffff;
	v36 =	vand.u32 $0x3F, v36  }
0x10c: {  	v36 =	vadd.s32 v5, v36;
	_ =	sdelay $0x2  }
0x10d: {  	s29 =	sadd.s32 $0x200, s24  }
0x10e: {  	[tilespmem:s29+$0x0] =	vst v35  }
0x10f: {  	v36 =	vld.idx.msk [tilespmem:v36+s2+$0x0], $0xffff;
	_ =	sdelay $0x2  }
0x110: {  	vm0 =	vne.s32 v34, $0x0  }
0x111: {  	v34 =	vsel vm0, $0x1, v32;
	vm12 =	vne.s32 v35, $0x0  }
0x112: {  	v33 =	vadd.s32 v34, v33;
	v57 =	vsel vm12, $0x1, v32;
	vm13 =	vne.s32 v36, $0x0  }
0x113: {  	v33 =	vadd.s32 v57, v33;
	v58 =	vsel vm13, $0x1, v32  }
0x114: {  	v33 =	vadd.s32 v58, v33  }
0x115: {  	v34 =	vcvt.s32.f32 v33;
	_ =	sdelay $0x1  }
0x116: {  	v59 =	vadd.f32 $9.999999930e-09, v34;
	_ =	sdelay $0x1  }
0x117: {  	(erf) = vrcp.f32 v59;
	_ =	sdelay $0x3  }
0x118: {  	s30 =	simm.s32 $0x1  }
0x119: {  	v60 =	vmov s30  }
0x11a: {  	v35 =	vand.u32 $0x3F, v60  }
0x11b: {  	v35 =	vadd.s32 v6, v35  }
0x11c: {  	s24 =	sadd.s32 $0x200, s29;
	v34 =	vsub.f32 $5.000000000e+01, v34  }
0x11d: {  	[tilespmem:s24+$0x0] =	vst v36;
	vm14 =	veq.s32 v33, $0x0;
	v61 =	vpop (erf)  }
0x11e: {  	s31 =	simm.s32 $0x2;
	v36 =	vld [tilespmem:$0x7060];
	[tilespmem:$0x11650] =	vst v34;
	v33 =	vsel vm14, $0x0, v61  }
0x11f: {  	v62 =	vmov s31;
	[tilespmem:$0x11450] =	vst v33  }
0x120: {  	v63 =	vand.u32 $0x3F, v62;
	v34 =	vld.idx.msk [tilespmem:v35+s2+$0x0], $0xffff  }
0x121: {  	v35 =	vadd.s32 v6, v63;
	_ =	sdelay $0x1  }
0x122: {  	vm15 =	vne.s32 v36, $0x0  }
0x123: {  	s25 =	simm.s32 $0x3;
	s26 =	simm.s32 $0x4;
	s24 =	simm.s32 $0x7260;
	v33 =	vsel vm15, $0x1, v32  }
.LBB2_14:
0x124: {  	p0 =	sne.s32 s26, $0x31;
	[tilespmem:s24+$0x0] =	vst v34;
	vm0 =	vne.s32 v34, $0x0  }
0x125: {  	v36 =	vmov s25;
	s25 =	smov.u32 s26;
	v34 =	vld.idx.msk [tilespmem:v35+s2+$0x0], $0xffff;
	v35 =	vsel vm0, $0x1, v32  }
.Ltmp6:
0x126: {  	v36 =	vand.u32 $0x3F, v36;
	v33 =	vadd.s32 v35, v33;
	(pc) =	sbr.rel @p0 .LBB2_14-.Ltmp6, $2  }
0x127: {  	v35 =	vadd.s32 v6, v36;
	_ =	sdelay $0x2  }
0x128: {  	s26 =	sadd.s32 $0x1, s26;
	s24 =	sadd.s32 $0x200, s24  }
0x129: {  	_ =	sdelay $0x2  }
0x12a: {  	[tilespmem:s24+$0x0] =	vst v34;
	v36 =	vmov s25  }
0x12b: {  	v35 =	vld.idx.msk [tilespmem:v35+s2+$0x0], $0xffff;
	v36 =	vand.u32 $0x3F, v36  }
0x12c: {  	v36 =	vadd.s32 v6, v36;
	_ =	sdelay $0x2  }
0x12d: {  	s29 =	sadd.s32 $0x200, s24  }
0x12e: {  	[tilespmem:s29+$0x0] =	vst v35  }
0x12f: {  	v36 =	vld.idx.msk [tilespmem:v36+s2+$0x0], $0xffff;
	_ =	sdelay $0x2  }
0x130: {  	vm0 =	vne.s32 v34, $0x0  }
0x131: {  	v34 =	vsel vm0, $0x1, v32;
	vm12 =	vne.s32 v35, $0x0  }
0x132: {  	v33 =	vadd.s32 v34, v33;
	v57 =	vsel vm12, $0x1, v32;
	vm13 =	vne.s32 v36, $0x0  }
0x133: {  	v33 =	vadd.s32 v57, v33;
	v58 =	vsel vm13, $0x1, v32  }
0x134: {  	v33 =	vadd.s32 v58, v33  }
0x135: {  	v34 =	vcvt.s32.f32 v33;
	_ =	sdelay $0x1  }
0x136: {  	v59 =	vadd.f32 $9.999999930e-09, v34;
	_ =	sdelay $0x1  }
0x137: {  	(erf) = vrcp.f32 v59;
	_ =	sdelay $0x3  }
0x138: {  	s30 =	simm.s32 $0x1  }
0x139: {  	v60 =	vmov s30  }
0x13a: {  	v35 =	vand.u32 $0x3F, v60  }
0x13b: {  	v35 =	vadd.s32 v7, v35  }
0x13c: {  	s24 =	sadd.s32 $0x200, s29;
	v34 =	vsub.f32 $5.000000000e+01, v34  }
0x13d: {  	[tilespmem:s24+$0x0] =	vst v36;
	vm14 =	veq.s32 v33, $0x0;
	v61 =	vpop (erf)  }
0x13e: {  	s31 =	simm.s32 $0x2;
	v36 =	vld [tilespmem:$0x7070];
	[tilespmem:$0x11660] =	vst v34;
	v33 =	vsel vm14, $0x0, v61  }
0x13f: {  	v62 =	vmov s31;
	[tilespmem:$0x11460] =	vst v33  }
0x140: {  	v63 =	vand.u32 $0x3F, v62;
	v34 =	vld.idx.msk [tilespmem:v35+s2+$0x0], $0xffff  }
0x141: {  	v35 =	vadd.s32 v7, v63;
	_ =	sdelay $0x1  }
0x142: {  	vm15 =	vne.s32 v36, $0x0  }
0x143: {  	s25 =	simm.s32 $0x3;
	s26 =	simm.s32 $0x4;
	s24 =	simm.s32 $0x7270;
	v33 =	vsel vm15, $0x1, v32  }
.LBB2_16:
0x144: {  	p0 =	sne.s32 s26, $0x31;
	[tilespmem:s24+$0x0] =	vst v34;
	vm0 =	vne.s32 v34, $0x0  }
0x145: {  	v36 =	vmov s25;
	s25 =	smov.u32 s26;
	v34 =	vld.idx.msk [tilespmem:v35+s2+$0x0], $0xffff;
	v35 =	vsel vm0, $0x1, v32  }
.Ltmp7:
0x146: {  	v36 =	vand.u32 $0x3F, v36;
	v33 =	vadd.s32 v35, v33;
	(pc) =	sbr.rel @p0 .LBB2_16-.Ltmp7, $2  }
0x147: {  	v35 =	vadd.s32 v7, v36;
	_ =	sdelay $0x2  }
0x148: {  	s26 =	sadd.s32 $0x1, s26;
	s24 =	sadd.s32 $0x200, s24  }
0x149: {  	_ =	sdelay $0x2  }
0x14a: {  	[tilespmem:s24+$0x0] =	vst v34;
	v36 =	vmov s25  }
0x14b: {  	v35 =	vld.idx.msk [tilespmem:v35+s2+$0x0], $0xffff;
	v36 =	vand.u32 $0x3F, v36  }
0x14c: {  	v36 =	vadd.s32 v7, v36;
	_ =	sdelay $0x2  }
0x14d: {  	s29 =	sadd.s32 $0x200, s24  }
0x14e: {  	[tilespmem:s29+$0x0] =	vst v35  }
0x14f: {  	v36 =	vld.idx.msk [tilespmem:v36+s2+$0x0], $0xffff;
	_ =	sdelay $0x2  }
0x150: {  	vm0 =	vne.s32 v34, $0x0  }
0x151: {  	v34 =	vsel vm0, $0x1, v32;
	vm12 =	vne.s32 v35, $0x0  }
0x152: {  	v33 =	vadd.s32 v34, v33;
	v57 =	vsel vm12, $0x1, v32;
	vm13 =	vne.s32 v36, $0x0  }
0x153: {  	v33 =	vadd.s32 v57, v33;
	v58 =	vsel vm13, $0x1, v32  }
0x154: {  	v33 =	vadd.s32 v58, v33  }
0x155: {  	v34 =	vcvt.s32.f32 v33;
	_ =	sdelay $0x1  }
0x156: {  	v59 =	vadd.f32 $9.999999930e-09, v34;
	_ =	sdelay $0x1  }
0x157: {  	(erf) = vrcp.f32 v59;
	_ =	sdelay $0x3  }
0x158: {  	s30 =	simm.s32 $0x1  }
0x159: {  	v60 =	vmov s30  }
0x15a: {  	v35 =	vand.u32 $0x3F, v60  }
0x15b: {  	v35 =	vadd.s32 v8, v35  }
0x15c: {  	s24 =	sadd.s32 $0x200, s29;
	v34 =	vsub.f32 $5.000000000e+01, v34  }
0x15d: {  	[tilespmem:s24+$0x0] =	vst v36;
	vm14 =	veq.s32 v33, $0x0;
	v61 =	vpop (erf)  }
0x15e: {  	s31 =	simm.s32 $0x2;
	v36 =	vld [tilespmem:$0x7080];
	[tilespmem:$0x11670] =	vst v34;
	v33 =	vsel vm14, $0x0, v61  }
0x15f: {  	v62 =	vmov s31;
	[tilespmem:$0x11470] =	vst v33  }
0x160: {  	v63 =	vand.u32 $0x3F, v62;
	v34 =	vld.idx.msk [tilespmem:v35+s2+$0x0], $0xffff  }
0x161: {  	v35 =	vadd.s32 v8, v63;
	_ =	sdelay $0x1  }
0x162: {  	vm15 =	vne.s32 v36, $0x0  }
0x163: {  	s25 =	simm.s32 $0x3;
	s26 =	simm.s32 $0x4;
	s24 =	simm.s32 $0x7280;
	v33 =	vsel vm15, $0x1, v32  }
.LBB2_18:
0x164: {  	p0 =	sne.s32 s26, $0x31;
	[tilespmem:s24+$0x0] =	vst v34;
	vm0 =	vne.s32 v34, $0x0  }
0x165: {  	v36 =	vmov s25;
	s25 =	smov.u32 s26;
	v34 =	vld.idx.msk [tilespmem:v35+s2+$0x0], $0xffff;
	v35 =	vsel vm0, $0x1, v32  }
.Ltmp8:
0x166: {  	v36 =	vand.u32 $0x3F, v36;
	v33 =	vadd.s32 v35, v33;
	(pc) =	sbr.rel @p0 .LBB2_18-.Ltmp8, $2  }
0x167: {  	v35 =	vadd.s32 v8, v36;
	_ =	sdelay $0x2  }
0x168: {  	s26 =	sadd.s32 $0x1, s26;
	s24 =	sadd.s32 $0x200, s24  }
0x169: {  	_ =	sdelay $0x2  }
0x16a: {  	[tilespmem:s24+$0x0] =	vst v34;
	v36 =	vmov s25  }
0x16b: {  	v35 =	vld.idx.msk [tilespmem:v35+s2+$0x0], $0xffff;
	v36 =	vand.u32 $0x3F, v36  }
0x16c: {  	v36 =	vadd.s32 v8, v36;
	_ =	sdelay $0x2  }
0x16d: {  	s29 =	sadd.s32 $0x200, s24  }
0x16e: {  	[tilespmem:s29+$0x0] =	vst v35  }
0x16f: {  	v36 =	vld.idx.msk [tilespmem:v36+s2+$0x0], $0xffff;
	_ =	sdelay $0x2  }
0x170: {  	vm0 =	vne.s32 v34, $0x0  }
0x171: {  	v34 =	vsel vm0, $0x1, v32;
	vm12 =	vne.s32 v35, $0x0  }
0x172: {  	v33 =	vadd.s32 v34, v33;
	v57 =	vsel vm12, $0x1, v32;
	vm13 =	vne.s32 v36, $0x0  }
0x173: {  	v33 =	vadd.s32 v57, v33;
	v58 =	vsel vm13, $0x1, v32  }
0x174: {  	v33 =	vadd.s32 v58, v33  }
0x175: {  	v34 =	vcvt.s32.f32 v33;
	_ =	sdelay $0x1  }
0x176: {  	v59 =	vadd.f32 $9.999999930e-09, v34;
	_ =	sdelay $0x1  }
0x177: {  	(erf) = vrcp.f32 v59;
	_ =	sdelay $0x3  }
0x178: {  	s30 =	simm.s32 $0x1  }
0x179: {  	v60 =	vmov s30  }
0x17a: {  	v35 =	vand.u32 $0x3F, v60  }
0x17b: {  	v35 =	vadd.s32 v9, v35  }
0x17c: {  	s24 =	sadd.s32 $0x200, s29;
	v34 =	vsub.f32 $5.000000000e+01, v34  }
0x17d: {  	[tilespmem:s24+$0x0] =	vst v36;
	vm14 =	veq.s32 v33, $0x0;
	v61 =	vpop (erf)  }
0x17e: {  	s31 =	simm.s32 $0x2;
	v36 =	vld [tilespmem:$0x7090];
	[tilespmem:$0x11680] =	vst v34;
	v33 =	vsel vm14, $0x0, v61  }
0x17f: {  	v62 =	vmov s31;
	[tilespmem:$0x11480] =	vst v33  }
0x180: {  	v63 =	vand.u32 $0x3F, v62;
	v34 =	vld.idx.msk [tilespmem:v35+s2+$0x0], $0xffff  }
0x181: {  	v35 =	vadd.s32 v9, v63;
	_ =	sdelay $0x1  }
0x182: {  	vm15 =	vne.s32 v36, $0x0  }
0x183: {  	s25 =	simm.s32 $0x3;
	s26 =	simm.s32 $0x4;
	s24 =	simm.s32 $0x7290;
	v33 =	vsel vm15, $0x1, v32  }
.LBB2_20:
0x184: {  	p0 =	sne.s32 s26, $0x31;
	[tilespmem:s24+$0x0] =	vst v34;
	vm0 =	vne.s32 v34, $0x0  }
0x185: {  	v36 =	vmov s25;
	s25 =	smov.u32 s26;
	v34 =	vld.idx.msk [tilespmem:v35+s2+$0x0], $0xffff;
	v35 =	vsel vm0, $0x1, v32  }
.Ltmp9:
0x186: {  	v36 =	vand.u32 $0x3F, v36;
	v33 =	vadd.s32 v35, v33;
	(pc) =	sbr.rel @p0 .LBB2_20-.Ltmp9, $2  }
0x187: {  	v35 =	vadd.s32 v9, v36;
	_ =	sdelay $0x2  }
0x188: {  	s26 =	sadd.s32 $0x1, s26;
	s24 =	sadd.s32 $0x200, s24  }
0x189: {  	_ =	sdelay $0x2  }
0x18a: {  	[tilespmem:s24+$0x0] =	vst v34;
	v36 =	vmov s25  }
0x18b: {  	v35 =	vld.idx.msk [tilespmem:v35+s2+$0x0], $0xffff;
	v36 =	vand.u32 $0x3F, v36  }
0x18c: {  	v36 =	vadd.s32 v9, v36;
	_ =	sdelay $0x2  }
0x18d: {  	s29 =	sadd.s32 $0x200, s24  }
0x18e: {  	[tilespmem:s29+$0x0] =	vst v35  }
0x18f: {  	v36 =	vld.idx.msk [tilespmem:v36+s2+$0x0], $0xffff;
	_ =	sdelay $0x2  }
0x190: {  	vm0 =	vne.s32 v34, $0x0  }
0x191: {  	v34 =	vsel vm0, $0x1, v32;
	vm12 =	vne.s32 v35, $0x0  }
0x192: {  	v33 =	vadd.s32 v34, v33;
	v57 =	vsel vm12, $0x1, v32;
	vm13 =	vne.s32 v36, $0x0  }
0x193: {  	v33 =	vadd.s32 v57, v33;
	v58 =	vsel vm13, $0x1, v32  }
0x194: {  	v33 =	vadd.s32 v58, v33  }
0x195: {  	v34 =	vcvt.s32.f32 v33;
	_ =	sdelay $0x1  }
0x196: {  	v59 =	vadd.f32 $9.999999930e-09, v34;
	_ =	sdelay $0x1  }
0x197: {  	(erf) = vrcp.f32 v59;
	_ =	sdelay $0x3  }
0x198: {  	s30 =	simm.s32 $0x1  }
0x199: {  	v60 =	vmov s30  }
0x19a: {  	v35 =	vand.u32 $0x3F, v60  }
0x19b: {  	v35 =	vadd.s32 v10, v35  }
0x19c: {  	s24 =	sadd.s32 $0x200, s29;
	v34 =	vsub.f32 $5.000000000e+01, v34  }
0x19d: {  	[tilespmem:s24+$0x0] =	vst v36;
	vm14 =	veq.s32 v33, $0x0;
	v61 =	vpop (erf)  }
0x19e: {  	s31 =	simm.s32 $0x2;
	v36 =	vld [tilespmem:$0x70A0];
	[tilespmem:$0x11690] =	vst v34;
	v33 =	vsel vm14, $0x0, v61  }
0x19f: {  	v62 =	vmov s31;
	[tilespmem:$0x11490] =	vst v33  }
0x1a0: {  	v63 =	vand.u32 $0x3F, v62;
	v34 =	vld.idx.msk [tilespmem:v35+s2+$0x0], $0xffff  }
0x1a1: {  	v35 =	vadd.s32 v10, v63;
	_ =	sdelay $0x1  }
0x1a2: {  	vm15 =	vne.s32 v36, $0x0  }
0x1a3: {  	s25 =	simm.s32 $0x3;
	s26 =	simm.s32 $0x4;
	s24 =	simm.s32 $0x72A0;
	v33 =	vsel vm15, $0x1, v32  }
.LBB2_22:
0x1a4: {  	p0 =	sne.s32 s26, $0x31;
	[tilespmem:s24+$0x0] =	vst v34;
	vm0 =	vne.s32 v34, $0x0  }
0x1a5: {  	v36 =	vmov s25;
	s25 =	smov.u32 s26;
	v34 =	vld.idx.msk [tilespmem:v35+s2+$0x0], $0xffff;
	v35 =	vsel vm0, $0x1, v32  }
.Ltmp10:
0x1a6: {  	v36 =	vand.u32 $0x3F, v36;
	v33 =	vadd.s32 v35, v33;
	(pc) =	sbr.rel @p0 .LBB2_22-.Ltmp10, $2  }
0x1a7: {  	v35 =	vadd.s32 v10, v36;
	_ =	sdelay $0x2  }
0x1a8: {  	s26 =	sadd.s32 $0x1, s26;
	s24 =	sadd.s32 $0x200, s24  }
0x1a9: {  	_ =	sdelay $0x2  }
0x1aa: {  	[tilespmem:s24+$0x0] =	vst v34;
	v36 =	vmov s25  }
0x1ab: {  	v35 =	vld.idx.msk [tilespmem:v35+s2+$0x0], $0xffff;
	v36 =	vand.u32 $0x3F, v36  }
0x1ac: {  	v36 =	vadd.s32 v10, v36;
	_ =	sdelay $0x2  }
0x1ad: {  	s29 =	sadd.s32 $0x200, s24  }
0x1ae: {  	[tilespmem:s29+$0x0] =	vst v35  }
0x1af: {  	v36 =	vld.idx.msk [tilespmem:v36+s2+$0x0], $0xffff;
	_ =	sdelay $0x2  }
0x1b0: {  	vm0 =	vne.s32 v34, $0x0  }
0x1b1: {  	v34 =	vsel vm0, $0x1, v32;
	vm12 =	vne.s32 v35, $0x0  }
0x1b2: {  	v33 =	vadd.s32 v34, v33;
	v57 =	vsel vm12, $0x1, v32;
	vm13 =	vne.s32 v36, $0x0  }
0x1b3: {  	v33 =	vadd.s32 v57, v33;
	v58 =	vsel vm13, $0x1, v32  }
0x1b4: {  	v33 =	vadd.s32 v58, v33  }
0x1b5: {  	v34 =	vcvt.s32.f32 v33;
	_ =	sdelay $0x1  }
0x1b6: {  	v59 =	vadd.f32 $9.999999930e-09, v34;
	_ =	sdelay $0x1  }
0x1b7: {  	(erf) = vrcp.f32 v59;
	_ =	sdelay $0x3  }
0x1b8: {  	s30 =	simm.s32 $0x1  }
0x1b9: {  	v60 =	vmov s30  }
0x1ba: {  	v35 =	vand.u32 $0x3F, v60  }
0x1bb: {  	v35 =	vadd.s32 v11, v35  }
0x1bc: {  	s24 =	sadd.s32 $0x200, s29;
	v34 =	vsub.f32 $5.000000000e+01, v34  }
0x1bd: {  	[tilespmem:s24+$0x0] =	vst v36;
	vm14 =	veq.s32 v33, $0x0;
	v61 =	vpop (erf)  }
0x1be: {  	s31 =	simm.s32 $0x2;
	v36 =	vld [tilespmem:$0x70B0];
	[tilespmem:$0x116A0] =	vst v34;
	v33 =	vsel vm14, $0x0, v61  }
0x1bf: {  	v62 =	vmov s31;
	[tilespmem:$0x114A0] =	vst v33  }
0x1c0: {  	v63 =	vand.u32 $0x3F, v62;
	v34 =	vld.idx.msk [tilespmem:v35+s2+$0x0], $0xffff  }
0x1c1: {  	v35 =	vadd.s32 v11, v63;
	_ =	sdelay $0x1  }
0x1c2: {  	vm15 =	vne.s32 v36, $0x0  }
0x1c3: {  	s25 =	simm.s32 $0x3;
	s26 =	simm.s32 $0x4;
	s24 =	simm.s32 $0x72B0;
	v33 =	vsel vm15, $0x1, v32  }
.LBB2_24:
0x1c4: {  	p0 =	sne.s32 s26, $0x31;
	[tilespmem:s24+$0x0] =	vst v34;
	vm0 =	vne.s32 v34, $0x0  }
0x1c5: {  	v36 =	vmov s25;
	s25 =	smov.u32 s26;
	v34 =	vld.idx.msk [tilespmem:v35+s2+$0x0], $0xffff;
	v35 =	vsel vm0, $0x1, v32  }
.Ltmp11:
0x1c6: {  	v36 =	vand.u32 $0x3F, v36;
	v33 =	vadd.s32 v35, v33;
	(pc) =	sbr.rel @p0 .LBB2_24-.Ltmp11, $2  }
0x1c7: {  	v35 =	vadd.s32 v11, v36;
	_ =	sdelay $0x2  }
0x1c8: {  	s26 =	sadd.s32 $0x1, s26;
	s24 =	sadd.s32 $0x200, s24  }
0x1c9: {  	_ =	sdelay $0x2  }
0x1ca: {  	[tilespmem:s24+$0x0] =	vst v34;
	v36 =	vmov s25  }
0x1cb: {  	v35 =	vld.idx.msk [tilespmem:v35+s2+$0x0], $0xffff;
	v36 =	vand.u32 $0x3F, v36  }
0x1cc: {  	v36 =	vadd.s32 v11, v36;
	_ =	sdelay $0x2  }
0x1cd: {  	s29 =	sadd.s32 $0x200, s24  }
0x1ce: {  	[tilespmem:s29+$0x0] =	vst v35  }
0x1cf: {  	v36 =	vld.idx.msk [tilespmem:v36+s2+$0x0], $0xffff;
	_ =	sdelay $0x2  }
0x1d0: {  	vm0 =	vne.s32 v34, $0x0  }
0x1d1: {  	v34 =	vsel vm0, $0x1, v32;
	vm12 =	vne.s32 v35, $0x0  }
0x1d2: {  	v33 =	vadd.s32 v34, v33;
	v57 =	vsel vm12, $0x1, v32;
	vm13 =	vne.s32 v36, $0x0  }
0x1d3: {  	v33 =	vadd.s32 v57, v33;
	v58 =	vsel vm13, $0x1, v32  }
0x1d4: {  	v33 =	vadd.s32 v58, v33  }
0x1d5: {  	v34 =	vcvt.s32.f32 v33;
	_ =	sdelay $0x1  }
0x1d6: {  	v59 =	vadd.f32 $9.999999930e-09, v34;
	_ =	sdelay $0x1  }
0x1d7: {  	(erf) = vrcp.f32 v59;
	_ =	sdelay $0x3  }
0x1d8: {  	s30 =	simm.s32 $0x1  }
0x1d9: {  	v60 =	vmov s30  }
0x1da: {  	v35 =	vand.u32 $0x3F, v60  }
0x1db: {  	v35 =	vadd.s32 v12, v35  }
0x1dc: {  	s24 =	sadd.s32 $0x200, s29;
	v34 =	vsub.f32 $5.000000000e+01, v34  }
0x1dd: {  	[tilespmem:s24+$0x0] =	vst v36;
	vm14 =	veq.s32 v33, $0x0;
	v61 =	vpop (erf)  }
0x1de: {  	s31 =	simm.s32 $0x2;
	v36 =	vld [tilespmem:$0x70C0];
	[tilespmem:$0x116B0] =	vst v34;
	v33 =	vsel vm14, $0x0, v61  }
0x1df: {  	v62 =	vmov s31;
	[tilespmem:$0x114B0] =	vst v33  }
0x1e0: {  	v63 =	vand.u32 $0x3F, v62;
	v34 =	vld.idx.msk [tilespmem:v35+s2+$0x0], $0xffff  }
0x1e1: {  	v35 =	vadd.s32 v12, v63;
	_ =	sdelay $0x1  }
0x1e2: {  	vm15 =	vne.s32 v36, $0x0  }
0x1e3: {  	s25 =	simm.s32 $0x3;
	s26 =	simm.s32 $0x4;
	s24 =	simm.s32 $0x72C0;
	v33 =	vsel vm15, $0x1, v32  }
.LBB2_26:
0x1e4: {  	p0 =	sne.s32 s26, $0x31;
	[tilespmem:s24+$0x0] =	vst v34;
	vm0 =	vne.s32 v34, $0x0  }
0x1e5: {  	v36 =	vmov s25;
	s25 =	smov.u32 s26;
	v34 =	vld.idx.msk [tilespmem:v35+s2+$0x0], $0xffff;
	v35 =	vsel vm0, $0x1, v32  }
.Ltmp12:
0x1e6: {  	v36 =	vand.u32 $0x3F, v36;
	v33 =	vadd.s32 v35, v33;
	(pc) =	sbr.rel @p0 .LBB2_26-.Ltmp12, $2  }
0x1e7: {  	v35 =	vadd.s32 v12, v36;
	_ =	sdelay $0x2  }
0x1e8: {  	s26 =	sadd.s32 $0x1, s26;
	s24 =	sadd.s32 $0x200, s24  }
0x1e9: {  	_ =	sdelay $0x2  }
0x1ea: {  	[tilespmem:s24+$0x0] =	vst v34;
	v36 =	vmov s25  }
0x1eb: {  	v35 =	vld.idx.msk [tilespmem:v35+s2+$0x0], $0xffff;
	v36 =	vand.u32 $0x3F, v36  }
0x1ec: {  	v36 =	vadd.s32 v12, v36;
	_ =	sdelay $0x2  }
0x1ed: {  	s29 =	sadd.s32 $0x200, s24  }
0x1ee: {  	[tilespmem:s29+$0x0] =	vst v35  }
0x1ef: {  	v36 =	vld.idx.msk [tilespmem:v36+s2+$0x0], $0xffff;
	_ =	sdelay $0x2  }
0x1f0: {  	vm0 =	vne.s32 v34, $0x0  }
0x1f1: {  	v34 =	vsel vm0, $0x1, v32;
	vm12 =	vne.s32 v35, $0x0  }
0x1f2: {  	v33 =	vadd.s32 v34, v33;
	v57 =	vsel vm12, $0x1, v32;
	vm13 =	vne.s32 v36, $0x0  }
0x1f3: {  	v33 =	vadd.s32 v57, v33;
	v58 =	vsel vm13, $0x1, v32  }
0x1f4: {  	v33 =	vadd.s32 v58, v33  }
0x1f5: {  	v34 =	vcvt.s32.f32 v33;
	_ =	sdelay $0x1  }
0x1f6: {  	v59 =	vadd.f32 $9.999999930e-09, v34;
	_ =	sdelay $0x1  }
0x1f7: {  	(erf) = vrcp.f32 v59;
	_ =	sdelay $0x3  }
0x1f8: {  	s30 =	simm.s32 $0x1  }
0x1f9: {  	v60 =	vmov s30  }
0x1fa: {  	v35 =	vand.u32 $0x3F, v60  }
0x1fb: {  	v35 =	vadd.s32 v13, v35  }
0x1fc: {  	s24 =	sadd.s32 $0x200, s29;
	v34 =	vsub.f32 $5.000000000e+01, v34  }
0x1fd: {  	[tilespmem:s24+$0x0] =	vst v36;
	vm14 =	veq.s32 v33, $0x0;
	v61 =	vpop (erf)  }
0x1fe: {  	s31 =	simm.s32 $0x2;
	v36 =	vld [tilespmem:$0x70D0];
	[tilespmem:$0x116C0] =	vst v34;
	v33 =	vsel vm14, $0x0, v61  }
0x1ff: {  	v62 =	vmov s31;
	[tilespmem:$0x114C0] =	vst v33  }
0x200: {  	v63 =	vand.u32 $0x3F, v62;
	v34 =	vld.idx.msk [tilespmem:v35+s2+$0x0], $0xffff  }
0x201: {  	v35 =	vadd.s32 v13, v63;
	_ =	sdelay $0x1  }
0x202: {  	vm15 =	vne.s32 v36, $0x0  }
0x203: {  	s25 =	simm.s32 $0x3;
	s26 =	simm.s32 $0x4;
	s24 =	simm.s32 $0x72D0;
	v33 =	vsel vm15, $0x1, v32  }
.LBB2_28:
0x204: {  	p0 =	sne.s32 s26, $0x31;
	[tilespmem:s24+$0x0] =	vst v34;
	vm0 =	vne.s32 v34, $0x0  }
0x205: {  	v36 =	vmov s25;
	s25 =	smov.u32 s26;
	v34 =	vld.idx.msk [tilespmem:v35+s2+$0x0], $0xffff;
	v35 =	vsel vm0, $0x1, v32  }
.Ltmp13:
0x206: {  	v36 =	vand.u32 $0x3F, v36;
	v33 =	vadd.s32 v35, v33;
	(pc) =	sbr.rel @p0 .LBB2_28-.Ltmp13, $2  }
0x207: {  	v35 =	vadd.s32 v13, v36;
	_ =	sdelay $0x2  }
0x208: {  	s26 =	sadd.s32 $0x1, s26;
	s24 =	sadd.s32 $0x200, s24  }
0x209: {  	_ =	sdelay $0x2  }
0x20a: {  	[tilespmem:s24+$0x0] =	vst v34;
	v36 =	vmov s25  }
0x20b: {  	v35 =	vld.idx.msk [tilespmem:v35+s2+$0x0], $0xffff;
	v36 =	vand.u32 $0x3F, v36  }
0x20c: {  	v36 =	vadd.s32 v13, v36;
	_ =	sdelay $0x2  }
0x20d: {  	s29 =	sadd.s32 $0x200, s24  }
0x20e: {  	[tilespmem:s29+$0x0] =	vst v35  }
0x20f: {  	v36 =	vld.idx.msk [tilespmem:v36+s2+$0x0], $0xffff;
	_ =	sdelay $0x2  }
0x210: {  	vm0 =	vne.s32 v34, $0x0  }
0x211: {  	v34 =	vsel vm0, $0x1, v32;
	vm12 =	vne.s32 v35, $0x0  }
0x212: {  	v33 =	vadd.s32 v34, v33;
	v57 =	vsel vm12, $0x1, v32;
	vm13 =	vne.s32 v36, $0x0  }
0x213: {  	v33 =	vadd.s32 v57, v33;
	v58 =	vsel vm13, $0x1, v32  }
0x214: {  	v33 =	vadd.s32 v58, v33  }
0x215: {  	v34 =	vcvt.s32.f32 v33;
	_ =	sdelay $0x1  }
0x216: {  	v59 =	vadd.f32 $9.999999930e-09, v34;
	_ =	sdelay $0x1  }
0x217: {  	(erf) = vrcp.f32 v59;
	_ =	sdelay $0x3  }
0x218: {  	s30 =	simm.s32 $0x1  }
0x219: {  	v60 =	vmov s30  }
0x21a: {  	v35 =	vand.u32 $0x3F, v60  }
0x21b: {  	v35 =	vadd.s32 v14, v35  }
0x21c: {  	s24 =	sadd.s32 $0x200, s29;
	v34 =	vsub.f32 $5.000000000e+01, v34  }
0x21d: {  	[tilespmem:s24+$0x0] =	vst v36;
	vm14 =	veq.s32 v33, $0x0;
	v61 =	vpop (erf)  }
0x21e: {  	s31 =	simm.s32 $0x2;
	v36 =	vld [tilespmem:$0x70E0];
	[tilespmem:$0x116D0] =	vst v34;
	v33 =	vsel vm14, $0x0, v61  }
0x21f: {  	v62 =	vmov s31;
	[tilespmem:$0x114D0] =	vst v33  }
0x220: {  	v63 =	vand.u32 $0x3F, v62;
	v34 =	vld.idx.msk [tilespmem:v35+s2+$0x0], $0xffff  }
0x221: {  	v35 =	vadd.s32 v14, v63;
	_ =	sdelay $0x1  }
0x222: {  	vm15 =	vne.s32 v36, $0x0  }
0x223: {  	s25 =	simm.s32 $0x3;
	s26 =	simm.s32 $0x4;
	s24 =	simm.s32 $0x72E0;
	v33 =	vsel vm15, $0x1, v32  }
.LBB2_30:
0x224: {  	p0 =	sne.s32 s26, $0x31;
	[tilespmem:s24+$0x0] =	vst v34;
	vm0 =	vne.s32 v34, $0x0  }
0x225: {  	v36 =	vmov s25;
	s25 =	smov.u32 s26;
	v34 =	vld.idx.msk [tilespmem:v35+s2+$0x0], $0xffff;
	v35 =	vsel vm0, $0x1, v32  }
.Ltmp14:
0x226: {  	v36 =	vand.u32 $0x3F, v36;
	v33 =	vadd.s32 v35, v33;
	(pc) =	sbr.rel @p0 .LBB2_30-.Ltmp14, $2  }
0x227: {  	v35 =	vadd.s32 v14, v36;
	_ =	sdelay $0x2  }
0x228: {  	s26 =	sadd.s32 $0x1, s26;
	s24 =	sadd.s32 $0x200, s24  }
0x229: {  	_ =	sdelay $0x2  }
0x22a: {  	[tilespmem:s24+$0x0] =	vst v34;
	v36 =	vmov s25  }
0x22b: {  	v35 =	vld.idx.msk [tilespmem:v35+s2+$0x0], $0xffff;
	v36 =	vand.u32 $0x3F, v36  }
0x22c: {  	v36 =	vadd.s32 v14, v36;
	_ =	sdelay $0x2  }
0x22d: {  	s29 =	sadd.s32 $0x200, s24  }
0x22e: {  	[tilespmem:s29+$0x0] =	vst v35  }
0x22f: {  	v36 =	vld.idx.msk [tilespmem:v36+s2+$0x0], $0xffff;
	_ =	sdelay $0x2  }
0x230: {  	vm0 =	vne.s32 v34, $0x0  }
0x231: {  	v34 =	vsel vm0, $0x1, v32;
	vm12 =	vne.s32 v35, $0x0  }
0x232: {  	v33 =	vadd.s32 v34, v33;
	v57 =	vsel vm12, $0x1, v32;
	vm13 =	vne.s32 v36, $0x0  }
0x233: {  	v33 =	vadd.s32 v57, v33;
	v58 =	vsel vm13, $0x1, v32  }
0x234: {  	v33 =	vadd.s32 v58, v33  }
0x235: {  	v34 =	vcvt.s32.f32 v33;
	_ =	sdelay $0x1  }
0x236: {  	v59 =	vadd.f32 $9.999999930e-09, v34;
	_ =	sdelay $0x1  }
0x237: {  	(erf) = vrcp.f32 v59;
	_ =	sdelay $0x3  }
0x238: {  	s30 =	simm.s32 $0x1  }
0x239: {  	v60 =	vmov s30  }
0x23a: {  	v35 =	vand.u32 $0x3F, v60  }
0x23b: {  	v35 =	vadd.s32 v15, v35  }
0x23c: {  	s24 =	sadd.s32 $0x200, s29;
	v34 =	vsub.f32 $5.000000000e+01, v34  }
0x23d: {  	[tilespmem:s24+$0x0] =	vst v36;
	vm14 =	veq.s32 v33, $0x0;
	v61 =	vpop (erf)  }
0x23e: {  	s31 =	simm.s32 $0x2;
	v36 =	vld [tilespmem:$0x70F0];
	[tilespmem:$0x116E0] =	vst v34;
	v33 =	vsel vm14, $0x0, v61  }
0x23f: {  	v62 =	vmov s31;
	[tilespmem:$0x114E0] =	vst v33  }
0x240: {  	v63 =	vand.u32 $0x3F, v62;
	v34 =	vld.idx.msk [tilespmem:v35+s2+$0x0], $0xffff  }
0x241: {  	v35 =	vadd.s32 v15, v63;
	_ =	sdelay $0x1  }
0x242: {  	vm15 =	vne.s32 v36, $0x0  }
0x243: {  	s25 =	simm.s32 $0x3;
	s26 =	simm.s32 $0x4;
	s24 =	simm.s32 $0x72F0;
	v33 =	vsel vm15, $0x1, v32  }
.LBB2_32:
0x244: {  	p0 =	sne.s32 s26, $0x31;
	[tilespmem:s24+$0x0] =	vst v34;
	vm0 =	vne.s32 v34, $0x0  }
0x245: {  	v36 =	vmov s25;
	s25 =	smov.u32 s26;
	v34 =	vld.idx.msk [tilespmem:v35+s2+$0x0], $0xffff;
	v35 =	vsel vm0, $0x1, v32  }
.Ltmp15:
0x246: {  	v36 =	vand.u32 $0x3F, v36;
	v33 =	vadd.s32 v35, v33;
	(pc) =	sbr.rel @p0 .LBB2_32-.Ltmp15, $2  }
0x247: {  	v35 =	vadd.s32 v15, v36;
	_ =	sdelay $0x2  }
0x248: {  	s26 =	sadd.s32 $0x1, s26;
	s24 =	sadd.s32 $0x200, s24  }
0x249: {  	_ =	sdelay $0x2  }
0x24a: {  	[tilespmem:s24+$0x0] =	vst v34;
	v36 =	vmov s25  }
0x24b: {  	v35 =	vld.idx.msk [tilespmem:v35+s2+$0x0], $0xffff;
	v36 =	vand.u32 $0x3F, v36  }
0x24c: {  	v36 =	vadd.s32 v15, v36;
	_ =	sdelay $0x2  }
0x24d: {  	s29 =	sadd.s32 $0x200, s24  }
0x24e: {  	[tilespmem:s29+$0x0] =	vst v35  }
0x24f: {  	v36 =	vld.idx.msk [tilespmem:v36+s2+$0x0], $0xffff;
	_ =	sdelay $0x2  }
0x250: {  	vm0 =	vne.s32 v34, $0x0  }
0x251: {  	v34 =	vsel vm0, $0x1, v32;
	vm12 =	vne.s32 v35, $0x0  }
0x252: {  	v33 =	vadd.s32 v34, v33;
	v57 =	vsel vm12, $0x1, v32;
	vm13 =	vne.s32 v36, $0x0  }
0x253: {  	v33 =	vadd.s32 v57, v33;
	v58 =	vsel vm13, $0x1, v32  }
0x254: {  	v33 =	vadd.s32 v58, v33  }
0x255: {  	v34 =	vcvt.s32.f32 v33;
	_ =	sdelay $0x1  }
0x256: {  	v59 =	vadd.f32 $9.999999930e-09, v34;
	_ =	sdelay $0x1  }
0x257: {  	(erf) = vrcp.f32 v59;
	_ =	sdelay $0x3  }
0x258: {  	s30 =	simm.s32 $0x1  }
0x259: {  	v60 =	vmov s30  }
0x25a: {  	v35 =	vand.u32 $0x3F, v60  }
0x25b: {  	v35 =	vadd.s32 v16, v35  }
0x25c: {  	s24 =	sadd.s32 $0x200, s29;
	v34 =	vsub.f32 $5.000000000e+01, v34  }
0x25d: {  	[tilespmem:s24+$0x0] =	vst v36;
	vm14 =	veq.s32 v33, $0x0;
	v61 =	vpop (erf)  }
0x25e: {  	s31 =	simm.s32 $0x2;
	v36 =	vld [tilespmem:$0x7100];
	[tilespmem:$0x116F0] =	vst v34;
	v33 =	vsel vm14, $0x0, v61  }
0x25f: {  	v62 =	vmov s31;
	[tilespmem:$0x114F0] =	vst v33  }
0x260: {  	v63 =	vand.u32 $0x3F, v62;
	v34 =	vld.idx.msk [tilespmem:v35+s2+$0x0], $0xffff  }
0x261: {  	v35 =	vadd.s32 v16, v63;
	_ =	sdelay $0x1  }
0x262: {  	vm15 =	vne.s32 v36, $0x0  }
0x263: {  	s25 =	simm.s32 $0x3;
	s26 =	simm.s32 $0x4;
	s24 =	simm.s32 $0x7300;
	v33 =	vsel vm15, $0x1, v32  }
.LBB2_34:
0x264: {  	p0 =	sne.s32 s26, $0x31;
	[tilespmem:s24+$0x0] =	vst v34;
	vm0 =	vne.s32 v34, $0x0  }
0x265: {  	v36 =	vmov s25;
	s25 =	smov.u32 s26;
	v34 =	vld.idx.msk [tilespmem:v35+s2+$0x0], $0xffff;
	v35 =	vsel vm0, $0x1, v32  }
.Ltmp16:
0x266: {  	v36 =	vand.u32 $0x3F, v36;
	v33 =	vadd.s32 v35, v33;
	(pc) =	sbr.rel @p0 .LBB2_34-.Ltmp16, $2  }
0x267: {  	v35 =	vadd.s32 v16, v36;
	_ =	sdelay $0x2  }
0x268: {  	s26 =	sadd.s32 $0x1, s26;
	s24 =	sadd.s32 $0x200, s24  }
0x269: {  	_ =	sdelay $0x2  }
0x26a: {  	[tilespmem:s24+$0x0] =	vst v34;
	v36 =	vmov s25  }
0x26b: {  	v35 =	vld.idx.msk [tilespmem:v35+s2+$0x0], $0xffff;
	v36 =	vand.u32 $0x3F, v36  }
0x26c: {  	v36 =	vadd.s32 v16, v36;
	_ =	sdelay $0x2  }
0x26d: {  	s29 =	sadd.s32 $0x200, s24  }
0x26e: {  	[tilespmem:s29+$0x0] =	vst v35  }
0x26f: {  	v36 =	vld.idx.msk [tilespmem:v36+s2+$0x0], $0xffff;
	_ =	sdelay $0x2  }
0x270: {  	vm0 =	vne.s32 v34, $0x0  }
0x271: {  	v34 =	vsel vm0, $0x1, v32;
	vm12 =	vne.s32 v35, $0x0  }
0x272: {  	v33 =	vadd.s32 v34, v33;
	v57 =	vsel vm12, $0x1, v32;
	vm13 =	vne.s32 v36, $0x0  }
0x273: {  	v33 =	vadd.s32 v57, v33;
	v58 =	vsel vm13, $0x1, v32  }
0x274: {  	v33 =	vadd.s32 v58, v33  }
0x275: {  	v34 =	vcvt.s32.f32 v33;
	_ =	sdelay $0x1  }
0x276: {  	v59 =	vadd.f32 $9.999999930e-09, v34;
	_ =	sdelay $0x1  }
0x277: {  	(erf) = vrcp.f32 v59;
	_ =	sdelay $0x3  }
0x278: {  	s30 =	simm.s32 $0x1  }
0x279: {  	v60 =	vmov s30  }
0x27a: {  	v35 =	vand.u32 $0x3F, v60  }
0x27b: {  	v35 =	vadd.s32 v17, v35  }
0x27c: {  	s24 =	sadd.s32 $0x200, s29;
	v34 =	vsub.f32 $5.000000000e+01, v34  }
0x27d: {  	[tilespmem:s24+$0x0] =	vst v36;
	vm14 =	veq.s32 v33, $0x0;
	v61 =	vpop (erf)  }
0x27e: {  	s31 =	simm.s32 $0x2;
	v36 =	vld [tilespmem:$0x7110];
	[tilespmem:$0x11700] =	vst v34;
	v33 =	vsel vm14, $0x0, v61  }
0x27f: {  	v62 =	vmov s31;
	[tilespmem:$0x11500] =	vst v33  }
0x280: {  	v63 =	vand.u32 $0x3F, v62;
	v34 =	vld.idx.msk [tilespmem:v35+s2+$0x0], $0xffff  }
0x281: {  	v35 =	vadd.s32 v17, v63;
	_ =	sdelay $0x1  }
0x282: {  	vm15 =	vne.s32 v36, $0x0  }
0x283: {  	s25 =	simm.s32 $0x3;
	s26 =	simm.s32 $0x4;
	s24 =	simm.s32 $0x7310;
	v33 =	vsel vm15, $0x1, v32  }
.LBB2_36:
0x284: {  	p0 =	sne.s32 s26, $0x31;
	[tilespmem:s24+$0x0] =	vst v34;
	vm0 =	vne.s32 v34, $0x0  }
0x285: {  	v36 =	vmov s25;
	s25 =	smov.u32 s26;
	v34 =	vld.idx.msk [tilespmem:v35+s2+$0x0], $0xffff;
	v35 =	vsel vm0, $0x1, v32  }
.Ltmp17:
0x286: {  	v36 =	vand.u32 $0x3F, v36;
	v33 =	vadd.s32 v35, v33;
	(pc) =	sbr.rel @p0 .LBB2_36-.Ltmp17, $2  }
0x287: {  	v35 =	vadd.s32 v17, v36;
	_ =	sdelay $0x2  }
0x288: {  	s26 =	sadd.s32 $0x1, s26;
	s24 =	sadd.s32 $0x200, s24  }
0x289: {  	_ =	sdelay $0x2  }
0x28a: {  	[tilespmem:s24+$0x0] =	vst v34;
	v36 =	vmov s25  }
0x28b: {  	v35 =	vld.idx.msk [tilespmem:v35+s2+$0x0], $0xffff;
	v36 =	vand.u32 $0x3F, v36  }
0x28c: {  	v36 =	vadd.s32 v17, v36;
	_ =	sdelay $0x2  }
0x28d: {  	s29 =	sadd.s32 $0x200, s24  }
0x28e: {  	[tilespmem:s29+$0x0] =	vst v35  }
0x28f: {  	v36 =	vld.idx.msk [tilespmem:v36+s2+$0x0], $0xffff;
	_ =	sdelay $0x2  }
0x290: {  	vm0 =	vne.s32 v34, $0x0  }
0x291: {  	v34 =	vsel vm0, $0x1, v32;
	vm12 =	vne.s32 v35, $0x0  }
0x292: {  	v33 =	vadd.s32 v34, v33;
	v57 =	vsel vm12, $0x1, v32;
	vm13 =	vne.s32 v36, $0x0  }
0x293: {  	v33 =	vadd.s32 v57, v33;
	v58 =	vsel vm13, $0x1, v32  }
0x294: {  	v33 =	vadd.s32 v58, v33  }
0x295: {  	v34 =	vcvt.s32.f32 v33;
	_ =	sdelay $0x1  }
0x296: {  	v59 =	vadd.f32 $9.999999930e-09, v34;
	_ =	sdelay $0x1  }
0x297: {  	(erf) = vrcp.f32 v59;
	_ =	sdelay $0x3  }
0x298: {  	s30 =	simm.s32 $0x1  }
0x299: {  	v60 =	vmov s30  }
0x29a: {  	v35 =	vand.u32 $0x3F, v60  }
0x29b: {  	v35 =	vadd.s32 v18, v35  }
0x29c: {  	s24 =	sadd.s32 $0x200, s29;
	v34 =	vsub.f32 $5.000000000e+01, v34  }
0x29d: {  	[tilespmem:s24+$0x0] =	vst v36;
	vm14 =	veq.s32 v33, $0x0;
	v61 =	vpop (erf)  }
0x29e: {  	s31 =	simm.s32 $0x2;
	v36 =	vld [tilespmem:$0x7120];
	[tilespmem:$0x11710] =	vst v34;
	v33 =	vsel vm14, $0x0, v61  }
0x29f: {  	v62 =	vmov s31;
	[tilespmem:$0x11510] =	vst v33  }
0x2a0: {  	v63 =	vand.u32 $0x3F, v62;
	v34 =	vld.idx.msk [tilespmem:v35+s2+$0x0], $0xffff  }
0x2a1: {  	v35 =	vadd.s32 v18, v63;
	_ =	sdelay $0x1  }
0x2a2: {  	vm15 =	vne.s32 v36, $0x0  }
0x2a3: {  	s25 =	simm.s32 $0x3;
	s26 =	simm.s32 $0x4;
	s24 =	simm.s32 $0x7320;
	v33 =	vsel vm15, $0x1, v32  }
.LBB2_38:
0x2a4: {  	p0 =	sne.s32 s26, $0x31;
	[tilespmem:s24+$0x0] =	vst v34;
	vm0 =	vne.s32 v34, $0x0  }
0x2a5: {  	v36 =	vmov s25;
	s25 =	smov.u32 s26;
	v34 =	vld.idx.msk [tilespmem:v35+s2+$0x0], $0xffff;
	v35 =	vsel vm0, $0x1, v32  }
.Ltmp18:
0x2a6: {  	v36 =	vand.u32 $0x3F, v36;
	v33 =	vadd.s32 v35, v33;
	(pc) =	sbr.rel @p0 .LBB2_38-.Ltmp18, $2  }
0x2a7: {  	v35 =	vadd.s32 v18, v36;
	_ =	sdelay $0x2  }
0x2a8: {  	s26 =	sadd.s32 $0x1, s26;
	s24 =	sadd.s32 $0x200, s24  }
0x2a9: {  	_ =	sdelay $0x2  }
0x2aa: {  	[tilespmem:s24+$0x0] =	vst v34;
	v36 =	vmov s25  }
0x2ab: {  	v35 =	vld.idx.msk [tilespmem:v35+s2+$0x0], $0xffff;
	v36 =	vand.u32 $0x3F, v36  }
0x2ac: {  	v36 =	vadd.s32 v18, v36;
	_ =	sdelay $0x2  }
0x2ad: {  	s29 =	sadd.s32 $0x200, s24  }
0x2ae: {  	[tilespmem:s29+$0x0] =	vst v35  }
0x2af: {  	v36 =	vld.idx.msk [tilespmem:v36+s2+$0x0], $0xffff;
	_ =	sdelay $0x2  }
0x2b0: {  	vm0 =	vne.s32 v34, $0x0  }
0x2b1: {  	v34 =	vsel vm0, $0x1, v32;
	vm12 =	vne.s32 v35, $0x0  }
0x2b2: {  	v33 =	vadd.s32 v34, v33;
	v57 =	vsel vm12, $0x1, v32;
	vm13 =	vne.s32 v36, $0x0  }
0x2b3: {  	v33 =	vadd.s32 v57, v33;
	v58 =	vsel vm13, $0x1, v32  }
0x2b4: {  	v33 =	vadd.s32 v58, v33  }
0x2b5: {  	v34 =	vcvt.s32.f32 v33;
	_ =	sdelay $0x1  }
0x2b6: {  	v59 =	vadd.f32 $9.999999930e-09, v34;
	_ =	sdelay $0x1  }
0x2b7: {  	(erf) = vrcp.f32 v59;
	_ =	sdelay $0x3  }
0x2b8: {  	s30 =	simm.s32 $0x1  }
0x2b9: {  	v60 =	vmov s30  }
0x2ba: {  	v35 =	vand.u32 $0x3F, v60  }
0x2bb: {  	v35 =	vadd.s32 v19, v35  }
0x2bc: {  	s24 =	sadd.s32 $0x200, s29;
	v34 =	vsub.f32 $5.000000000e+01, v34  }
0x2bd: {  	[tilespmem:s24+$0x0] =	vst v36;
	vm14 =	veq.s32 v33, $0x0;
	v61 =	vpop (erf)  }
0x2be: {  	s31 =	simm.s32 $0x2;
	v36 =	vld [tilespmem:$0x7130];
	[tilespmem:$0x11720] =	vst v34;
	v33 =	vsel vm14, $0x0, v61  }
0x2bf: {  	v62 =	vmov s31;
	[tilespmem:$0x11520] =	vst v33  }
0x2c0: {  	v63 =	vand.u32 $0x3F, v62;
	v34 =	vld.idx.msk [tilespmem:v35+s2+$0x0], $0xffff  }
0x2c1: {  	v35 =	vadd.s32 v19, v63;
	_ =	sdelay $0x1  }
0x2c2: {  	vm15 =	vne.s32 v36, $0x0  }
0x2c3: {  	s25 =	simm.s32 $0x3;
	s26 =	simm.s32 $0x4;
	s24 =	simm.s32 $0x7330;
	v33 =	vsel vm15, $0x1, v32  }
.LBB2_40:
0x2c4: {  	p0 =	sne.s32 s26, $0x31;
	[tilespmem:s24+$0x0] =	vst v34;
	vm0 =	vne.s32 v34, $0x0  }
0x2c5: {  	v36 =	vmov s25;
	s25 =	smov.u32 s26;
	v34 =	vld.idx.msk [tilespmem:v35+s2+$0x0], $0xffff;
	v35 =	vsel vm0, $0x1, v32  }
.Ltmp19:
0x2c6: {  	v36 =	vand.u32 $0x3F, v36;
	v33 =	vadd.s32 v35, v33;
	(pc) =	sbr.rel @p0 .LBB2_40-.Ltmp19, $2  }
0x2c7: {  	v35 =	vadd.s32 v19, v36;
	_ =	sdelay $0x2  }
0x2c8: {  	s26 =	sadd.s32 $0x1, s26;
	s24 =	sadd.s32 $0x200, s24  }
0x2c9: {  	_ =	sdelay $0x2  }
0x2ca: {  	[tilespmem:s24+$0x0] =	vst v34;
	v36 =	vmov s25  }
0x2cb: {  	v35 =	vld.idx.msk [tilespmem:v35+s2+$0x0], $0xffff;
	v36 =	vand.u32 $0x3F, v36  }
0x2cc: {  	v36 =	vadd.s32 v19, v36;
	_ =	sdelay $0x2  }
0x2cd: {  	s29 =	sadd.s32 $0x200, s24  }
0x2ce: {  	[tilespmem:s29+$0x0] =	vst v35  }
0x2cf: {  	v36 =	vld.idx.msk [tilespmem:v36+s2+$0x0], $0xffff;
	_ =	sdelay $0x2  }
0x2d0: {  	vm0 =	vne.s32 v34, $0x0  }
0x2d1: {  	v34 =	vsel vm0, $0x1, v32;
	vm12 =	vne.s32 v35, $0x0  }
0x2d2: {  	v33 =	vadd.s32 v34, v33;
	v57 =	vsel vm12, $0x1, v32;
	vm13 =	vne.s32 v36, $0x0  }
0x2d3: {  	v33 =	vadd.s32 v57, v33;
	v58 =	vsel vm13, $0x1, v32  }
0x2d4: {  	v33 =	vadd.s32 v58, v33  }
0x2d5: {  	v34 =	vcvt.s32.f32 v33;
	_ =	sdelay $0x1  }
0x2d6: {  	v59 =	vadd.f32 $9.999999930e-09, v34;
	_ =	sdelay $0x1  }
0x2d7: {  	(erf) = vrcp.f32 v59;
	_ =	sdelay $0x3  }
0x2d8: {  	s30 =	simm.s32 $0x1  }
0x2d9: {  	v60 =	vmov s30  }
0x2da: {  	v35 =	vand.u32 $0x3F, v60  }
0x2db: {  	v35 =	vadd.s32 v20, v35  }
0x2dc: {  	s24 =	sadd.s32 $0x200, s29;
	v34 =	vsub.f32 $5.000000000e+01, v34  }
0x2dd: {  	[tilespmem:s24+$0x0] =	vst v36;
	vm14 =	veq.s32 v33, $0x0;
	v61 =	vpop (erf)  }
0x2de: {  	s31 =	simm.s32 $0x2;
	v36 =	vld [tilespmem:$0x7140];
	[tilespmem:$0x11730] =	vst v34;
	v33 =	vsel vm14, $0x0, v61  }
0x2df: {  	v62 =	vmov s31;
	[tilespmem:$0x11530] =	vst v33  }
0x2e0: {  	v63 =	vand.u32 $0x3F, v62;
	v34 =	vld.idx.msk [tilespmem:v35+s2+$0x0], $0xffff  }
0x2e1: {  	v35 =	vadd.s32 v20, v63;
	_ =	sdelay $0x1  }
0x2e2: {  	vm15 =	vne.s32 v36, $0x0  }
0x2e3: {  	s25 =	simm.s32 $0x3;
	s26 =	simm.s32 $0x4;
	s24 =	simm.s32 $0x7340;
	v33 =	vsel vm15, $0x1, v32  }
.LBB2_42:
0x2e4: {  	p0 =	sne.s32 s26, $0x31;
	[tilespmem:s24+$0x0] =	vst v34;
	vm0 =	vne.s32 v34, $0x0  }
0x2e5: {  	v36 =	vmov s25;
	s25 =	smov.u32 s26;
	v34 =	vld.idx.msk [tilespmem:v35+s2+$0x0], $0xffff;
	v35 =	vsel vm0, $0x1, v32  }
.Ltmp20:
0x2e6: {  	v36 =	vand.u32 $0x3F, v36;
	v33 =	vadd.s32 v35, v33;
	(pc) =	sbr.rel @p0 .LBB2_42-.Ltmp20, $2  }
0x2e7: {  	v35 =	vadd.s32 v20, v36;
	_ =	sdelay $0x2  }
0x2e8: {  	s26 =	sadd.s32 $0x1, s26;
	s24 =	sadd.s32 $0x200, s24  }
0x2e9: {  	_ =	sdelay $0x2  }
0x2ea: {  	[tilespmem:s24+$0x0] =	vst v34;
	v36 =	vmov s25  }
0x2eb: {  	v35 =	vld.idx.msk [tilespmem:v35+s2+$0x0], $0xffff;
	v36 =	vand.u32 $0x3F, v36  }
0x2ec: {  	v36 =	vadd.s32 v20, v36;
	_ =	sdelay $0x2  }
0x2ed: {  	s29 =	sadd.s32 $0x200, s24  }
0x2ee: {  	[tilespmem:s29+$0x0] =	vst v35  }
0x2ef: {  	v36 =	vld.idx.msk [tilespmem:v36+s2+$0x0], $0xffff;
	_ =	sdelay $0x2  }
0x2f0: {  	vm0 =	vne.s32 v34, $0x0  }
0x2f1: {  	v34 =	vsel vm0, $0x1, v32;
	vm12 =	vne.s32 v35, $0x0  }
0x2f2: {  	v33 =	vadd.s32 v34, v33;
	v57 =	vsel vm12, $0x1, v32;
	vm13 =	vne.s32 v36, $0x0  }
0x2f3: {  	v33 =	vadd.s32 v57, v33;
	v58 =	vsel vm13, $0x1, v32  }
0x2f4: {  	v33 =	vadd.s32 v58, v33  }
0x2f5: {  	v34 =	vcvt.s32.f32 v33;
	_ =	sdelay $0x1  }
0x2f6: {  	v59 =	vadd.f32 $9.999999930e-09, v34;
	_ =	sdelay $0x1  }
0x2f7: {  	(erf) = vrcp.f32 v59;
	_ =	sdelay $0x3  }
0x2f8: {  	s30 =	simm.s32 $0x1  }
0x2f9: {  	v60 =	vmov s30  }
0x2fa: {  	v35 =	vand.u32 $0x3F, v60  }
0x2fb: {  	v35 =	vadd.s32 v21, v35  }
0x2fc: {  	s24 =	sadd.s32 $0x200, s29;
	v34 =	vsub.f32 $5.000000000e+01, v34  }
0x2fd: {  	[tilespmem:s24+$0x0] =	vst v36;
	vm14 =	veq.s32 v33, $0x0;
	v61 =	vpop (erf)  }
0x2fe: {  	s31 =	simm.s32 $0x2;
	v36 =	vld [tilespmem:$0x7150];
	[tilespmem:$0x11740] =	vst v34;
	v33 =	vsel vm14, $0x0, v61  }
0x2ff: {  	v62 =	vmov s31;
	[tilespmem:$0x11540] =	vst v33  }
0x300: {  	v63 =	vand.u32 $0x3F, v62;
	v34 =	vld.idx.msk [tilespmem:v35+s2+$0x0], $0xffff  }
0x301: {  	v35 =	vadd.s32 v21, v63;
	_ =	sdelay $0x1  }
0x302: {  	vm15 =	vne.s32 v36, $0x0  }
0x303: {  	s25 =	simm.s32 $0x3;
	s26 =	simm.s32 $0x4;
	s24 =	simm.s32 $0x7350;
	v33 =	vsel vm15, $0x1, v32  }
.LBB2_44:
0x304: {  	p0 =	sne.s32 s26, $0x31;
	[tilespmem:s24+$0x0] =	vst v34;
	vm0 =	vne.s32 v34, $0x0  }
0x305: {  	v36 =	vmov s25;
	s25 =	smov.u32 s26;
	v34 =	vld.idx.msk [tilespmem:v35+s2+$0x0], $0xffff;
	v35 =	vsel vm0, $0x1, v32  }
.Ltmp21:
0x306: {  	v36 =	vand.u32 $0x3F, v36;
	v33 =	vadd.s32 v35, v33;
	(pc) =	sbr.rel @p0 .LBB2_44-.Ltmp21, $2  }
0x307: {  	v35 =	vadd.s32 v21, v36;
	_ =	sdelay $0x2  }
0x308: {  	s26 =	sadd.s32 $0x1, s26;
	s24 =	sadd.s32 $0x200, s24  }
0x309: {  	_ =	sdelay $0x2  }
0x30a: {  	[tilespmem:s24+$0x0] =	vst v34;
	v36 =	vmov s25  }
0x30b: {  	v35 =	vld.idx.msk [tilespmem:v35+s2+$0x0], $0xffff;
	v36 =	vand.u32 $0x3F, v36  }
0x30c: {  	v36 =	vadd.s32 v21, v36;
	_ =	sdelay $0x2  }
0x30d: {  	s29 =	sadd.s32 $0x200, s24  }
0x30e: {  	[tilespmem:s29+$0x0] =	vst v35  }
0x30f: {  	v36 =	vld.idx.msk [tilespmem:v36+s2+$0x0], $0xffff;
	_ =	sdelay $0x2  }
0x310: {  	vm0 =	vne.s32 v34, $0x0  }
0x311: {  	v34 =	vsel vm0, $0x1, v32;
	vm12 =	vne.s32 v35, $0x0  }
0x312: {  	v33 =	vadd.s32 v34, v33;
	v57 =	vsel vm12, $0x1, v32;
	vm13 =	vne.s32 v36, $0x0  }
0x313: {  	v33 =	vadd.s32 v57, v33;
	v58 =	vsel vm13, $0x1, v32  }
0x314: {  	v33 =	vadd.s32 v58, v33  }
0x315: {  	v34 =	vcvt.s32.f32 v33;
	_ =	sdelay $0x1  }
0x316: {  	v59 =	vadd.f32 $9.999999930e-09, v34;
	_ =	sdelay $0x1  }
0x317: {  	(erf) = vrcp.f32 v59;
	_ =	sdelay $0x3  }
0x318: {  	s30 =	simm.s32 $0x1  }
0x319: {  	v60 =	vmov s30  }
0x31a: {  	v35 =	vand.u32 $0x3F, v60  }
0x31b: {  	v35 =	vadd.s32 v22, v35  }
0x31c: {  	s24 =	sadd.s32 $0x200, s29;
	v34 =	vsub.f32 $5.000000000e+01, v34  }
0x31d: {  	[tilespmem:s24+$0x0] =	vst v36;
	vm14 =	veq.s32 v33, $0x0;
	v61 =	vpop (erf)  }
0x31e: {  	s31 =	simm.s32 $0x2;
	v36 =	vld [tilespmem:$0x7160];
	[tilespmem:$0x11750] =	vst v34;
	v33 =	vsel vm14, $0x0, v61  }
0x31f: {  	v62 =	vmov s31;
	[tilespmem:$0x11550] =	vst v33  }
0x320: {  	v63 =	vand.u32 $0x3F, v62;
	v34 =	vld.idx.msk [tilespmem:v35+s2+$0x0], $0xffff  }
0x321: {  	v35 =	vadd.s32 v22, v63;
	_ =	sdelay $0x1  }
0x322: {  	vm15 =	vne.s32 v36, $0x0  }
0x323: {  	s25 =	simm.s32 $0x3;
	s26 =	simm.s32 $0x4;
	s24 =	simm.s32 $0x7360;
	v33 =	vsel vm15, $0x1, v32  }
.LBB2_46:
0x324: {  	p0 =	sne.s32 s26, $0x31;
	[tilespmem:s24+$0x0] =	vst v34;
	vm0 =	vne.s32 v34, $0x0  }
0x325: {  	v36 =	vmov s25;
	s25 =	smov.u32 s26;
	v34 =	vld.idx.msk [tilespmem:v35+s2+$0x0], $0xffff;
	v35 =	vsel vm0, $0x1, v32  }
.Ltmp22:
0x326: {  	v36 =	vand.u32 $0x3F, v36;
	v33 =	vadd.s32 v35, v33;
	(pc) =	sbr.rel @p0 .LBB2_46-.Ltmp22, $2  }
0x327: {  	v35 =	vadd.s32 v22, v36;
	_ =	sdelay $0x2  }
0x328: {  	s26 =	sadd.s32 $0x1, s26;
	s24 =	sadd.s32 $0x200, s24  }
0x329: {  	_ =	sdelay $0x2  }
0x32a: {  	[tilespmem:s24+$0x0] =	vst v34;
	v36 =	vmov s25  }
0x32b: {  	v35 =	vld.idx.msk [tilespmem:v35+s2+$0x0], $0xffff;
	v36 =	vand.u32 $0x3F, v36  }
0x32c: {  	v36 =	vadd.s32 v22, v36;
	_ =	sdelay $0x2  }
0x32d: {  	s29 =	sadd.s32 $0x200, s24  }
0x32e: {  	[tilespmem:s29+$0x0] =	vst v35  }
0x32f: {  	v36 =	vld.idx.msk [tilespmem:v36+s2+$0x0], $0xffff;
	_ =	sdelay $0x2  }
0x330: {  	vm0 =	vne.s32 v34, $0x0  }
0x331: {  	v34 =	vsel vm0, $0x1, v32;
	vm12 =	vne.s32 v35, $0x0  }
0x332: {  	v33 =	vadd.s32 v34, v33;
	v57 =	vsel vm12, $0x1, v32;
	vm13 =	vne.s32 v36, $0x0  }
0x333: {  	v33 =	vadd.s32 v57, v33;
	v58 =	vsel vm13, $0x1, v32  }
0x334: {  	v33 =	vadd.s32 v58, v33  }
0x335: {  	v34 =	vcvt.s32.f32 v33;
	_ =	sdelay $0x1  }
0x336: {  	v59 =	vadd.f32 $9.999999930e-09, v34;
	_ =	sdelay $0x1  }
0x337: {  	(erf) = vrcp.f32 v59;
	_ =	sdelay $0x3  }
0x338: {  	s30 =	simm.s32 $0x1  }
0x339: {  	v60 =	vmov s30  }
0x33a: {  	v35 =	vand.u32 $0x3F, v60  }
0x33b: {  	v35 =	vadd.s32 v23, v35  }
0x33c: {  	s24 =	sadd.s32 $0x200, s29;
	v34 =	vsub.f32 $5.000000000e+01, v34  }
0x33d: {  	[tilespmem:s24+$0x0] =	vst v36;
	vm14 =	veq.s32 v33, $0x0;
	v61 =	vpop (erf)  }
0x33e: {  	s31 =	simm.s32 $0x2;
	v36 =	vld [tilespmem:$0x7170];
	[tilespmem:$0x11760] =	vst v34;
	v33 =	vsel vm14, $0x0, v61  }
0x33f: {  	v62 =	vmov s31;
	[tilespmem:$0x11560] =	vst v33  }
0x340: {  	v63 =	vand.u32 $0x3F, v62;
	v34 =	vld.idx.msk [tilespmem:v35+s2+$0x0], $0xffff  }
0x341: {  	v35 =	vadd.s32 v23, v63;
	_ =	sdelay $0x1  }
0x342: {  	vm15 =	vne.s32 v36, $0x0  }
0x343: {  	s25 =	simm.s32 $0x3;
	s26 =	simm.s32 $0x4;
	s24 =	simm.s32 $0x7370;
	v33 =	vsel vm15, $0x1, v32  }
.LBB2_48:
0x344: {  	p0 =	sne.s32 s26, $0x31;
	[tilespmem:s24+$0x0] =	vst v34;
	vm0 =	vne.s32 v34, $0x0  }
0x345: {  	v36 =	vmov s25;
	s25 =	smov.u32 s26;
	v34 =	vld.idx.msk [tilespmem:v35+s2+$0x0], $0xffff;
	v35 =	vsel vm0, $0x1, v32  }
.Ltmp23:
0x346: {  	v36 =	vand.u32 $0x3F, v36;
	v33 =	vadd.s32 v35, v33;
	(pc) =	sbr.rel @p0 .LBB2_48-.Ltmp23, $2  }
0x347: {  	v35 =	vadd.s32 v23, v36;
	_ =	sdelay $0x2  }
0x348: {  	s26 =	sadd.s32 $0x1, s26;
	s24 =	sadd.s32 $0x200, s24  }
0x349: {  	_ =	sdelay $0x2  }
0x34a: {  	[tilespmem:s24+$0x0] =	vst v34;
	v36 =	vmov s25  }
0x34b: {  	v35 =	vld.idx.msk [tilespmem:v35+s2+$0x0], $0xffff;
	v36 =	vand.u32 $0x3F, v36  }
0x34c: {  	v36 =	vadd.s32 v23, v36;
	_ =	sdelay $0x2  }
0x34d: {  	s29 =	sadd.s32 $0x200, s24  }
0x34e: {  	[tilespmem:s29+$0x0] =	vst v35  }
0x34f: {  	v36 =	vld.idx.msk [tilespmem:v36+s2+$0x0], $0xffff;
	_ =	sdelay $0x2  }
0x350: {  	vm0 =	vne.s32 v34, $0x0  }
0x351: {  	v34 =	vsel vm0, $0x1, v32;
	vm12 =	vne.s32 v35, $0x0  }
0x352: {  	v33 =	vadd.s32 v34, v33;
	v57 =	vsel vm12, $0x1, v32;
	vm13 =	vne.s32 v36, $0x0  }
0x353: {  	v33 =	vadd.s32 v57, v33;
	v58 =	vsel vm13, $0x1, v32  }
0x354: {  	v33 =	vadd.s32 v58, v33  }
0x355: {  	v34 =	vcvt.s32.f32 v33;
	_ =	sdelay $0x1  }
0x356: {  	v59 =	vadd.f32 $9.999999930e-09, v34;
	_ =	sdelay $0x1  }
0x357: {  	(erf) = vrcp.f32 v59;
	_ =	sdelay $0x3  }
0x358: {  	s30 =	simm.s32 $0x1  }
0x359: {  	v60 =	vmov s30  }
0x35a: {  	v35 =	vand.u32 $0x3F, v60  }
0x35b: {  	v35 =	vadd.s32 v24, v35  }
0x35c: {  	s24 =	sadd.s32 $0x200, s29;
	v34 =	vsub.f32 $5.000000000e+01, v34  }
0x35d: {  	[tilespmem:s24+$0x0] =	vst v36;
	vm14 =	veq.s32 v33, $0x0;
	v61 =	vpop (erf)  }
0x35e: {  	s31 =	simm.s32 $0x2;
	v36 =	vld [tilespmem:$0x7180];
	[tilespmem:$0x11770] =	vst v34;
	v33 =	vsel vm14, $0x0, v61  }
0x35f: {  	v62 =	vmov s31;
	[tilespmem:$0x11570] =	vst v33  }
0x360: {  	v63 =	vand.u32 $0x3F, v62;
	v34 =	vld.idx.msk [tilespmem:v35+s2+$0x0], $0xffff  }
0x361: {  	v35 =	vadd.s32 v24, v63;
	_ =	sdelay $0x1  }
0x362: {  	vm15 =	vne.s32 v36, $0x0  }
0x363: {  	s25 =	simm.s32 $0x3;
	s26 =	simm.s32 $0x4;
	s24 =	simm.s32 $0x7380;
	v33 =	vsel vm15, $0x1, v32  }
.LBB2_50:
0x364: {  	p0 =	sne.s32 s26, $0x31;
	[tilespmem:s24+$0x0] =	vst v34;
	vm0 =	vne.s32 v34, $0x0  }
0x365: {  	v36 =	vmov s25;
	s25 =	smov.u32 s26;
	v34 =	vld.idx.msk [tilespmem:v35+s2+$0x0], $0xffff;
	v35 =	vsel vm0, $0x1, v32  }
.Ltmp24:
0x366: {  	v36 =	vand.u32 $0x3F, v36;
	v33 =	vadd.s32 v35, v33;
	(pc) =	sbr.rel @p0 .LBB2_50-.Ltmp24, $2  }
0x367: {  	v35 =	vadd.s32 v24, v36;
	_ =	sdelay $0x2  }
0x368: {  	s26 =	sadd.s32 $0x1, s26;
	s24 =	sadd.s32 $0x200, s24  }
0x369: {  	_ =	sdelay $0x2  }
0x36a: {  	[tilespmem:s24+$0x0] =	vst v34;
	v36 =	vmov s25  }
0x36b: {  	v35 =	vld.idx.msk [tilespmem:v35+s2+$0x0], $0xffff;
	v36 =	vand.u32 $0x3F, v36  }
0x36c: {  	v36 =	vadd.s32 v24, v36;
	_ =	sdelay $0x2  }
0x36d: {  	s29 =	sadd.s32 $0x200, s24  }
0x36e: {  	[tilespmem:s29+$0x0] =	vst v35  }
0x36f: {  	v36 =	vld.idx.msk [tilespmem:v36+s2+$0x0], $0xffff;
	_ =	sdelay $0x2  }
0x370: {  	vm0 =	vne.s32 v34, $0x0  }
0x371: {  	v34 =	vsel vm0, $0x1, v32;
	vm12 =	vne.s32 v35, $0x0  }
0x372: {  	v33 =	vadd.s32 v34, v33;
	v57 =	vsel vm12, $0x1, v32;
	vm13 =	vne.s32 v36, $0x0  }
0x373: {  	v33 =	vadd.s32 v57, v33;
	v58 =	vsel vm13, $0x1, v32  }
0x374: {  	v33 =	vadd.s32 v58, v33  }
0x375: {  	v34 =	vcvt.s32.f32 v33;
	_ =	sdelay $0x1  }
0x376: {  	v59 =	vadd.f32 $9.999999930e-09, v34;
	_ =	sdelay $0x1  }
0x377: {  	(erf) = vrcp.f32 v59;
	_ =	sdelay $0x3  }
0x378: {  	s30 =	simm.s32 $0x1  }
0x379: {  	v60 =	vmov s30  }
0x37a: {  	v35 =	vand.u32 $0x3F, v60  }
0x37b: {  	v35 =	vadd.s32 v25, v35  }
0x37c: {  	s24 =	sadd.s32 $0x200, s29;
	v34 =	vsub.f32 $5.000000000e+01, v34  }
0x37d: {  	[tilespmem:s24+$0x0] =	vst v36;
	vm14 =	veq.s32 v33, $0x0;
	v61 =	vpop (erf)  }
0x37e: {  	s31 =	simm.s32 $0x2;
	v36 =	vld [tilespmem:$0x7190];
	[tilespmem:$0x11780] =	vst v34;
	v33 =	vsel vm14, $0x0, v61  }
0x37f: {  	v62 =	vmov s31;
	[tilespmem:$0x11580] =	vst v33  }
0x380: {  	v63 =	vand.u32 $0x3F, v62;
	v34 =	vld.idx.msk [tilespmem:v35+s2+$0x0], $0xffff  }
0x381: {  	v35 =	vadd.s32 v25, v63;
	_ =	sdelay $0x1  }
0x382: {  	vm15 =	vne.s32 v36, $0x0  }
0x383: {  	s25 =	simm.s32 $0x3;
	s26 =	simm.s32 $0x4;
	s24 =	simm.s32 $0x7390;
	v33 =	vsel vm15, $0x1, v32  }
.LBB2_52:
0x384: {  	p0 =	sne.s32 s26, $0x31;
	[tilespmem:s24+$0x0] =	vst v34;
	vm0 =	vne.s32 v34, $0x0  }
0x385: {  	v36 =	vmov s25;
	s25 =	smov.u32 s26;
	v34 =	vld.idx.msk [tilespmem:v35+s2+$0x0], $0xffff;
	v35 =	vsel vm0, $0x1, v32  }
.Ltmp25:
0x386: {  	v36 =	vand.u32 $0x3F, v36;
	v33 =	vadd.s32 v35, v33;
	(pc) =	sbr.rel @p0 .LBB2_52-.Ltmp25, $2  }
0x387: {  	v35 =	vadd.s32 v25, v36;
	_ =	sdelay $0x2  }
0x388: {  	s26 =	sadd.s32 $0x1, s26;
	s24 =	sadd.s32 $0x200, s24  }
0x389: {  	_ =	sdelay $0x2  }
0x38a: {  	[tilespmem:s24+$0x0] =	vst v34;
	v36 =	vmov s25  }
0x38b: {  	v35 =	vld.idx.msk [tilespmem:v35+s2+$0x0], $0xffff;
	v36 =	vand.u32 $0x3F, v36  }
0x38c: {  	v36 =	vadd.s32 v25, v36;
	_ =	sdelay $0x2  }
0x38d: {  	s29 =	sadd.s32 $0x200, s24  }
0x38e: {  	[tilespmem:s29+$0x0] =	vst v35  }
0x38f: {  	v36 =	vld.idx.msk [tilespmem:v36+s2+$0x0], $0xffff;
	_ =	sdelay $0x2  }
0x390: {  	vm0 =	vne.s32 v34, $0x0  }
0x391: {  	v34 =	vsel vm0, $0x1, v32;
	vm12 =	vne.s32 v35, $0x0  }
0x392: {  	v33 =	vadd.s32 v34, v33;
	v57 =	vsel vm12, $0x1, v32;
	vm13 =	vne.s32 v36, $0x0  }
0x393: {  	v33 =	vadd.s32 v57, v33;
	v58 =	vsel vm13, $0x1, v32  }
0x394: {  	v33 =	vadd.s32 v58, v33  }
0x395: {  	v34 =	vcvt.s32.f32 v33;
	_ =	sdelay $0x1  }
0x396: {  	v59 =	vadd.f32 $9.999999930e-09, v34;
	_ =	sdelay $0x1  }
0x397: {  	(erf) = vrcp.f32 v59;
	_ =	sdelay $0x3  }
0x398: {  	s30 =	simm.s32 $0x1  }
0x399: {  	v60 =	vmov s30  }
0x39a: {  	v35 =	vand.u32 $0x3F, v60  }
0x39b: {  	v35 =	vadd.s32 v26, v35  }
0x39c: {  	s24 =	sadd.s32 $0x200, s29;
	v34 =	vsub.f32 $5.000000000e+01, v34  }
0x39d: {  	[tilespmem:s24+$0x0] =	vst v36;
	vm14 =	veq.s32 v33, $0x0;
	v61 =	vpop (erf)  }
0x39e: {  	s31 =	simm.s32 $0x2;
	v36 =	vld [tilespmem:$0x71A0];
	[tilespmem:$0x11790] =	vst v34;
	v33 =	vsel vm14, $0x0, v61  }
0x39f: {  	v62 =	vmov s31;
	[tilespmem:$0x11590] =	vst v33  }
0x3a0: {  	v63 =	vand.u32 $0x3F, v62;
	v34 =	vld.idx.msk [tilespmem:v35+s2+$0x0], $0xffff  }
0x3a1: {  	v35 =	vadd.s32 v26, v63;
	_ =	sdelay $0x1  }
0x3a2: {  	vm15 =	vne.s32 v36, $0x0  }
0x3a3: {  	s25 =	simm.s32 $0x3;
	s26 =	simm.s32 $0x4;
	s24 =	simm.s32 $0x73A0;
	v33 =	vsel vm15, $0x1, v32  }
.LBB2_54:
0x3a4: {  	p0 =	sne.s32 s26, $0x31;
	[tilespmem:s24+$0x0] =	vst v34;
	vm0 =	vne.s32 v34, $0x0  }
0x3a5: {  	v36 =	vmov s25;
	s25 =	smov.u32 s26;
	v34 =	vld.idx.msk [tilespmem:v35+s2+$0x0], $0xffff;
	v35 =	vsel vm0, $0x1, v32  }
.Ltmp26:
0x3a6: {  	v36 =	vand.u32 $0x3F, v36;
	v33 =	vadd.s32 v35, v33;
	(pc) =	sbr.rel @p0 .LBB2_54-.Ltmp26, $2  }
0x3a7: {  	v35 =	vadd.s32 v26, v36;
	_ =	sdelay $0x2  }
0x3a8: {  	s26 =	sadd.s32 $0x1, s26;
	s24 =	sadd.s32 $0x200, s24  }
0x3a9: {  	_ =	sdelay $0x2  }
0x3aa: {  	[tilespmem:s24+$0x0] =	vst v34;
	v36 =	vmov s25  }
0x3ab: {  	v35 =	vld.idx.msk [tilespmem:v35+s2+$0x0], $0xffff;
	v36 =	vand.u32 $0x3F, v36  }
0x3ac: {  	v36 =	vadd.s32 v26, v36;
	_ =	sdelay $0x2  }
0x3ad: {  	s29 =	sadd.s32 $0x200, s24  }
0x3ae: {  	[tilespmem:s29+$0x0] =	vst v35  }
0x3af: {  	v36 =	vld.idx.msk [tilespmem:v36+s2+$0x0], $0xffff;
	_ =	sdelay $0x2  }
0x3b0: {  	vm0 =	vne.s32 v34, $0x0  }
0x3b1: {  	v34 =	vsel vm0, $0x1, v32;
	vm12 =	vne.s32 v35, $0x0  }
0x3b2: {  	v33 =	vadd.s32 v34, v33;
	v57 =	vsel vm12, $0x1, v32;
	vm13 =	vne.s32 v36, $0x0  }
0x3b3: {  	v33 =	vadd.s32 v57, v33;
	v58 =	vsel vm13, $0x1, v32  }
0x3b4: {  	v33 =	vadd.s32 v58, v33  }
0x3b5: {  	v34 =	vcvt.s32.f32 v33;
	_ =	sdelay $0x1  }
0x3b6: {  	v59 =	vadd.f32 $9.999999930e-09, v34;
	_ =	sdelay $0x1  }
0x3b7: {  	(erf) = vrcp.f32 v59;
	_ =	sdelay $0x3  }
0x3b8: {  	s30 =	simm.s32 $0x1  }
0x3b9: {  	v60 =	vmov s30  }
0x3ba: {  	v35 =	vand.u32 $0x3F, v60  }
0x3bb: {  	v35 =	vadd.s32 v27, v35  }
0x3bc: {  	s24 =	sadd.s32 $0x200, s29;
	v34 =	vsub.f32 $5.000000000e+01, v34  }
0x3bd: {  	[tilespmem:s24+$0x0] =	vst v36;
	vm14 =	veq.s32 v33, $0x0;
	v61 =	vpop (erf)  }
0x3be: {  	s31 =	simm.s32 $0x2;
	v36 =	vld [tilespmem:$0x71B0];
	[tilespmem:$0x117A0] =	vst v34;
	v33 =	vsel vm14, $0x0, v61  }
0x3bf: {  	v62 =	vmov s31;
	[tilespmem:$0x115A0] =	vst v33  }
0x3c0: {  	v63 =	vand.u32 $0x3F, v62;
	v34 =	vld.idx.msk [tilespmem:v35+s2+$0x0], $0xffff  }
0x3c1: {  	v35 =	vadd.s32 v27, v63;
	_ =	sdelay $0x1  }
0x3c2: {  	vm15 =	vne.s32 v36, $0x0  }
0x3c3: {  	s25 =	simm.s32 $0x3;
	s26 =	simm.s32 $0x4;
	s24 =	simm.s32 $0x73B0;
	v33 =	vsel vm15, $0x1, v32  }
.LBB2_56:
0x3c4: {  	p0 =	sne.s32 s26, $0x31;
	[tilespmem:s24+$0x0] =	vst v34;
	vm0 =	vne.s32 v34, $0x0  }
0x3c5: {  	v36 =	vmov s25;
	s25 =	smov.u32 s26;
	v34 =	vld.idx.msk [tilespmem:v35+s2+$0x0], $0xffff;
	v35 =	vsel vm0, $0x1, v32  }
.Ltmp27:
0x3c6: {  	v36 =	vand.u32 $0x3F, v36;
	v33 =	vadd.s32 v35, v33;
	(pc) =	sbr.rel @p0 .LBB2_56-.Ltmp27, $2  }
0x3c7: {  	v35 =	vadd.s32 v27, v36;
	_ =	sdelay $0x2  }
0x3c8: {  	s26 =	sadd.s32 $0x1, s26;
	s24 =	sadd.s32 $0x200, s24  }
0x3c9: {  	_ =	sdelay $0x2  }
0x3ca: {  	[tilespmem:s24+$0x0] =	vst v34;
	v36 =	vmov s25  }
0x3cb: {  	v35 =	vld.idx.msk [tilespmem:v35+s2+$0x0], $0xffff;
	v36 =	vand.u32 $0x3F, v36  }
0x3cc: {  	v36 =	vadd.s32 v27, v36;
	_ =	sdelay $0x2  }
0x3cd: {  	s29 =	sadd.s32 $0x200, s24  }
0x3ce: {  	[tilespmem:s29+$0x0] =	vst v35  }
0x3cf: {  	v36 =	vld.idx.msk [tilespmem:v36+s2+$0x0], $0xffff;
	_ =	sdelay $0x2  }
0x3d0: {  	vm0 =	vne.s32 v34, $0x0  }
0x3d1: {  	v34 =	vsel vm0, $0x1, v32;
	vm12 =	vne.s32 v35, $0x0  }
0x3d2: {  	v33 =	vadd.s32 v34, v33;
	v57 =	vsel vm12, $0x1, v32;
	vm13 =	vne.s32 v36, $0x0  }
0x3d3: {  	v33 =	vadd.s32 v57, v33;
	v58 =	vsel vm13, $0x1, v32  }
0x3d4: {  	v33 =	vadd.s32 v58, v33  }
0x3d5: {  	v34 =	vcvt.s32.f32 v33;
	_ =	sdelay $0x1  }
0x3d6: {  	v59 =	vadd.f32 $9.999999930e-09, v34;
	_ =	sdelay $0x1  }
0x3d7: {  	(erf) = vrcp.f32 v59;
	_ =	sdelay $0x3  }
0x3d8: {  	s30 =	simm.s32 $0x1  }
0x3d9: {  	v60 =	vmov s30  }
0x3da: {  	v35 =	vand.u32 $0x3F, v60  }
0x3db: {  	v35 =	vadd.s32 v28, v35  }
0x3dc: {  	s24 =	sadd.s32 $0x200, s29;
	v34 =	vsub.f32 $5.000000000e+01, v34  }
0x3dd: {  	[tilespmem:s24+$0x0] =	vst v36;
	vm14 =	veq.s32 v33, $0x0;
	v61 =	vpop (erf)  }
0x3de: {  	s31 =	simm.s32 $0x2;
	v36 =	vld [tilespmem:$0x71C0];
	[tilespmem:$0x117B0] =	vst v34;
	v33 =	vsel vm14, $0x0, v61  }
0x3df: {  	v62 =	vmov s31;
	[tilespmem:$0x115B0] =	vst v33  }
0x3e0: {  	v63 =	vand.u32 $0x3F, v62;
	v34 =	vld.idx.msk [tilespmem:v35+s2+$0x0], $0xffff  }
0x3e1: {  	v35 =	vadd.s32 v28, v63;
	_ =	sdelay $0x1  }
0x3e2: {  	vm15 =	vne.s32 v36, $0x0  }
0x3e3: {  	s25 =	simm.s32 $0x3;
	s26 =	simm.s32 $0x4;
	s24 =	simm.s32 $0x73C0;
	v33 =	vsel vm15, $0x1, v32  }
.LBB2_58:
0x3e4: {  	p0 =	sne.s32 s26, $0x31;
	[tilespmem:s24+$0x0] =	vst v34;
	vm0 =	vne.s32 v34, $0x0  }
0x3e5: {  	v36 =	vmov s25;
	s25 =	smov.u32 s26;
	v34 =	vld.idx.msk [tilespmem:v35+s2+$0x0], $0xffff;
	v35 =	vsel vm0, $0x1, v32  }
.Ltmp28:
0x3e6: {  	v36 =	vand.u32 $0x3F, v36;
	v33 =	vadd.s32 v35, v33;
	(pc) =	sbr.rel @p0 .LBB2_58-.Ltmp28, $2  }
0x3e7: {  	v35 =	vadd.s32 v28, v36;
	_ =	sdelay $0x2  }
0x3e8: {  	s26 =	sadd.s32 $0x1, s26;
	s24 =	sadd.s32 $0x200, s24  }
0x3e9: {  	_ =	sdelay $0x2  }
0x3ea: {  	[tilespmem:s24+$0x0] =	vst v34;
	v36 =	vmov s25  }
0x3eb: {  	v35 =	vld.idx.msk [tilespmem:v35+s2+$0x0], $0xffff;
	v36 =	vand.u32 $0x3F, v36  }
0x3ec: {  	v36 =	vadd.s32 v28, v36;
	_ =	sdelay $0x2  }
0x3ed: {  	s29 =	sadd.s32 $0x200, s24  }
0x3ee: {  	[tilespmem:s29+$0x0] =	vst v35  }
0x3ef: {  	v36 =	vld.idx.msk [tilespmem:v36+s2+$0x0], $0xffff;
	_ =	sdelay $0x2  }
0x3f0: {  	vm0 =	vne.s32 v34, $0x0  }
0x3f1: {  	v34 =	vsel vm0, $0x1, v32;
	vm12 =	vne.s32 v35, $0x0  }
0x3f2: {  	v33 =	vadd.s32 v34, v33;
	v57 =	vsel vm12, $0x1, v32;
	vm13 =	vne.s32 v36, $0x0  }
0x3f3: {  	v33 =	vadd.s32 v57, v33;
	v58 =	vsel vm13, $0x1, v32  }
0x3f4: {  	v33 =	vadd.s32 v58, v33  }
0x3f5: {  	v34 =	vcvt.s32.f32 v33;
	_ =	sdelay $0x1  }
0x3f6: {  	v59 =	vadd.f32 $9.999999930e-09, v34;
	_ =	sdelay $0x1  }
0x3f7: {  	(erf) = vrcp.f32 v59;
	_ =	sdelay $0x3  }
0x3f8: {  	s30 =	simm.s32 $0x1  }
0x3f9: {  	v60 =	vmov s30  }
0x3fa: {  	v35 =	vand.u32 $0x3F, v60  }
0x3fb: {  	v35 =	vadd.s32 v29, v35  }
0x3fc: {  	s24 =	sadd.s32 $0x200, s29;
	v34 =	vsub.f32 $5.000000000e+01, v34  }
0x3fd: {  	[tilespmem:s24+$0x0] =	vst v36;
	vm14 =	veq.s32 v33, $0x0;
	v61 =	vpop (erf)  }
0x3fe: {  	s31 =	simm.s32 $0x2;
	v36 =	vld [tilespmem:$0x71D0];
	[tilespmem:$0x117C0] =	vst v34;
	v33 =	vsel vm14, $0x0, v61  }
0x3ff: {  	v62 =	vmov s31;
	[tilespmem:$0x115C0] =	vst v33  }
0x400: {  	v63 =	vand.u32 $0x3F, v62;
	v34 =	vld.idx.msk [tilespmem:v35+s2+$0x0], $0xffff  }
0x401: {  	v35 =	vadd.s32 v29, v63;
	_ =	sdelay $0x1  }
0x402: {  	vm15 =	vne.s32 v36, $0x0  }
0x403: {  	s25 =	simm.s32 $0x3;
	s26 =	simm.s32 $0x4;
	s24 =	simm.s32 $0x73D0;
	v33 =	vsel vm15, $0x1, v32  }
.LBB2_60:
0x404: {  	p0 =	sne.s32 s26, $0x31;
	[tilespmem:s24+$0x0] =	vst v34;
	vm0 =	vne.s32 v34, $0x0  }
0x405: {  	v36 =	vmov s25;
	s25 =	smov.u32 s26;
	v34 =	vld.idx.msk [tilespmem:v35+s2+$0x0], $0xffff;
	v35 =	vsel vm0, $0x1, v32  }
.Ltmp29:
0x406: {  	v36 =	vand.u32 $0x3F, v36;
	v33 =	vadd.s32 v35, v33;
	(pc) =	sbr.rel @p0 .LBB2_60-.Ltmp29, $2  }
0x407: {  	v35 =	vadd.s32 v29, v36;
	_ =	sdelay $0x2  }
0x408: {  	s26 =	sadd.s32 $0x1, s26;
	s24 =	sadd.s32 $0x200, s24  }
0x409: {  	_ =	sdelay $0x2  }
0x40a: {  	[tilespmem:s24+$0x0] =	vst v34;
	v36 =	vmov s25  }
0x40b: {  	v35 =	vld.idx.msk [tilespmem:v35+s2+$0x0], $0xffff;
	v36 =	vand.u32 $0x3F, v36  }
0x40c: {  	v36 =	vadd.s32 v29, v36;
	_ =	sdelay $0x2  }
0x40d: {  	s29 =	sadd.s32 $0x200, s24  }
0x40e: {  	[tilespmem:s29+$0x0] =	vst v35  }
0x40f: {  	v36 =	vld.idx.msk [tilespmem:v36+s2+$0x0], $0xffff;
	_ =	sdelay $0x2  }
0x410: {  	vm0 =	vne.s32 v34, $0x0  }
0x411: {  	v34 =	vsel vm0, $0x1, v32;
	vm12 =	vne.s32 v35, $0x0  }
0x412: {  	v33 =	vadd.s32 v34, v33;
	v57 =	vsel vm12, $0x1, v32;
	vm13 =	vne.s32 v36, $0x0  }
0x413: {  	v33 =	vadd.s32 v57, v33;
	v58 =	vsel vm13, $0x1, v32  }
0x414: {  	v33 =	vadd.s32 v58, v33  }
0x415: {  	v34 =	vcvt.s32.f32 v33;
	_ =	sdelay $0x1  }
0x416: {  	v59 =	vadd.f32 $9.999999930e-09, v34;
	_ =	sdelay $0x1  }
0x417: {  	(erf) = vrcp.f32 v59;
	_ =	sdelay $0x3  }
0x418: {  	s30 =	simm.s32 $0x1  }
0x419: {  	v60 =	vmov s30  }
0x41a: {  	v35 =	vand.u32 $0x3F, v60  }
0x41b: {  	v35 =	vadd.s32 v30, v35  }
0x41c: {  	s24 =	sadd.s32 $0x200, s29;
	v34 =	vsub.f32 $5.000000000e+01, v34  }
0x41d: {  	[tilespmem:s24+$0x0] =	vst v36;
	vm14 =	veq.s32 v33, $0x0;
	v61 =	vpop (erf)  }
0x41e: {  	s31 =	simm.s32 $0x2;
	v36 =	vld [tilespmem:$0x71E0];
	[tilespmem:$0x117D0] =	vst v34;
	v33 =	vsel vm14, $0x0, v61  }
0x41f: {  	v62 =	vmov s31;
	[tilespmem:$0x115D0] =	vst v33  }
0x420: {  	v63 =	vand.u32 $0x3F, v62;
	v34 =	vld.idx.msk [tilespmem:v35+s2+$0x0], $0xffff  }
0x421: {  	v35 =	vadd.s32 v30, v63;
	_ =	sdelay $0x1  }
0x422: {  	vm15 =	vne.s32 v36, $0x0  }
0x423: {  	s25 =	simm.s32 $0x3;
	s26 =	simm.s32 $0x4;
	s24 =	simm.s32 $0x73E0;
	v33 =	vsel vm15, $0x1, v32  }
.LBB2_62:
0x424: {  	p0 =	sne.s32 s26, $0x31;
	[tilespmem:s24+$0x0] =	vst v34;
	vm0 =	vne.s32 v34, $0x0  }
0x425: {  	v36 =	vmov s25;
	s25 =	smov.u32 s26;
	v34 =	vld.idx.msk [tilespmem:v35+s2+$0x0], $0xffff;
	v35 =	vsel vm0, $0x1, v32  }
.Ltmp30:
0x426: {  	v36 =	vand.u32 $0x3F, v36;
	v33 =	vadd.s32 v35, v33;
	(pc) =	sbr.rel @p0 .LBB2_62-.Ltmp30, $2  }
0x427: {  	v35 =	vadd.s32 v30, v36;
	_ =	sdelay $0x2  }
0x428: {  	s26 =	sadd.s32 $0x1, s26;
	s24 =	sadd.s32 $0x200, s24  }
0x429: {  	_ =	sdelay $0x2  }
0x42a: {  	[tilespmem:s24+$0x0] =	vst v34;
	v36 =	vmov s25  }
0x42b: {  	v35 =	vld.idx.msk [tilespmem:v35+s2+$0x0], $0xffff;
	v36 =	vand.u32 $0x3F, v36  }
0x42c: {  	v36 =	vadd.s32 v30, v36;
	_ =	sdelay $0x2  }
0x42d: {  	s29 =	sadd.s32 $0x200, s24  }
0x42e: {  	[tilespmem:s29+$0x0] =	vst v35  }
0x42f: {  	v36 =	vld.idx.msk [tilespmem:v36+s2+$0x0], $0xffff;
	_ =	sdelay $0x2  }
0x430: {  	vm0 =	vne.s32 v34, $0x0  }
0x431: {  	v34 =	vsel vm0, $0x1, v32;
	vm12 =	vne.s32 v35, $0x0  }
0x432: {  	v33 =	vadd.s32 v34, v33;
	v57 =	vsel vm12, $0x1, v32;
	vm13 =	vne.s32 v36, $0x0  }
0x433: {  	v33 =	vadd.s32 v57, v33;
	v58 =	vsel vm13, $0x1, v32  }
0x434: {  	v33 =	vadd.s32 v58, v33  }
0x435: {  	v34 =	vcvt.s32.f32 v33;
	_ =	sdelay $0x1  }
0x436: {  	v59 =	vadd.f32 $9.999999930e-09, v34;
	_ =	sdelay $0x1  }
0x437: {  	(erf) = vrcp.f32 v59;
	_ =	sdelay $0x3  }
0x438: {  	s30 =	simm.s32 $0x1  }
0x439: {  	v60 =	vmov s30  }
0x43a: {  	v35 =	vand.u32 $0x3F, v60  }
0x43b: {  	v35 =	vadd.s32 v31, v35  }
0x43c: {  	s24 =	sadd.s32 $0x200, s29;
	v34 =	vsub.f32 $5.000000000e+01, v34  }
0x43d: {  	[tilespmem:s24+$0x0] =	vst v36;
	vm14 =	veq.s32 v33, $0x0;
	v61 =	vpop (erf)  }
0x43e: {  	s31 =	simm.s32 $0x2;
	v36 =	vld [tilespmem:$0x71F0];
	[tilespmem:$0x117E0] =	vst v34;
	v33 =	vsel vm14, $0x0, v61  }
0x43f: {  	v62 =	vmov s31;
	[tilespmem:$0x115E0] =	vst v33  }
0x440: {  	v63 =	vand.u32 $0x3F, v62;
	v34 =	vld.idx.msk [tilespmem:v35+s2+$0x0], $0xffff  }
0x441: {  	v35 =	vadd.s32 v31, v63;
	_ =	sdelay $0x1  }
0x442: {  	vm15 =	vne.s32 v36, $0x0  }
0x443: {  	s25 =	simm.s32 $0x3;
	s26 =	simm.s32 $0x4;
	s24 =	simm.s32 $0x73F0;
	v33 =	vsel vm15, $0x1, v32  }
.LBB2_64:
0x444: {  	p0 =	sne.s32 s26, $0x31;
	[tilespmem:s24+$0x0] =	vst v34;
	vm0 =	vne.s32 v34, $0x0  }
0x445: {  	v36 =	vmov s25;
	s25 =	smov.u32 s26;
	v34 =	vld.idx.msk [tilespmem:v35+s2+$0x0], $0xffff;
	v35 =	vsel vm0, $0x1, v32  }
.Ltmp31:
0x446: {  	v36 =	vand.u32 $0x3F, v36;
	v33 =	vadd.s32 v35, v33;
	(pc) =	sbr.rel @p0 .LBB2_64-.Ltmp31, $2  }
0x447: {  	v35 =	vadd.s32 v31, v36;
	_ =	sdelay $0x2  }
0x448: {  	s26 =	sadd.s32 $0x1, s26;
	s24 =	sadd.s32 $0x200, s24  }
0x449: {  	_ =	sdelay $0x2  }
0x44a: {  	[tilespmem:s24+$0x0] =	vst v34;
	v36 =	vmov s25  }
0x44b: {  	v35 =	vld.idx.msk [tilespmem:v35+s2+$0x0], $0xffff;
	v36 =	vand.u32 $0x3F, v36  }
0x44c: {  	v36 =	vadd.s32 v31, v36;
	_ =	sdelay $0x2  }
0x44d: {  	s28 =	sadd.s32 $0x200, s24  }
0x44e: {  	[tilespmem:s28+$0x0] =	vst v35  }
0x44f: {  	v36 =	vld.idx.msk [tilespmem:v36+s2+$0x0], $0xffff;
	_ =	sdelay $0x2  }
0x450: {  	vm0 =	vne.s32 v34, $0x0  }
0x451: {  	v34 =	vsel vm0, $0x1, v32;
	vm13 =	vne.s32 v35, $0x0  }
0x452: {  	v33 =	vadd.s32 v34, v33;
	v60 =	vsel vm13, $0x1, v32;
	vm14 =	vne.s32 v36, $0x0  }
0x453: {  	v33 =	vadd.s32 v60, v33;
	v61 =	vsel vm14, $0x1, v32  }
0x454: {  	v33 =	vadd.s32 v61, v33  }
0x455: {  	v34 =	vcvt.s32.f32 v33;
	_ =	sdelay $0x1  }
0x456: {  	v62 =	vadd.f32 $9.999999930e-09, v34;
	_ =	sdelay $0x1  }
0x457: {  	(erf) = vrcp.f32 v62;
	_ =	sdelay $0x7  }
0x458: {  	s24 =	sadd.s32 $0x200, s28;
	v34 =	vsub.f32 $5.000000000e+01, v34  }
0x459: {  	[tilespmem:s24+$0x0] =	vst v36;
	vm15 =	veq.s32 v33, $0x0;
	v63 =	vpop (erf)  }
0x45a: {  	[tilespmem:$0x117F0] =	vst v34;
	v33 =	vsel vm15, $0x0, v63  }
0x45b: {  	[tilespmem:$0x115F0] =	vst v33  }
0x45c: {  	_ =	swait.ge [sflag:s19], $0x1000  }
0x45d: {  	[sflag:s19] =	ssyncset.done $0x0  }
0x45e: {  	[sflag:s19] =	ssyncadd.s32 $0xFFFFF000  }
0x45f: {  	_ =	swait.ge [sflag:s19], $0x1000  }
0x460: {  	[sflag:s19] =	ssyncset.done $0x0  }
0x461: {  	[sflag:s19] =	ssyncadd.s32 $0xFFFFF000  }
0x462: {  	_ =	swait.ge [sflag:s19], $0x1000  }
0x463: {  	[sflag:s19] =	ssyncset.done $0x0  }
0x464: {  	[sflag:s19] =	ssyncadd.s32 $0xFFFFF000  }
0x465: {  	_ =	swait.ge [sflag:s19], $0x1000  }
0x466: {  	[sflag:s19] =	ssyncset.done $0x0  }
0x467: {  	s29 =	simm.s32 $0x7200;
	[sflag:s19] =	ssyncadd.s32 $0xFFFFF000  }
0x468: {  	[tilespmem:s12], [sflag:$0x1] =	stream.indirect.gather.add.f32 [hbm:s3], $0x20, s29, s10, $0xb8;
	[tilespmem:$0x11820] =	vst v63  }
0x469: {  	s30 =	simm.s32 $0x7280;
	s31 =	simm.s32 $0x7300  }
0x46a: {  	[tilespmem:s14], [sflag:$0x1] =	stream.indirect.gather.add.f32 [hbm:s3], $0x20, s30, s10, $0xb8;
	[tilespmem:$0x11820] =	vst v63  }
0x46b: {  	s25 =	simm.s32 $0xFFFE8800;
	s26 =	simm.s32 $0x7380;
	s24 =	simm.s32 $0xFFFFA000  }
0x46c: {  	[tilespmem:s16], [sflag:$0x1] =	stream.indirect.gather.add.f32 [hbm:s3], $0x20, s31, s10, $0xb8;
	[tilespmem:$0x11820] =	vst v63  }
.LBB2_66:
0x46d: {  	[tilespmem:s18], [sflag:$0x1] =	stream.indirect.gather.add.f32 [hbm:s3], $0x20, s26, s10, $0xb8;
	[tilespmem:$0x11820] =	vst v63  }
0x46e: {  	s26 =	smov.u32 s25;
	s29 =	sadd.s32 $0x800, s25  }
0x46f: {  	p0 =	sne.s32 s25, $0xFFFFF800;
	s28 =	sshra.s32 s26, $0x2;
	s26 =	sadd.s32 $0xD400, s24  }
0x470: {  	[tilespmem:s12], [sflag:$0x1] =	stream.indirect.gather.add.f32 [hbm:s3], $0x20, s26, s10, $0xb8;
	[tilespmem:$0x11820] =	vst v63  }
.Ltmp32:
0x471: {  	s25 =	sadd.s32 $0xD480, s24;
	(pc) =	sbr.rel @p0 .LBB2_66-.Ltmp32, $4  }
0x472: {  	[tilespmem:s14], [sflag:$0x1] =	stream.indirect.gather.add.f32 [hbm:s3], $0x20, s25, s10, $0xb8;
	[tilespmem:$0x11820] =	vst v63  }
0x473: {  	s25 =	sadd.s32 $0xD500, s24  }
0x474: {  	[tilespmem:s16], [sflag:$0x1] =	stream.indirect.gather.add.f32 [hbm:s3], $0x20, s25, s10, $0xb8;
	[tilespmem:$0x11820] =	vst v63  }
0x475: {  	s26 =	sadd.s32 $0xD580, s24;
	s24 =	smov.u32 s28;
	s25 =	smov.u32 s29  }
0x476: {  	[tilespmem:s18], [sflag:$0x1] =	stream.indirect.gather.add.f32 [hbm:s3], $0x20, s26, s10, $0xb8;
	[tilespmem:$0x11820] =	vst v63  }
0x477: {  	s25 =	sadd.s32 $0xD400, s24  }
0x478: {  	[tilespmem:s12], [sflag:$0x1] =	stream.indirect.gather.add.f32 [hbm:s3], $0x20, s25, s10, $0xb8;
	[tilespmem:$0x11820] =	vst v63  }
0x479: {  	s29 =	sadd.s32 $0xD480, s24  }
0x47a: {  	[tilespmem:s14], [sflag:$0x1] =	stream.indirect.gather.add.f32 [hbm:s3], $0x20, s29, s10, $0xb8;
	[tilespmem:$0x11820] =	vst v63  }
0x47b: {  	s30 =	sadd.s32 $0xD500, s24  }
0x47c: {  	[tilespmem:s16], [sflag:$0x1] =	stream.indirect.gather.add.f32 [hbm:s3], $0x20, s30, s10, $0xb8;
	[tilespmem:$0x11820] =	vst v63  }
0x47d: {  	s31 =	sadd.s32 $0xD580, s24  }
0x47e: {  	[tilespmem:s18], [sflag:$0x1] =	stream.indirect.gather.add.f32 [hbm:s3], $0x20, s31, s10, $0xb8;
	[tilespmem:$0x11820] =	vst v63  }
0x47f: {  	_ =	swait.ge [sflag:s19], $0x1000  }
0x480: {  	s24 =	simm.s32 $0xC3;
	[sflag:s19] =	ssyncset.done $0x0  }
.LBB2_68:
0x481: {  	p0 =	sne.s32 s24, $0x1;
	s24 =	sadd.s32 $0xFFFFFFFF, s24;
	[sflag:s19] =	ssyncadd.s32 $0xFFFFF000  }
.Ltmp33:
0x482: {  	(pc) =	sbr.rel @p0 .LBB2_68-.Ltmp33, $3  }
0x483: {  	_ =	sdelay $0x1  }
0x484: {  	_ =	swait.ge [sflag:s19], $0x1000  }
0x485: {  	[sflag:s19] =	ssyncset.done $0x0  }
0x486: {  	s24 =	simm.s32 $0x0  }
0x487: {  	v35 =	vmov s24;
	_ =	sdelay $0x1  }
0x488: {  	[sflag:s19] =	ssyncadd.s32 $0xFFFFF000  }
0x489: {  	v33 =	vld [tilespmem:$0x11800]  }
0x48a: {  	v34 =	vld [tilespmem:$0x11810]  }
0x48b: {  	v36 =	vld.idx.msk [tilespmem:v35+s20+$0x0], $0xffff  }
0x48c: {  	s24 =	simm.s32 $0xD410  }
0x48d: {  	v37 =	vld [tilespmem:s24+$0xFFFFFFF0]  }
0x48e: {  	v38 =	vld [tilespmem:s24+$0x0];
	_ =	sdelay $0x1  }
0x48f: {  	v39 =	vmul.f32 v36, v33;
	v40 =	vmul.f32 v36, v34;
	v36 =	vld.idx.msk [tilespmem:v35+s21+$0x0], $0xffff;
	_ =	sdelay $0x2  }
0x490: {  	s25 =	simm.s32 $0x1;
	v37 =	vsub.f32 v37, v39;
	v38 =	vsub.f32 v38, v40  }
0x491: {  	v35 =	vmov s25;
	s25 =	simm.s32 $0x2  }
.LBB2_70:
0x492: {  	p0 =	sne.s32 s25, $0x1FF;
	v37 =	vmul.f32 v37, v36;
	v36 =	vmul.f32 v38, v36;
	_ =	sdelay $0x1  }
0x493: {  	[tilespmem:s24+$0x0] =	vst v36  }
0x494: {  	[tilespmem:s24+$0xFFFFFFF0] =	vst v37  }
0x495: {  	v37 =	vld.idx.msk [tilespmem:v35+s20+$0x0], $0xffff  }
0x496: {  	s24 =	sadd.s32 $0x20, s24  }
0x497: {  	v38 =	vld [tilespmem:s24+$0xFFFFFFF0]  }
0x498: {  	v39 =	vld [tilespmem:s24+$0x0]  }
0x499: {  	v36 =	vld.idx.msk [tilespmem:v35+s21+$0x0], $0xffff  }
.Ltmp34:
0x49a: {  	(pc) =	sbr.rel @p0 .LBB2_70-.Ltmp34, $3  }
0x49b: {  	v35 =	vmul.f32 v37, v33;
	v40 =	vmul.f32 v37, v34;
	_ =	sdelay $0x1  }
0x49c: {  	v37 =	vsub.f32 v38, v35;
	v38 =	vsub.f32 v39, v40  }
0x49d: {  	v35 =	vmov s25;
	s25 =	sadd.s32 $0x1, s25  }
0x49e: {  	v38 =	vmul.f32 v38, v36  }
0x49f: {  	v61 =	vmul.f32 v37, v36  }
0x4a0: {  	[tilespmem:s24+$0x0] =	vst v38  }
0x4a1: {  	[tilespmem:s24+$0xFFFFFFF0] =	vst v61  }
0x4a2: {  	v36 =	vld.idx.msk [tilespmem:v35+s20+$0x0], $0xffff  }
0x4a3: {  	s31 =	sadd.s32 $0x20, s24  }
0x4a4: {  	v62 =	vld [tilespmem:s31+$0x0]  }
0x4a5: {  	v38 =	vld [tilespmem:s31+$0xFFFFFFF0]  }
0x4a6: {  	v63 =	vld.idx.msk [tilespmem:v35+s21+$0x0], $0xffff  }
0x4a7: {  	v34 =	vmul.f32 v36, v34  }
0x4a8: {  	v33 =	vmul.f32 v36, v33  }
0x4a9: {  	v34 =	vsub.f32 v62, v34  }
0x4aa: {  	v33 =	vsub.f32 v38, v33  }
0x4ab: {  	v34 =	vmul.f32 v34, v63  }
0x4ac: {  	s23 =	sadd.s32 $0x1, s23;
	v33 =	vmul.f32 v33, v63  }
0x4ad: {  	p0 =	sne.s32 s23, s6;
	[tilespmem:s31+$0x0] =	vst v34  }
.Ltmp35:
0x4ae: {  	[tilespmem:s31+$0xFFFFFFF0] =	vst v33;
	(pc) =	sbr.rel @p0 .LBB2_1-.Ltmp35, $4  }
0x4af: {  	[hbm4b:s5+s22] =	stream.strided.scatter [tilespmem:s12], [sflag:$0x2], $0x4000, s10, s22, $0x38;
	[tilespmem:$0x11820] =	vst v63  }
0x4b0: {  	_ =	swait.ge [sflag:s8], $0x4000  }
0x4b1: {  	[sflag:s8] =	ssyncset.done $0x0  }
0x4b2: {  	[sflag:s8] =	ssyncadd.s32 $0xFFFFC000  }
0x4b3: {  	_ =	sfence.sel $0x180000  }
0x4b4: {  	[bflag:$0x0] =	sbarrier.arrive $0xFFFF  }
0x4b5: {  	p0 =	sne.s32 s1, $0x0;
	_ =	strace $0x90000047  }
0x4b6: {  	s0 =	sadd.s32 @!p0 $0x100000, s0;
	[bflag:$0x2] =	sbarrier.arrive $0xFFFF  }
0x4b7: {  	[sflag:s0] =	ssyncadd.tile.s32 @!p0 $0x1;
	_ =	shalt  }
.Lfunc_end2:
_tile_overlayer_lowered:
.L_overlay_start_2:
0x4b8: {  	(tag) =	ssettag $0x2  }
0x4b9: {  	s0 =	rddreg [dreg:$0x0];
	s2 =	stileid.u32  }
0x4ba: {  	s1 =	rddreg [dreg:$0x1];
	p0 =	sne.s32 s2, $0x0  }
0x4bb: {  	s3 =	rddreg [dreg:$0x2];
	[bflag:$0x3] =	sbarrier.arrive $0xFFFF;
	s2 =	simm.s32 @!p0 $0x1C02  }
0x4bc: {  	[timem:s3], [sflag:s2] =	dma.local @!p0 [hbm:s0], s1  }
0x4bd: {  	s0 =	simm.s32 @!p0 $0x2  }
0x4be: {  	_ =	swait.ge @!p0 [sflag:s0], s1  }
0x4bf: {  	s1 =	ssub.s32 @!p0 $0x0, s1;
	[sflag:s0] =	ssyncset.done @!p0 $0x0  }
0x4c0: {  	[sflag:s0] =	ssyncadd.s32 @!p0 s1  }
0x4c1: {  	[bflag:$0x3] =	sbarrier.arrive $0xFFFF  }
0x4c2: {  	_ =	shalt  }

</sc_bundles>
